<compile_context>
chip_gen: v7x
topology: tpu7x:2x2x1
jax: 0.10.2.dev20260603
libtpu: 0.0.44.dev20260713+nightly
codegen_flags: <defaults>
</compile_context>

<pallas_src>
import functools

import jax
import jax.numpy as jnp
from jax import lax
from jax.experimental import pallas as pl
from jax.experimental.pallas import tpu as pltpu
from jax.experimental.pallas import tpu_sc as plsc

_B = 2048
_D = 768
_E = 8
_H = 1024
_K = 2
_TILE = 128
_NT = 40
_XS = _NT * _TILE
_PW = 128
_DH = _D // 2
_W = 128
_NWIN = _B // _W


def _gate_body(x_ref, gw_ref, gb_ref,
               scores_ref, pk2_ref, p2_ref, meta_ref):
    x = x_ref[...]
    logits = jnp.dot(x, gw_ref[...], preferred_element_type=jnp.float32)
    logits = logits + gb_ref[...]
    m = jnp.max(logits, axis=1, keepdims=True)
    ex = jnp.exp(logits - m)
    scores = ex / jnp.sum(ex, axis=1, keepdims=True)
    scores_ref[...] = scores

    iota_e = lax.broadcasted_iota(jnp.int32, (_B, _E), 1)
    v1 = jnp.max(scores, axis=1, keepdims=True)
    i1 = jnp.min(jnp.where(scores >= v1, iota_e, _E), axis=1, keepdims=True)
    oh1 = iota_e == i1
    s2 = jnp.where(oh1, -1.0, scores)
    v2 = jnp.max(s2, axis=1, keepdims=True)
    i2 = jnp.min(jnp.where(s2 >= v2, iota_e, _E), axis=1, keepdims=True)
    oh2 = iota_e == i2

    o1 = oh1.astype(jnp.int32)
    o2 = oh2.astype(jnp.int32)

    def excl_cumsum_rows(o):
        s = o
        d = 1
        while d < _B:
            s = s + jnp.concatenate(
                [jnp.zeros((d, _E), jnp.int32), s[: _B - d]], axis=0)
            d *= 2
        return s - o

    r1 = excl_cumsum_rows(o1)
    c1 = jnp.sum(o1, axis=0, keepdims=True)
    r2 = excl_cumsum_rows(o2) + c1
    counts = c1 + jnp.sum(o2, axis=0, keepdims=True)

    cpad = ((counts + (_TILE - 1)) // _TILE) * _TILE
    off = cpad
    d = 1
    while d < _E:
        off = off + jnp.concatenate(
            [jnp.zeros((1, d), jnp.int32), off[:, : _E - d]], axis=1)
        d *= 2
    off = off - cpad
    offb = jnp.broadcast_to(off, (_B, _E))

    pos1 = jnp.sum(o1 * (offb + r1), axis=1, keepdims=True)
    pos2 = jnp.sum(o2 * (offb + r2), axis=1, keepdims=True)

    pk2_ref[0:_B, :] = pos1
    pk2_ref[_B:2 * _B, :] = pos2
    pk2_ref[2 * _B:3 * _B, :] = pos1 + _XS
    pk2_ref[3 * _B:4 * _B, :] = pos2 + _XS

    p2_ref[...] = jnp.concatenate([v1, v2], axis=1)

    tio = lax.broadcasted_iota(jnp.int32, (_NT, _E), 0) * _TILE
    eid = jnp.sum((tio >= jnp.broadcast_to(off, (_NT, _E))).astype(jnp.int32),
                  axis=1, keepdims=True) - 1

    one = jnp.ones((1, 1), jnp.int32)
    zero = jnp.zeros((1, 1), jnp.int32)
    chg = jnp.concatenate(
        [one, (eid[1:] != eid[:-1]).astype(jnp.int32)], axis=0)
    cum = chg
    d = 1
    while d < _NT:
        cum = cum + jnp.concatenate(
            [jnp.zeros((d, 1), jnp.int32), cum[: _NT - d]], axis=0)
        d *= 2
    slot = lax.rem(cum - 1, 2)
    chg1 = jnp.concatenate([chg[1:], zero], axis=0)
    eid1 = jnp.concatenate([eid[1:], zero], axis=0)
    slot1 = jnp.concatenate([slot[1:], zero], axis=0)
    meta_ref[...] = jnp.concatenate(
        [eid, chg, slot, chg1, eid1, slot1], axis=1)


def _gate_call(x, gate_w, gate_b):
    return pl.pallas_call(
        _gate_body,
        out_shape=(
            jax.ShapeDtypeStruct((_B, _E), jnp.float32),
            jax.ShapeDtypeStruct((4 * _B, 1), jnp.int32),
            jax.ShapeDtypeStruct((_B, 2), jnp.float32),
            jax.ShapeDtypeStruct((_NT, 6), jnp.int32),
        ),
    )(x, gate_w, gate_b.reshape(1, _E))


def _sc_mesh():
    return plsc.VectorSubcoreMesh(core_axis_name="c", subcore_axis_name="s")


def _dispatch_call(x, pk2r):
    @functools.partial(
        pl.kernel,
        out_type=jax.ShapeDtypeStruct((2 * _XS, _DH), jnp.float32),
        mesh=_sc_mesh(),
    )
    def k(x_hbm, pos_hbm, xs_hbm):
        def body(x_vmem, i0_vmem, i1_vmem):
            pltpu.sync_copy(x_vmem, xs_hbm.at[i0_vmem.at[0]])
            pltpu.sync_copy(x_vmem, xs_hbm.at[i1_vmem.at[0]])

        pltpu.emit_pipeline(
            body,
            grid=(_NWIN, 2),
            in_specs=[
                pl.BlockSpec((_W, _DH), index_map=lambda i, h: (i, h)),
                pl.BlockSpec((1, _W), index_map=lambda i, h: (h, i)),
                pl.BlockSpec((1, _W), index_map=lambda i, h: (h, _NWIN + i)),
            ],
            out_specs=[],
            core_axis_name=("c", "s"),
            dimension_semantics=(pltpu.PARALLEL, pltpu.PARALLEL),
        )(x_hbm, pos_hbm, pos_hbm)

    return k(x, pk2r)


def _ffn_body(m_ref, xa_ref, xb_ref, b1_ref, b2_ref,
              w1_any, w2_any, ys_ref,
              w1f, w2f, w1b, w2b, sem1, sem2):
    t = pl.program_id(0)
    eid = m_ref[t, 0]
    chg = m_ref[t, 1]
    slot = m_ref[t, 2]
    chg1 = m_ref[t, 3]
    eid1 = m_ref[t, 4]
    slot1 = m_ref[t, 5]

    def cp1(e, s):
        return pltpu.make_async_copy(w1_any.at[e], w1f.at[s], sem1.at[s])

    def cp2(e, s):
        return pltpu.make_async_copy(w2_any.at[e], w2f.at[s], sem2.at[s])

    @pl.when(t == 0)
    def _():
        cp1(eid, slot).start()
        cp2(eid, slot).start()

    @pl.when(chg == 1)
    def _():
        cp1(eid, slot).wait()
        cp2(eid, slot).wait()

        @pl.when(slot == 0)
        def _():
            w1b[...] = w1f[0].astype(jnp.bfloat16)
            w2b[...] = w2f[0].astype(jnp.bfloat16)

        @pl.when(slot == 1)
        def _():
            w1b[...] = w1f[1].astype(jnp.bfloat16)
            w2b[...] = w2f[1].astype(jnp.bfloat16)

    @pl.when(chg1 == 1)
    def _():
        cp1(eid1, slot1).start()
        cp2(eid1, slot1).start()

    xf = jnp.concatenate([xa_ref[...], xb_ref[...]], axis=1)
    h = jnp.dot(xf.astype(jnp.bfloat16), w1b[...],
                preferred_element_type=jnp.float32) + b1_ref[eid]
    h = jnp.maximum(h, 0.0).astype(jnp.bfloat16)
    y = jnp.dot(h, w2b[...], preferred_element_type=jnp.float32)
    b2e = b2_ref[eid]
    ys_ref[0] = y[:, 0:_DH] + b2e[:, 0:_DH]
    ys_ref[1] = y[:, _DH:_D] + b2e[:, _DH:_D]


def _ffn_call(xs2, W1, b1, W2, b2, meta):
    grid_spec = pltpu.PrefetchScalarGridSpec(
        num_scalar_prefetch=1,
        grid=(_NT,),
        in_specs=[
            pl.BlockSpec((_TILE, _DH), lambda t, m: (t, 0)),
            pl.BlockSpec((_TILE, _DH), lambda t, m: (_NT + t, 0)),
            pl.BlockSpec((_E, 1, _H), lambda t, m: (0, 0, 0)),
            pl.BlockSpec((_E, 1, _D), lambda t, m: (0, 0, 0)),
            pl.BlockSpec(memory_space=pl.ANY),
            pl.BlockSpec(memory_space=pl.ANY),
        ],
        out_specs=pl.BlockSpec((2, _TILE, _DH), lambda t, m: (0, t, 0)),
        scratch_shapes=[
            pltpu.VMEM((2, _D, _H), jnp.float32),
            pltpu.VMEM((2, _H, _D), jnp.float32),
            pltpu.VMEM((_D, _H), jnp.bfloat16),
            pltpu.VMEM((_H, _D), jnp.bfloat16),
            pltpu.SemaphoreType.DMA((2,)),
            pltpu.SemaphoreType.DMA((2,)),
        ],
    )
    return pl.pallas_call(
        _ffn_body,
        grid_spec=grid_spec,
        out_shape=jax.ShapeDtypeStruct((2, _XS, _DH), jnp.float32),
        compiler_params=pltpu.CompilerParams(
            dimension_semantics=("arbitrary",)),
    )(meta, xs2, xs2, b1.reshape(_E, 1, _H), b2.reshape(_E, 1, _D), W1, W2)


def _combine_call(ys2, pk2r):
    @functools.partial(
        pl.kernel,
        out_type=jax.ShapeDtypeStruct((4 * _B, _DH), jnp.float32),
        mesh=_sc_mesh(),
    )
    def k(ys_hbm, pos_hbm, yg_hbm):
        def body(i_vmem, out_vmem):
            pltpu.sync_copy(ys_hbm.at[i_vmem.at[0]], out_vmem)

        pltpu.emit_pipeline(
            body,
            grid=(2, (2 * _B) // _W),
            in_specs=[pl.BlockSpec((1, _W), index_map=lambda h, i: (h, i))],
            out_specs=[pl.BlockSpec(
                (_W, _DH),
                index_map=lambda h, i: (h * ((2 * _B) // _W) + i, 0))],
            core_axis_name=("c", "s"),
            dimension_semantics=(pltpu.PARALLEL, pltpu.PARALLEL),
        )(pos_hbm, yg_hbm)

    return k(ys2, pk2r)


_RE = 512


def _padd_body(a0_ref, a1_ref, b0_ref, b1_ref, p_ref, o_ref):
    p0 = p_ref[:, 0:1]
    p1 = p_ref[:, 1:2]
    o_ref[:, 0:_DH] = a0_ref[...] * p0 + a1_ref[...] * p1
    o_ref[:, _DH:_D] = b0_ref[...] * p0 + b1_ref[...] * p1


def _padd_call(yg2, p2):
    nb = _B // _RE
    return pl.pallas_call(
        _padd_body,
        grid=(nb,),
        in_specs=[
            pl.BlockSpec((_RE, _DH), lambda i: (i, 0)),
            pl.BlockSpec((_RE, _DH), lambda i: (_B // _RE + i, 0)),
            pl.BlockSpec((_RE, _DH), lambda i: (2 * _B // _RE + i, 0)),
            pl.BlockSpec((_RE, _DH), lambda i: (3 * _B // _RE + i, 0)),
            pl.BlockSpec((_RE, 2), lambda i: (i, 0)),
        ],
        out_specs=pl.BlockSpec((_RE, _D), lambda i: (i, 0)),
        out_shape=jax.ShapeDtypeStruct((_B, _D), jnp.float32),
    )(yg2, yg2, yg2, yg2, p2)


def kernel(x, gate_w, gate_b, W1, b1, W2, b2):
    scores, pk2, p2, meta = _gate_call(x, gate_w, gate_b)
    pk2r = pk2.reshape(2, 2 * _B)
    xs2 = _dispatch_call(x, pk2r)
    ys3 = _ffn_call(xs2, W1, b1, W2, b2, meta)
    yg2 = _combine_call(ys3.reshape(2 * _XS, _DH), pk2r)
    out = _padd_call(yg2, p2)
    return (out, lax.stop_gradient(scores))

# --- scband reference (transcript-rebuilt; emitter-appended) ---
"""Pipeline reference for scband-mo-elayer-18459769438758 (READ-ONLY COPY).

The authoritative reference and input builder live on the scoring server;
editing this copy changes nothing except your own understanding.
"""

import jax, jax.numpy as jnp
import numpy as np

B = 2048
D = 768
E = 8
H = 1024
K = 2

def setup_inputs(seed: int = 0) -> dict:
    key = jax.random.key(seed)
    ks = jax.random.split(key, 6)
    x = jax.random.normal(ks[0], (B, D), dtype=jnp.float32)
    gate_w = jax.random.normal(ks[1], (D, E), dtype=jnp.float32) * (1.0 / np.sqrt(D))
    gate_b = jnp.zeros((E,), dtype=jnp.float32)
    W1 = jax.random.normal(ks[2], (E, D, H), dtype=jnp.float32) * (1.0 / np.sqrt(D))
    b1 = jnp.zeros((E, H), dtype=jnp.float32)
    W2 = jax.random.normal(ks[3], (E, H, D), dtype=jnp.float32) * (1.0 / np.sqrt(H))
    b2 = jnp.zeros((E, D), dtype=jnp.float32)
    return {"x": x, "gate_w": gate_w, "gate_b": gate_b, "W1": W1, "b1": b1, "W2": W2, "b2": b2}

def reference(x, gate_w, gate_b, W1, b1, W2, b2):
    # gate + softmax
    logits = x @ gate_w + gate_b
    scores = jax.nn.softmax(logits, axis=-1)
    # top-k routing (same as torch.topk over softmax scores)
    probs, indices = jax.lax.top_k(scores, K)  # [B, K]
    # compute every expert's FFN output for every token (math identical to the
    # per-token expert selection in the torch loop, just densely vectorized),
    # then combine with a one-hot dispatch mask weighted by the routing probs.
    h = jax.nn.relu(jnp.einsum('bd,edh->beh', x, W1) + b1[None, :, :])  # [B, E, H]
    y = jnp.einsum('beh,ehd->bed', h, W2) + b2[None, :, :]              # [B, E, D]
    comb = jnp.sum(jax.nn.one_hot(indices, E, dtype=x.dtype) * probs[..., None], axis=1)  # [B, E]
    out = jnp.einsum('be,bed->bd', comb, y)  # [B, D]
    return (out, jax.lax.stop_gradient(scores))

if __name__ == "__main__":
    import jax
    _d = setup_inputs()
    print(jax.jit(kernel)(*tuple(_d.values())))

</pallas_src>

<mosaic_0001>
#map = affine_map<(d0, d1) -> (0, 0)>
module attributes {stable_mosaic.version = 14 : i64} {
  func.func @k(%arg0: i32, %arg1: i32, %arg2: memref<10240x384xf32, #tpu.memory_space<hbm>>, %arg3: memref<2x4096xi32, #tpu.memory_space<hbm>>, %arg4: memref<8192x384xf32, #tpu.memory_space<hbm>>) attributes {dimension_semantics = [#tpu.dimension_semantics<core_parallel>, #tpu.dimension_semantics<subcore_parallel>], iteration_bounds = array<i64: 2, 16>, scalar_prefetch = 0 : i64, scratch_operands = 0 : i64, tpu.core_type = #tpu.core_type<sc_vector_subcore>, window_params = [{transform_indices = #map}, {transform_indices = #map}, {transform_indices = #map}]} {
    %mul3A = arith.constant 1 : i32
    %mul3A_0 = arith.muli %arg1, %mul3A : i32
    %add3A = arith.constant 0 : i32
    %add3A_1 = arith.addi %add3A, %mul3A_0 : i32
    %mul3A_2 = arith.constant 16 : i32
    %mul3A_3 = arith.muli %arg0, %mul3A_2 : i32
    %add3A_4 = arith.addi %add3A_1, %mul3A_3 : i32
    %mul3A_5 = arith.constant 1 : i32
    %mul3A_6 = arith.muli %add3A_4, %mul3A_5 : i32
    "tpu.region"() ({
      %run_scoped3A = memref.alloca() : memref<2x1x128xi32, #tpu.memory_space<vmem>>
      %run_scoped3A_7 = tpu.sem_alloc : memref<2x!tpu.dma_semaphore, #tpu.memory_space<semaphore_mem>>
      %run_scoped3A_8 = memref.alloca() : memref<2x128x384xf32, #tpu.memory_space<vmem>>
      %run_scoped3A_9 = tpu.sem_alloc : memref<2x!tpu.dma_semaphore, #tpu.memory_space<semaphore_mem>>
      %add3A_10 = arith.constant 0 : i32
      %add3A_11 = arith.addi %add3A_10, %mul3A_6 : i32
      %select_n3A = arith.constant true
      %select_n3A_12 = arith.constant 0 : i32
      %select_n3A_13 = arith.constant -1 : i32
      %select_n3A_14 = arith.select %select_n3A, %select_n3A_13, %select_n3A_12 : i32
      %eq3A = arith.constant -1 : i32
      %eq3A_15 = arith.cmpi eq, %select_n3A_14, %eq3A : i32
      %select_n3A_16 = arith.constant 0 : i32
      %select_n3A_17 = arith.select %eq3A_15, %select_n3A_16, %select_n3A_14 : i32
      %select_n3A_18 = arith.constant 0 : i32
      %select_n3A_19 = arith.constant -1 : i32
      %select_n3A_20 = arith.select %eq3A_15, %select_n3A_19, %select_n3A_18 : i32
      %eq3A_21 = arith.constant -1 : i32
      %eq3A_22 = arith.cmpi eq, %select_n3A_20, %eq3A_21 : i32
      %select_n3A_23 = arith.constant 1 : i32
      %select_n3A_24 = arith.select %eq3A_22, %select_n3A_23, %select_n3A_20 : i32
      %add3A_25 = arith.constant 0 : i32
      %add3A_26 = arith.addi %select_n3A_24, %add3A_25 : i32
      %add3A_27 = arith.constant 0 : i32
      %add3A_28 = arith.addi %add3A_27, %mul3A_6 : i32
      %select_n3A_29 = arith.constant true
      %select_n3A_30 = arith.constant 0 : i32
      %select_n3A_31 = arith.constant 1 : i32
      %select_n3A_32 = arith.select %select_n3A_29, %select_n3A_31, %select_n3A_30 : i32
      %eq3A_33 = arith.constant 1 : i32
      %eq3A_34 = arith.cmpi eq, %select_n3A_32, %eq3A_33 : i32
      %select_n3A_35 = arith.constant 0 : i32
      %select_n3A_36 = arith.select %eq3A_34, %select_n3A_35, %select_n3A_32 : i32
      %select_n3A_37 = arith.constant 0 : i32
      %select_n3A_38 = arith.constant 1 : i32
      %select_n3A_39 = arith.select %eq3A_34, %select_n3A_38, %select_n3A_37 : i32
      %eq3A_40 = arith.constant 2 : i32
      %eq3A_41 = arith.cmpi eq, %select_n3A_39, %eq3A_40 : i32
      %select_n3A_42 = arith.constant 0 : i32
      %select_n3A_43 = arith.select %eq3A_41, %select_n3A_42, %select_n3A_39 : i32
      %add3A_44 = arith.constant 0 : i32
      %add3A_45 = arith.addi %select_n3A_43, %add3A_44 : i32
      %add3A_46 = arith.constant 0 : i32
      %add3A_47 = arith.addi %add3A_46, %mul3A_6 : i32
      %select_n3A_48 = arith.constant true
      %select_n3A_49 = arith.constant 0 : i32
      %select_n3A_50 = arith.constant 1 : i32
      %select_n3A_51 = arith.select %select_n3A_48, %select_n3A_50, %select_n3A_49 : i32
      %eq3A_52 = arith.constant 1 : i32
      %eq3A_53 = arith.cmpi eq, %select_n3A_51, %eq3A_52 : i32
      %select_n3A_54 = arith.constant 0 : i32
      %select_n3A_55 = arith.select %eq3A_53, %select_n3A_54, %select_n3A_51 : i32
      %add3A_56 = arith.constant 1 : i32
      %add3A_57 = arith.addi %select_n3A_43, %add3A_56 : i32
      %select_n3A_58 = arith.select %eq3A_53, %add3A_57, %select_n3A_43 : i32
      %eq3A_59 = arith.constant 2 : i32
      %eq3A_60 = arith.cmpi eq, %select_n3A_58, %eq3A_59 : i32
      %select_n3A_61 = arith.constant 0 : i32
      %select_n3A_62 = arith.select %eq3A_60, %select_n3A_61, %select_n3A_58 : i32
      %add3A_63 = arith.constant 0 : i32
      %add3A_64 = arith.addi %select_n3A_62, %add3A_63 : i32
      %add3A_65 = arith.constant 0 : i32
      %add3A_66 = arith.addi %add3A_65, %mul3A_6 : i32
      "tpu.trace_start"() <{level = 10 : i32, message = "ep_initialize_0"}> : () -> ()
      %rem3A = arith.constant 0 : i32
      %rem3A_67 = arith.constant 2 : i32
      %rem3A_68 = arith.remui %rem3A, %rem3A_67 : i32
      %mul3A_69 = arith.constant 128 : i32
      %mul3A_70 = arith.muli %mul3A_69, %add3A_11 : i32
      %dma_start3A = arith.constant 0 : i32
      %dma_start3A_71 = arith.constant 0 : i32
      %dma_start3A_72 = tpu.memref_slice %run_scoped3A[%rem3A_68, %dma_start3A, %dma_start3A_71] : memref<2x1x128xi32, #tpu.memory_space<vmem>> -> memref<1x1x128xi32, #tpu.memory_space<vmem>>
      %dma_start3A_73 = tpu.memref_squeeze %dma_start3A_72 : memref<1x1x128xi32, #tpu.memory_space<vmem>> -> memref<1x128xi32, #tpu.memory_space<vmem>>
      %dma_start3A_74 = arith.constant 0 : i32
      %dma_start3A_75 = tpu.memref_slice %arg3[%dma_start3A_74, %mul3A_70] : memref<2x4096xi32, #tpu.memory_space<hbm>> -> memref<1x128xi32, #tpu.memory_space<hbm>>
      %dma_start3A_76 = tpu.memref_slice %run_scoped3A_7[%rem3A_68] : memref<2x!tpu.dma_semaphore, #tpu.memory_space<semaphore_mem>> -> memref<1x!tpu.dma_semaphore, #tpu.memory_space<semaphore_mem>>
      %dma_start3A_77 = tpu.memref_squeeze %dma_start3A_76 : memref<1x!tpu.dma_semaphore, #tpu.memory_space<semaphore_mem>> -> memref<!tpu.dma_semaphore, #tpu.memory_space<semaphore_mem>>
      %dma_start3A_78 = arith.constant 0 : i32
      %dma_start3A_79 = arith.constant 0 : i32
      %dma_start3A_80 = tpu.memref_slice %run_scoped3A[%rem3A_68, %dma_start3A_78, %dma_start3A_79] : memref<2x1x128xi32, #tpu.memory_space<vmem>> -> memref<1x1x128xi32, #tpu.memory_space<vmem>>
      %dma_start3A_81 = tpu.memref_squeeze %dma_start3A_80 : memref<1x1x128xi32, #tpu.memory_space<vmem>> -> memref<1x128xi32, #tpu.memory_space<vmem>>
      %dma_start3A_82 = arith.constant 0 : i32
      %dma_start3A_83 = tpu.memref_slice %arg3[%dma_start3A_82, %mul3A_70] : memref<2x4096xi32, #tpu.memory_space<hbm>> -> memref<1x128xi32, #tpu.memory_space<hbm>>
      tpu.enqueue_dma source(%dma_start3A_83 : memref<1x128xi32, #tpu.memory_space<hbm>>) target(%dma_start3A_81 : memref<1x128xi32, #tpu.memory_space<vmem>>) target_semaphore(%dma_start3A_77 : memref<!tpu.dma_semaphore, #tpu.memory_space<semaphore_mem>>)
      %add3A_84 = arith.constant 0 : i32
      %add3A_85 = arith.constant 1 : i32
      %add3A_86 = arith.addi %add3A_84, %add3A_85 : i32
      %select_n3A_87 = arith.constant true
      %select_n3A_88 = arith.constant 0 : i32
      %select_n3A_89 = arith.select %select_n3A_87, %add3A_86, %select_n3A_88 : i32
      "tpu.trace_stop"() : () -> ()
      %scan3A = arith.constant 0 : i32
      %scan3A_90 = arith.constant 0 : i32
      %scan3A_91 = arith.constant 0 : i32
      %scan3A_92 = arith.constant 0 : i32
      %scan3A_93 = arith.constant 0 : i32
      %scan3A_94 = arith.constant 0 : i32
      %scan3A_95 = arith.constant 2 : i32
      %scan3A_96 = arith.addi %scan3A_94, %scan3A_95 : i32
      %scan3A_97 = arith.constant 1 : i32
      %scan3A_98:6 = scf.for %scan3A_195 = %scan3A_94 to %scan3A_96 step %scan3A_97 iter_args(%scan3A_196 = %select_n3A_89, %scan3A_197 = %scan3A, %scan3A_198 = %scan3A_90, %scan3A_199 = %scan3A_91, %scan3A_200 = %scan3A_92, %scan3A_201 = %scan3A_93) -> (i32, i32, i32, i32, i32, i32)  : i32 {
        %eq3A_202 = arith.constant 0 : i32
        %eq3A_203 = arith.cmpi eq, %scan3A_195, %eq3A_202 : i32
        %eq3A_204 = arith.constant 1 : i32
        %eq3A_205 = arith.cmpi eq, %scan3A_195, %eq3A_204 : i32
        %add3A_206 = arith.constant 0 : i32
        %add3A_207 = arith.addi %scan3A_200, %add3A_206 : i32
        %add3A_208 = arith.constant 0 : i32
        %add3A_209 = arith.addi %add3A_208, %mul3A_6 : i32
        %select_n3A_210 = arith.constant true
        %select_n3A_211 = arith.constant 0 : i32
        %select_n3A_212 = arith.constant -1 : i32
        %select_n3A_213 = arith.select %select_n3A_210, %select_n3A_212, %select_n3A_211 : i32
        %eq3A_214 = arith.constant -1 : i32
        %eq3A_215 = arith.cmpi eq, %select_n3A_213, %eq3A_214 : i32
        %select_n3A_216 = arith.constant 0 : i32
        %select_n3A_217 = arith.select %eq3A_215, %select_n3A_216, %select_n3A_213 : i32
        %sub3A_218 = arith.constant 1 : i32
        %sub3A_219 = arith.subi %scan3A_200, %sub3A_218 : i32
        %select_n3A_220 = arith.select %eq3A_215, %sub3A_219, %scan3A_200 : i32
        %eq3A_221 = arith.constant -1 : i32
        %eq3A_222 = arith.cmpi eq, %select_n3A_220, %eq3A_221 : i32
        %select_n3A_223 = arith.constant 1 : i32
        %select_n3A_224 = arith.select %eq3A_222, %select_n3A_223, %select_n3A_220 : i32
        %add3A_225 = arith.constant 0 : i32
        %add3A_226 = arith.addi %select_n3A_224, %add3A_225 : i32
        %add3A_227 = arith.constant 0 : i32
        %add3A_228 = arith.addi %add3A_227, %mul3A_6 : i32
        %select_n3A_229 = arith.constant true
        %select_n3A_230 = arith.constant 0 : i32
        %select_n3A_231 = arith.constant 1 : i32
        %select_n3A_232 = arith.select %select_n3A_229, %select_n3A_231, %select_n3A_230 : i32
        %eq3A_233 = arith.constant 1 : i32
        %eq3A_234 = arith.cmpi eq, %select_n3A_232, %eq3A_233 : i32
        %select_n3A_235 = arith.constant 0 : i32
        %select_n3A_236 = arith.select %eq3A_234, %select_n3A_235, %select_n3A_232 : i32
        %add3A_237 = arith.constant 1 : i32
        %add3A_238 = arith.addi %scan3A_200, %add3A_237 : i32
        %select_n3A_239 = arith.select %eq3A_234, %add3A_238, %scan3A_200 : i32
        %eq3A_240 = arith.constant 2 : i32
        %eq3A_241 = arith.cmpi eq, %select_n3A_239, %eq3A_240 : i32
        %select_n3A_242 = arith.constant 0 : i32
        %select_n3A_243 = arith.select %eq3A_241, %select_n3A_242, %select_n3A_239 : i32
        %add3A_244 = arith.constant 0 : i32
        %add3A_245 = arith.addi %select_n3A_243, %add3A_244 : i32
        %add3A_246 = arith.constant 0 : i32
        %add3A_247 = arith.addi %add3A_246, %mul3A_6 : i32
        %select_n3A_248 = arith.constant true
        %select_n3A_249 = arith.constant 0 : i32
        %select_n3A_250 = arith.constant 1 : i32
        %select_n3A_251 = arith.select %select_n3A_248, %select_n3A_250, %select_n3A_249 : i32
        %eq3A_252 = arith.constant 1 : i32
        %eq3A_253 = arith.cmpi eq, %select_n3A_251, %eq3A_252 : i32
        %select_n3A_254 = arith.constant 0 : i32
        %select_n3A_255 = arith.select %eq3A_253, %select_n3A_254, %select_n3A_251 : i32
        %add3A_256 = arith.constant 1 : i32
        %add3A_257 = arith.addi %select_n3A_243, %add3A_256 : i32
        %select_n3A_258 = arith.select %eq3A_253, %add3A_257, %select_n3A_243 : i32
        %eq3A_259 = arith.constant 2 : i32
        %eq3A_260 = arith.cmpi eq, %select_n3A_258, %eq3A_259 : i32
        %select_n3A_261 = arith.constant 0 : i32
        %select_n3A_262 = arith.select %eq3A_260, %select_n3A_261, %select_n3A_258 : i32
        %add3A_263 = arith.constant 0 : i32
        %add3A_264 = arith.addi %select_n3A_262, %add3A_263 : i32
        %add3A_265 = arith.constant 0 : i32
        %add3A_266 = arith.addi %add3A_265, %mul3A_6 : i32
        %ne3A = arith.cmpi ne, %add3A_207, %add3A_245 : i32
        %ne3A_267 = arith.cmpi ne, %add3A_209, %add3A_247 : i32
        %or3A = arith.constant false
        %or3A_268 = arith.ori %or3A, %ne3A : i1
        %or3A_269 = arith.ori %or3A_268, %ne3A_267 : i1
        %ge3A = arith.constant 1 : i32
        %ge3A_270 = arith.cmpi sge, %scan3A_195, %ge3A : i32
        %not3A = arith.constant true
        %not3A_271 = arith.xori %ge3A_270, %not3A : i1
        %and3A = arith.andi %or3A_269, %not3A_271 : i1
        %convert_element_type3A = arith.extui %and3A : i1 to i32
        %cond3A = arith.constant 0 : i32
        %cond3A_272 = arith.cmpi ne, %convert_element_type3A, %cond3A : i32
        scf.if %cond3A_272 {
          "tpu.trace_start"() <{level = 10 : i32, message = "ep_copy_in"}> : () -> ()
          %rem3A_414 = arith.constant 2 : i32
          %rem3A_415 = arith.remui %scan3A_196, %rem3A_414 : i32
          %mul3A_416 = arith.constant 1 : i32
          %mul3A_417 = arith.muli %mul3A_416, %add3A_245 : i32
          %mul3A_418 = arith.constant 128 : i32
          %mul3A_419 = arith.muli %mul3A_418, %add3A_247 : i32
          %dma_start3A_420 = arith.constant 0 : i32
          %dma_start3A_421 = arith.constant 0 : i32
          %dma_start3A_422 = tpu.memref_slice %run_scoped3A[%rem3A_415, %dma_start3A_420, %dma_start3A_421] : memref<2x1x128xi32, #tpu.memory_space<vmem>> -> memref<1x1x128xi32, #tpu.memory_space<vmem>>
          %dma_start3A_423 = tpu.memref_squeeze %dma_start3A_422 : memref<1x1x128xi32, #tpu.memory_space<vmem>> -> memref<1x128xi32, #tpu.memory_space<vmem>>
          %dma_start3A_424 = tpu.memref_slice %arg3[%mul3A_417, %mul3A_419] : memref<2x4096xi32, #tpu.memory_space<hbm>> -> memref<1x128xi32, #tpu.memory_space<hbm>>
          %dma_start3A_425 = tpu.memref_slice %run_scoped3A_7[%rem3A_415] : memref<2x!tpu.dma_semaphore, #tpu.memory_space<semaphore_mem>> -> memref<1x!tpu.dma_semaphore, #tpu.memory_space<semaphore_mem>>
          %dma_start3A_426 = tpu.memref_squeeze %dma_start3A_425 : memref<1x!tpu.dma_semaphore, #tpu.memory_space<semaphore_mem>> -> memref<!tpu.dma_semaphore, #tpu.memory_space<semaphore_mem>>
          %dma_start3A_427 = arith.constant 0 : i32
          %dma_start3A_428 = arith.constant 0 : i32
          %dma_start3A_429 = tpu.memref_slice %run_scoped3A[%rem3A_415, %dma_start3A_427, %dma_start3A_428] : memref<2x1x128xi32, #tpu.memory_space<vmem>> -> memref<1x1x128xi32, #tpu.memory_space<vmem>>
          %dma_start3A_430 = tpu.memref_squeeze %dma_start3A_429 : memref<1x1x128xi32, #tpu.memory_space<vmem>> -> memref<1x128xi32, #tpu.memory_space<vmem>>
          %dma_start3A_431 = tpu.memref_slice %arg3[%mul3A_417, %mul3A_419] : memref<2x4096xi32, #tpu.memory_space<hbm>> -> memref<1x128xi32, #tpu.memory_space<hbm>>
          tpu.enqueue_dma source(%dma_start3A_431 : memref<1x128xi32, #tpu.memory_space<hbm>>) target(%dma_start3A_430 : memref<1x128xi32, #tpu.memory_space<vmem>>) target_semaphore(%dma_start3A_426 : memref<!tpu.dma_semaphore, #tpu.memory_space<semaphore_mem>>)
          "tpu.trace_stop"() : () -> ()
        } else {
        }
        %and3A_273 = arith.constant true
        %and3A_274 = arith.andi %and3A, %and3A_273 : i1
        %add3A_275 = arith.constant 1 : i32
        %add3A_276 = arith.addi %scan3A_196, %add3A_275 : i32
        %select_n3A_277 = arith.select %and3A_274, %add3A_276, %scan3A_196 : i32
        %mul3A_278 = arith.constant 32 : i32
        %mul3A_279 = arith.muli %add3A_207, %mul3A_278 : i32
        %add3A_280 = arith.addi %mul3A_279, %add3A_209 : i32
        %mul3A_281 = arith.constant 32 : i32
        %mul3A_282 = arith.muli %add3A_245, %mul3A_281 : i32
        %add3A_283 = arith.addi %mul3A_282, %add3A_247 : i32
        %ne3A_284 = arith.cmpi ne, %add3A_280, %add3A_283 : i32
        %or3A_285 = arith.constant false
        %or3A_286 = arith.ori %or3A_285, %ne3A_284 : i1
        %or3A_287 = arith.constant false
        %or3A_288 = arith.ori %or3A_286, %or3A_287 : i1
        %ge3A_289 = arith.constant 1 : i32
        %ge3A_290 = arith.cmpi sge, %scan3A_195, %ge3A_289 : i32
        %not3A_291 = arith.constant true
        %not3A_292 = arith.xori %ge3A_290, %not3A_291 : i1
        %and3A_293 = arith.andi %or3A_288, %not3A_292 : i1
        %ne3A_294 = arith.cmpi ne, %add3A_207, %add3A_226 : i32
        %ne3A_295 = arith.cmpi ne, %add3A_209, %add3A_228 : i32
        %or3A_296 = arith.constant false
        %or3A_297 = arith.ori %or3A_296, %ne3A_294 : i1
        %or3A_298 = arith.ori %or3A_297, %ne3A_295 : i1
        %or3A_299 = arith.ori %or3A_298, %eq3A_203 : i1
        %convert_element_type3A_300 = arith.extui %or3A_299 : i1 to i32
        %cond3A_301 = arith.constant 0 : i32
        %cond3A_302 = arith.cmpi ne, %convert_element_type3A_300, %cond3A_301 : i32
        scf.if %cond3A_302 {
          "tpu.trace_start"() <{level = 10 : i32, message = "ep_wait_in"}> : () -> ()
          %mul3A_414 = arith.constant 1 : i32
          %mul3A_415 = arith.muli %mul3A_414, %add3A_207 : i32
          %mul3A_416 = arith.constant 128 : i32
          %mul3A_417 = arith.muli %mul3A_416, %add3A_209 : i32
          %rem3A_418 = arith.constant 2 : i32
          %rem3A_419 = arith.remui %scan3A_197, %rem3A_418 : i32
          %dma_wait3A_420 = arith.constant 0 : i32
          %dma_wait3A_421 = arith.constant 0 : i32
          %dma_wait3A_422 = tpu.memref_slice %run_scoped3A[%rem3A_419, %dma_wait3A_420, %dma_wait3A_421] : memref<2x1x128xi32, #tpu.memory_space<vmem>> -> memref<1x1x128xi32, #tpu.memory_space<vmem>>
          %dma_wait3A_423 = tpu.memref_squeeze %dma_wait3A_422 : memref<1x1x128xi32, #tpu.memory_space<vmem>> -> memref<1x128xi32, #tpu.memory_space<vmem>>
          %dma_wait3A_424 = tpu.memref_slice %arg3[%mul3A_415, %mul3A_417] : memref<2x4096xi32, #tpu.memory_space<hbm>> -> memref<1x128xi32, #tpu.memory_space<hbm>>
          %dma_wait3A_425 = tpu.memref_slice %run_scoped3A_7[%rem3A_419] : memref<2x!tpu.dma_semaphore, #tpu.memory_space<semaphore_mem>> -> memref<1x!tpu.dma_semaphore, #tpu.memory_space<semaphore_mem>>
          %dma_wait3A_426 = tpu.memref_squeeze %dma_wait3A_425 : memref<1x!tpu.dma_semaphore, #tpu.memory_space<semaphore_mem>> -> memref<!tpu.dma_semaphore, #tpu.memory_space<semaphore_mem>>
          %dma_wait3A_427 = arith.constant 0 : i32
          %dma_wait3A_428 = arith.constant 0 : i32
          %dma_wait3A_429 = tpu.memref_slice %run_scoped3A[%rem3A_419, %dma_wait3A_427, %dma_wait3A_428] : memref<2x1x128xi32, #tpu.memory_space<vmem>> -> memref<1x1x128xi32, #tpu.memory_space<vmem>>
          %dma_wait3A_430 = tpu.memref_squeeze %dma_wait3A_429 : memref<1x1x128xi32, #tpu.memory_space<vmem>> -> memref<1x128xi32, #tpu.memory_space<vmem>>
          %dma_wait3A_431 = tpu.memref_slice %arg3[%mul3A_415, %mul3A_417] : memref<2x4096xi32, #tpu.memory_space<hbm>> -> memref<1x128xi32, #tpu.memory_space<hbm>>
          tpu.wait_dma2 semaphore(%dma_wait3A_426 : memref<!tpu.dma_semaphore, #tpu.memory_space<semaphore_mem>>) src(%dma_wait3A_431 : memref<1x128xi32, #tpu.memory_space<hbm>>) dst(%dma_wait3A_430 : memref<1x128xi32, #tpu.memory_space<vmem>>)
          "tpu.trace_stop"() : () -> ()
        } else {
        }
        %mul3A_303 = arith.constant 32 : i32
        %mul3A_304 = arith.muli %add3A_207, %mul3A_303 : i32
        %add3A_305 = arith.addi %mul3A_304, %add3A_209 : i32
        %mul3A_306 = arith.constant 32 : i32
        %mul3A_307 = arith.muli %add3A_226, %mul3A_306 : i32
        %add3A_308 = arith.addi %mul3A_307, %add3A_228 : i32
        %ne3A_309 = arith.cmpi ne, %add3A_305, %add3A_308 : i32
        %or3A_310 = arith.constant false
        %or3A_311 = arith.ori %or3A_310, %ne3A_309 : i1
        %or3A_312 = arith.constant false
        %or3A_313 = arith.ori %or3A_311, %or3A_312 : i1
        %or3A_314 = arith.ori %or3A_313, %eq3A_203 : i1
        %convert_element_type3A_315 = arith.extui %or3A_314 : i1 to i32
        %cond3A_316 = arith.constant 0 : i32
        %cond3A_317 = arith.cmpi ne, %convert_element_type3A_315, %cond3A_316 : i32
        scf.if %cond3A_317 {
        } else {
        }
        %rem3A_318 = arith.constant 2 : i32
        %rem3A_319 = arith.remui %scan3A_197, %rem3A_318 : i32
        %rem3A_320 = arith.constant 2 : i32
        %rem3A_321 = arith.remui %scan3A_198, %rem3A_320 : i32
        %run_scoped3A_322 = arith.constant 0 : i32
        "tpu.trace_start"() <{level = 10 : i32, message = "ep_run_kernel"}> : () -> ()
        "tpu.region"() ({
          %run_scoped3A_414 = tpu.sem_alloc : memref<!tpu.dma_semaphore, #tpu.memory_space<semaphore_mem>>
          %dma_start3A_415 = arith.constant 0 : i32
          %dma_start3A_416 = arith.constant 0 : i32
          %dma_start3A_417 = tpu.memref_slice %run_scoped3A_8[%rem3A_321, %dma_start3A_415, %dma_start3A_416] : memref<2x128x384xf32, #tpu.memory_space<vmem>> -> memref<1x128x384xf32, #tpu.memory_space<vmem>>
          %dma_start3A_418 = tpu.memref_squeeze %dma_start3A_417 : memref<1x128x384xf32, #tpu.memory_space<vmem>> -> memref<128x384xf32, #tpu.memory_space<vmem>>
          %dma_start3A_419 = arith.constant 0 : i32
          %dma_start3A_420 = arith.constant 0 : i32
          %dma_start3A_421 = tpu.memref_slice %run_scoped3A[%rem3A_319, %dma_start3A_419, %dma_start3A_420] : memref<2x1x128xi32, #tpu.memory_space<vmem>> -> memref<1x1x128xi32, #tpu.memory_space<vmem>>
          %dma_start3A_422 = tpu.memref_squeeze %dma_start3A_421 : memref<1x1x128xi32, #tpu.memory_space<vmem>> -> memref<1x128xi32, #tpu.memory_space<vmem>>
          %dma_start3A_423 = arith.constant 0 : i32
          %dma_start3A_424 = tpu.memref_slice %dma_start3A_422[%run_scoped3A_322, %dma_start3A_423] : memref<1x128xi32, #tpu.memory_space<vmem>> -> memref<1x128xi32, #tpu.memory_space<vmem>>
          %dma_start3A_425 = tpu.memref_squeeze %dma_start3A_424 : memref<1x128xi32, #tpu.memory_space<vmem>> -> memref<128xi32, #tpu.memory_space<vmem>>
          %dma_start3A_426 = arith.constant 0 : i32
          %dma_start3A_427 = arith.constant 0 : i32
          %dma_start3A_428 = tpu.memref_slice %arg2[%dma_start3A_426, %dma_start3A_427] : memref<10240x384xf32, #tpu.memory_space<hbm>> -> memref<10240x384xf32, #tpu.memory_space<hbm>>
          tpu.enqueue_indirect_dma source(%dma_start3A_428 : memref<10240x384xf32, #tpu.memory_space<hbm>>) target(%dma_start3A_418 : memref<128x384xf32, #tpu.memory_space<vmem>>) offsets(%dma_start3A_425 : memref<128xi32, #tpu.memory_space<vmem>>) semaphore(%run_scoped3A_414 : memref<!tpu.dma_semaphore, #tpu.memory_space<semaphore_mem>>)
          %dma_wait3A_429 = arith.constant 0 : i32
          %dma_wait3A_430 = arith.constant 0 : i32
          %dma_wait3A_431 = tpu.memref_slice %run_scoped3A_8[%rem3A_321, %dma_wait3A_429, %dma_wait3A_430] : memref<2x128x384xf32, #tpu.memory_space<vmem>> -> memref<1x128x384xf32, #tpu.memory_space<vmem>>
          %dma_wait3A_432 = tpu.memref_squeeze %dma_wait3A_431 : memref<1x128x384xf32, #tpu.memory_space<vmem>> -> memref<128x384xf32, #tpu.memory_space<vmem>>
          %dma_wait3A_433 = arith.constant 0 : i32
          %dma_wait3A_434 = arith.constant 0 : i32
          %dma_wait3A_435 = tpu.memref_slice %run_scoped3A[%rem3A_319, %dma_wait3A_433, %dma_wait3A_434] : memref<2x1x128xi32, #tpu.memory_space<vmem>> -> memref<1x1x128xi32, #tpu.memory_space<vmem>>
          %dma_wait3A_436 = tpu.memref_squeeze %dma_wait3A_435 : memref<1x1x128xi32, #tpu.memory_space<vmem>> -> memref<1x128xi32, #tpu.memory_space<vmem>>
          %dma_wait3A_437 = arith.constant 0 : i32
          %dma_wait3A_438 = tpu.memref_slice %dma_wait3A_436[%run_scoped3A_322, %dma_wait3A_437] : memref<1x128xi32, #tpu.memory_space<vmem>> -> memref<1x128xi32, #tpu.memory_space<vmem>>
          %dma_wait3A_439 = tpu.memref_squeeze %dma_wait3A_438 : memref<1x128xi32, #tpu.memory_space<vmem>> -> memref<128xi32, #tpu.memory_space<vmem>>
          %dma_wait3A_440 = arith.constant 0 : i32
          %dma_wait3A_441 = arith.constant 0 : i32
          %dma_wait3A_442 = tpu.memref_slice %arg2[%dma_wait3A_440, %dma_wait3A_441] : memref<10240x384xf32, #tpu.memory_space<hbm>> -> memref<10240x384xf32, #tpu.memory_space<hbm>>
          tpu.wait_indirect_dma semaphore(%run_scoped3A_414 : memref<!tpu.dma_semaphore, #tpu.memory_space<semaphore_mem>>) src(%dma_wait3A_442 : memref<10240x384xf32, #tpu.memory_space<hbm>>) dst(%dma_wait3A_432 : memref<128x384xf32, #tpu.memory_space<vmem>>)
          tpu.yield
        }) : () -> ()
        "tpu.trace_stop"() : () -> ()
        %ne3A_323 = arith.cmpi ne, %add3A_207, %add3A_245 : i32
        %ne3A_324 = arith.cmpi ne, %add3A_209, %add3A_247 : i32
        %or3A_325 = arith.constant false
        %or3A_326 = arith.ori %or3A_325, %ne3A_323 : i1
        %or3A_327 = arith.ori %or3A_326, %ne3A_324 : i1
        %or3A_328 = arith.ori %or3A_327, %eq3A_205 : i1
        %convert_element_type3A_329 = arith.extui %or3A_328 : i1 to i32
        %cond3A_330 = arith.constant 0 : i32
        %cond3A_331 = arith.cmpi ne, %convert_element_type3A_329, %cond3A_330 : i32
        scf.if %cond3A_331 {
        } else {
        }
        %and3A_332 = arith.constant false
        %and3A_333 = arith.andi %or3A_328, %and3A_332 : i1
        %mul3A_334 = arith.constant 32 : i32
        %mul3A_335 = arith.muli %add3A_207, %mul3A_334 : i32
        %add3A_336 = arith.addi %mul3A_335, %add3A_209 : i32
        %mul3A_337 = arith.constant 32 : i32
        %mul3A_338 = arith.muli %add3A_245, %mul3A_337 : i32
        %add3A_339 = arith.addi %mul3A_338, %add3A_247 : i32
        %ne3A_340 = arith.cmpi ne, %add3A_336, %add3A_339 : i32
        %or3A_341 = arith.constant false
        %or3A_342 = arith.ori %or3A_341, %ne3A_340 : i1
        %or3A_343 = arith.constant false
        %or3A_344 = arith.ori %or3A_342, %or3A_343 : i1
        %or3A_345 = arith.ori %or3A_344, %eq3A_205 : i1
        %convert_element_type3A_346 = arith.extui %or3A_345 : i1 to i32
        %cond3A_347 = arith.constant 0 : i32
        %cond3A_348 = arith.cmpi ne, %convert_element_type3A_346, %cond3A_347 : i32
        scf.if %cond3A_348 {
          "tpu.trace_start"() <{level = 10 : i32, message = "ep_copy_out"}> : () -> ()
          %rem3A_414 = arith.constant 2 : i32
          %rem3A_415 = arith.remui %scan3A_198, %rem3A_414 : i32
          %mul3A_416 = arith.constant 32 : i32
          %mul3A_417 = arith.muli %add3A_207, %mul3A_416 : i32
          %add3A_418 = arith.addi %mul3A_417, %add3A_209 : i32
          %mul3A_419 = arith.constant 128 : i32
          %mul3A_420 = arith.muli %mul3A_419, %add3A_418 : i32
          %dma_start3A_421 = arith.constant 0 : i32
          %dma_start3A_422 = arith.constant 0 : i32
          %dma_start3A_423 = tpu.memref_slice %run_scoped3A_8[%rem3A_415, %dma_start3A_421, %dma_start3A_422] : memref<2x128x384xf32, #tpu.memory_space<vmem>> -> memref<1x128x384xf32, #tpu.memory_space<vmem>>
          %dma_start3A_424 = tpu.memref_squeeze %dma_start3A_423 : memref<1x128x384xf32, #tpu.memory_space<vmem>> -> memref<128x384xf32, #tpu.memory_space<vmem>>
          %dma_start3A_425 = arith.constant 0 : i32
          %dma_start3A_426 = tpu.memref_slice %arg4[%mul3A_420, %dma_start3A_425] : memref<8192x384xf32, #tpu.memory_space<hbm>> -> memref<128x384xf32, #tpu.memory_space<hbm>>
          %dma_start3A_427 = tpu.memref_slice %run_scoped3A_9[%rem3A_415] : memref<2x!tpu.dma_semaphore, #tpu.memory_space<semaphore_mem>> -> memref<1x!tpu.dma_semaphore, #tpu.memory_space<semaphore_mem>>
          %dma_start3A_428 = tpu.memref_squeeze %dma_start3A_427 : memref<1x!tpu.dma_semaphore, #tpu.memory_space<semaphore_mem>> -> memref<!tpu.dma_semaphore, #tpu.memory_space<semaphore_mem>>
          %dma_start3A_429 = arith.constant 0 : i32
          %dma_start3A_430 = tpu.memref_slice %arg4[%mul3A_420, %dma_start3A_429] : memref<8192x384xf32, #tpu.memory_space<hbm>> -> memref<128x384xf32, #tpu.memory_space<hbm>>
          %dma_start3A_431 = arith.constant 0 : i32
          %dma_start3A_432 = arith.constant 0 : i32
          %dma_start3A_433 = tpu.memref_slice %run_scoped3A_8[%rem3A_415, %dma_start3A_431, %dma_start3A_432] : memref<2x128x384xf32, #tpu.memory_space<vmem>> -> memref<1x128x384xf32, #tpu.memory_space<vmem>>
          %dma_start3A_434 = tpu.memref_squeeze %dma_start3A_433 : memref<1x128x384xf32, #tpu.memory_space<vmem>> -> memref<128x384xf32, #tpu.memory_space<vmem>>
          tpu.enqueue_dma source(%dma_start3A_434 : memref<128x384xf32, #tpu.memory_space<vmem>>) target(%dma_start3A_430 : memref<128x384xf32, #tpu.memory_space<hbm>>) target_semaphore(%dma_start3A_428 : memref<!tpu.dma_semaphore, #tpu.memory_space<semaphore_mem>>)
          "tpu.trace_stop"() : () -> ()
        } else {
        }
        %and3A_349 = arith.constant true
        %and3A_350 = arith.andi %or3A_345, %and3A_349 : i1
        %add3A_351 = arith.constant 1 : i32
        %add3A_352 = arith.addi %scan3A_198, %add3A_351 : i32
        %select_n3A_353 = arith.select %and3A_350, %add3A_352, %scan3A_198 : i32
        %ne3A_354 = arith.cmpi ne, %add3A_207, %add3A_226 : i32
        %ne3A_355 = arith.cmpi ne, %add3A_209, %add3A_228 : i32
        %or3A_356 = arith.constant false
        %or3A_357 = arith.ori %or3A_356, %ne3A_354 : i1
        %or3A_358 = arith.ori %or3A_357, %ne3A_355 : i1
        %not3A_359 = arith.constant true
        %not3A_360 = arith.xori %eq3A_203, %not3A_359 : i1
        %and3A_361 = arith.andi %or3A_358, %not3A_360 : i1
        %convert_element_type3A_362 = arith.extui %and3A_361 : i1 to i32
        %cond3A_363 = arith.constant 0 : i32
        %cond3A_364 = arith.cmpi ne, %convert_element_type3A_362, %cond3A_363 : i32
        scf.if %cond3A_364 {
        } else {
        }
        %and3A_365 = arith.constant false
        %and3A_366 = arith.andi %and3A_361, %and3A_365 : i1
        %mul3A_367 = arith.constant 32 : i32
        %mul3A_368 = arith.muli %add3A_207, %mul3A_367 : i32
        %add3A_369 = arith.addi %mul3A_368, %add3A_209 : i32
        %mul3A_370 = arith.constant 32 : i32
        %mul3A_371 = arith.muli %add3A_226, %mul3A_370 : i32
        %add3A_372 = arith.addi %mul3A_371, %add3A_228 : i32
        %ne3A_373 = arith.cmpi ne, %add3A_369, %add3A_372 : i32
        %or3A_374 = arith.constant false
        %or3A_375 = arith.ori %or3A_374, %ne3A_373 : i1
        %or3A_376 = arith.constant false
        %or3A_377 = arith.ori %or3A_375, %or3A_376 : i1
        %not3A_378 = arith.constant true
        %not3A_379 = arith.xori %eq3A_203, %not3A_378 : i1
        %and3A_380 = arith.andi %or3A_377, %not3A_379 : i1
        %convert_element_type3A_381 = arith.extui %and3A_380 : i1 to i32
        %cond3A_382 = arith.constant 0 : i32
        %cond3A_383 = arith.cmpi ne, %convert_element_type3A_381, %cond3A_382 : i32
        scf.if %cond3A_383 {
          "tpu.trace_start"() <{level = 10 : i32, message = "ep_wait_out"}> : () -> ()
          %rem3A_414 = arith.constant 2 : i32
          %rem3A_415 = arith.remui %scan3A_199, %rem3A_414 : i32
          %mul3A_416 = arith.constant 32 : i32
          %mul3A_417 = arith.muli %add3A_226, %mul3A_416 : i32
          %add3A_418 = arith.addi %mul3A_417, %add3A_228 : i32
          %mul3A_419 = arith.constant 128 : i32
          %mul3A_420 = arith.muli %mul3A_419, %add3A_418 : i32
          %dma_wait3A_421 = arith.constant 0 : i32
          %dma_wait3A_422 = arith.constant 0 : i32
          %dma_wait3A_423 = tpu.memref_slice %run_scoped3A_8[%rem3A_415, %dma_wait3A_421, %dma_wait3A_422] : memref<2x128x384xf32, #tpu.memory_space<vmem>> -> memref<1x128x384xf32, #tpu.memory_space<vmem>>
          %dma_wait3A_424 = tpu.memref_squeeze %dma_wait3A_423 : memref<1x128x384xf32, #tpu.memory_space<vmem>> -> memref<128x384xf32, #tpu.memory_space<vmem>>
          %dma_wait3A_425 = arith.constant 0 : i32
          %dma_wait3A_426 = tpu.memref_slice %arg4[%mul3A_420, %dma_wait3A_425] : memref<8192x384xf32, #tpu.memory_space<hbm>> -> memref<128x384xf32, #tpu.memory_space<hbm>>
          %dma_wait3A_427 = tpu.memref_slice %run_scoped3A_9[%rem3A_415] : memref<2x!tpu.dma_semaphore, #tpu.memory_space<semaphore_mem>> -> memref<1x!tpu.dma_semaphore, #tpu.memory_space<semaphore_mem>>
          %dma_wait3A_428 = tpu.memref_squeeze %dma_wait3A_427 : memref<1x!tpu.dma_semaphore, #tpu.memory_space<semaphore_mem>> -> memref<!tpu.dma_semaphore, #tpu.memory_space<semaphore_mem>>
          %dma_wait3A_429 = arith.constant 0 : i32
          %dma_wait3A_430 = tpu.memref_slice %arg4[%mul3A_420, %dma_wait3A_429] : memref<8192x384xf32, #tpu.memory_space<hbm>> -> memref<128x384xf32, #tpu.memory_space<hbm>>
          %dma_wait3A_431 = arith.constant 0 : i32
          %dma_wait3A_432 = arith.constant 0 : i32
          %dma_wait3A_433 = tpu.memref_slice %run_scoped3A_8[%rem3A_415, %dma_wait3A_431, %dma_wait3A_432] : memref<2x128x384xf32, #tpu.memory_space<vmem>> -> memref<1x128x384xf32, #tpu.memory_space<vmem>>
          %dma_wait3A_434 = tpu.memref_squeeze %dma_wait3A_433 : memref<1x128x384xf32, #tpu.memory_space<vmem>> -> memref<128x384xf32, #tpu.memory_space<vmem>>
          tpu.wait_dma2 semaphore(%dma_wait3A_428 : memref<!tpu.dma_semaphore, #tpu.memory_space<semaphore_mem>>) src(%dma_wait3A_434 : memref<128x384xf32, #tpu.memory_space<vmem>>) dst(%dma_wait3A_430 : memref<128x384xf32, #tpu.memory_space<hbm>>)
          "tpu.trace_stop"() : () -> ()
        } else {
        }
        %and3A_384 = arith.constant true
        %and3A_385 = arith.andi %and3A_380, %and3A_384 : i1
        %add3A_386 = arith.constant 1 : i32
        %add3A_387 = arith.addi %scan3A_199, %add3A_386 : i32
        %select_n3A_388 = arith.select %and3A_385, %add3A_387, %scan3A_199 : i32
        %ne3A_389 = arith.cmpi ne, %add3A_207, %add3A_245 : i32
        %ne3A_390 = arith.cmpi ne, %add3A_209, %add3A_247 : i32
        %or3A_391 = arith.constant false
        %or3A_392 = arith.ori %or3A_391, %ne3A_389 : i1
        %or3A_393 = arith.ori %or3A_392, %ne3A_390 : i1
        %or3A_394 = arith.ori %or3A_393, %eq3A_205 : i1
        %add3A_395 = arith.constant 1 : i32
        %add3A_396 = arith.addi %scan3A_197, %add3A_395 : i32
        %select_n3A_397 = arith.select %or3A_394, %add3A_396, %scan3A_197 : i32
        %select_n3A_398 = arith.constant true
        %select_n3A_399 = arith.constant 0 : i32
        %select_n3A_400 = arith.constant 1 : i32
        %select_n3A_401 = arith.select %select_n3A_398, %select_n3A_400, %select_n3A_399 : i32
        %eq3A_402 = arith.constant 1 : i32
        %eq3A_403 = arith.cmpi eq, %select_n3A_401, %eq3A_402 : i32
        %select_n3A_404 = arith.constant 0 : i32
        %select_n3A_405 = arith.select %eq3A_403, %select_n3A_404, %select_n3A_401 : i32
        %add3A_406 = arith.constant 1 : i32
        %add3A_407 = arith.addi %scan3A_200, %add3A_406 : i32
        %select_n3A_408 = arith.select %eq3A_403, %add3A_407, %scan3A_200 : i32
        %eq3A_409 = arith.constant 2 : i32
        %eq3A_410 = arith.cmpi eq, %select_n3A_408, %eq3A_409 : i32
        %select_n3A_411 = arith.constant 0 : i32
        %select_n3A_412 = arith.select %eq3A_410, %select_n3A_411, %select_n3A_408 : i32
        %scan3A_413 = arith.constant 0 : i32
        scf.yield %select_n3A_277, %select_n3A_397, %select_n3A_353, %select_n3A_388, %select_n3A_412, %scan3A_413 : i32, i32, i32, i32, i32, i32
      }
      %scan3A_99 = arith.constant 2 : i32
      %sub3A = arith.constant 1 : i32
      %sub3A_100 = arith.subi %scan3A_98#5, %sub3A : i32
      %select_n3A_101 = arith.constant true
      %select_n3A_102 = arith.select %select_n3A_101, %sub3A_100, %scan3A_98#5 : i32
      %eq3A_103 = arith.constant -1 : i32
      %eq3A_104 = arith.cmpi eq, %select_n3A_102, %eq3A_103 : i32
      %select_n3A_105 = arith.constant 0 : i32
      %select_n3A_106 = arith.select %eq3A_104, %select_n3A_105, %select_n3A_102 : i32
      %sub3A_107 = arith.constant 1 : i32
      %sub3A_108 = arith.subi %scan3A_98#4, %sub3A_107 : i32
      %select_n3A_109 = arith.select %eq3A_104, %sub3A_108, %scan3A_98#4 : i32
      %eq3A_110 = arith.constant -1 : i32
      %eq3A_111 = arith.cmpi eq, %select_n3A_109, %eq3A_110 : i32
      %select_n3A_112 = arith.constant 1 : i32
      %select_n3A_113 = arith.select %eq3A_111, %select_n3A_112, %select_n3A_109 : i32
      %add3A_114 = arith.constant 0 : i32
      %add3A_115 = arith.addi %select_n3A_113, %add3A_114 : i32
      %add3A_116 = arith.constant 0 : i32
      %add3A_117 = arith.addi %add3A_116, %mul3A_6 : i32
      %select_n3A_118 = arith.constant true
      %select_n3A_119 = arith.constant 0 : i32
      %select_n3A_120 = arith.constant -1 : i32
      %select_n3A_121 = arith.select %select_n3A_118, %select_n3A_120, %select_n3A_119 : i32
      %eq3A_122 = arith.constant -1 : i32
      %eq3A_123 = arith.cmpi eq, %select_n3A_121, %eq3A_122 : i32
      %select_n3A_124 = arith.constant 0 : i32
      %select_n3A_125 = arith.select %eq3A_123, %select_n3A_124, %select_n3A_121 : i32
      %sub3A_126 = arith.constant 1 : i32
      %sub3A_127 = arith.subi %select_n3A_113, %sub3A_126 : i32
      %select_n3A_128 = arith.select %eq3A_123, %sub3A_127, %select_n3A_113 : i32
      %eq3A_129 = arith.constant -1 : i32
      %eq3A_130 = arith.cmpi eq, %select_n3A_128, %eq3A_129 : i32
      %select_n3A_131 = arith.constant 1 : i32
      %select_n3A_132 = arith.select %eq3A_130, %select_n3A_131, %select_n3A_128 : i32
      %add3A_133 = arith.constant 0 : i32
      %add3A_134 = arith.addi %select_n3A_132, %add3A_133 : i32
      %add3A_135 = arith.constant 0 : i32
      %add3A_136 = arith.addi %add3A_135, %mul3A_6 : i32
      %select_n3A_137 = arith.constant true
      %select_n3A_138 = arith.constant 0 : i32
      %select_n3A_139 = arith.constant 1 : i32
      %select_n3A_140 = arith.select %select_n3A_137, %select_n3A_139, %select_n3A_138 : i32
      %eq3A_141 = arith.constant 1 : i32
      %eq3A_142 = arith.cmpi eq, %select_n3A_140, %eq3A_141 : i32
      %select_n3A_143 = arith.constant 0 : i32
      %select_n3A_144 = arith.select %eq3A_142, %select_n3A_143, %select_n3A_140 : i32
      %add3A_145 = arith.constant 1 : i32
      %add3A_146 = arith.addi %select_n3A_113, %add3A_145 : i32
      %select_n3A_147 = arith.select %eq3A_142, %add3A_146, %select_n3A_113 : i32
      %eq3A_148 = arith.constant 2 : i32
      %eq3A_149 = arith.cmpi eq, %select_n3A_147, %eq3A_148 : i32
      %select_n3A_150 = arith.constant 0 : i32
      %select_n3A_151 = arith.select %eq3A_149, %select_n3A_150, %select_n3A_147 : i32
      %add3A_152 = arith.constant 0 : i32
      %add3A_153 = arith.addi %select_n3A_151, %add3A_152 : i32
      %add3A_154 = arith.constant 0 : i32
      %add3A_155 = arith.addi %add3A_154, %mul3A_6 : i32
      %select_n3A_156 = arith.constant true
      %select_n3A_157 = arith.constant 0 : i32
      %select_n3A_158 = arith.constant 1 : i32
      %select_n3A_159 = arith.select %select_n3A_156, %select_n3A_158, %select_n3A_157 : i32
      %eq3A_160 = arith.constant 1 : i32
      %eq3A_161 = arith.cmpi eq, %select_n3A_159, %eq3A_160 : i32
      %select_n3A_162 = arith.constant 0 : i32
      %select_n3A_163 = arith.select %eq3A_161, %select_n3A_162, %select_n3A_159 : i32
      %add3A_164 = arith.constant 1 : i32
      %add3A_165 = arith.addi %select_n3A_151, %add3A_164 : i32
      %select_n3A_166 = arith.select %eq3A_161, %add3A_165, %select_n3A_151 : i32
      %eq3A_167 = arith.constant 2 : i32
      %eq3A_168 = arith.cmpi eq, %select_n3A_166, %eq3A_167 : i32
      %select_n3A_169 = arith.constant 0 : i32
      %select_n3A_170 = arith.select %eq3A_168, %select_n3A_169, %select_n3A_166 : i32
      %add3A_171 = arith.constant 0 : i32
      %add3A_172 = arith.addi %select_n3A_170, %add3A_171 : i32
      %add3A_173 = arith.constant 0 : i32
      %add3A_174 = arith.addi %add3A_173, %mul3A_6 : i32
      "tpu.trace_start"() <{level = 10 : i32, message = "ep_finalize"}> : () -> ()
      %rem3A_175 = arith.constant 2 : i32
      %rem3A_176 = arith.remui %scan3A_98#3, %rem3A_175 : i32
      %mul3A_177 = arith.constant 32 : i32
      %mul3A_178 = arith.muli %add3A_115, %mul3A_177 : i32
      %add3A_179 = arith.addi %mul3A_178, %add3A_117 : i32
      %mul3A_180 = arith.constant 128 : i32
      %mul3A_181 = arith.muli %mul3A_180, %add3A_179 : i32
      %dma_wait3A = arith.constant 0 : i32
      %dma_wait3A_182 = arith.constant 0 : i32
      %dma_wait3A_183 = tpu.memref_slice %run_scoped3A_8[%rem3A_176, %dma_wait3A, %dma_wait3A_182] : memref<2x128x384xf32, #tpu.memory_space<vmem>> -> memref<1x128x384xf32, #tpu.memory_space<vmem>>
      %dma_wait3A_184 = tpu.memref_squeeze %dma_wait3A_183 : memref<1x128x384xf32, #tpu.memory_space<vmem>> -> memref<128x384xf32, #tpu.memory_space<vmem>>
      %dma_wait3A_185 = arith.constant 0 : i32
      %dma_wait3A_186 = tpu.memref_slice %arg4[%mul3A_181, %dma_wait3A_185] : memref<8192x384xf32, #tpu.memory_space<hbm>> -> memref<128x384xf32, #tpu.memory_space<hbm>>
      %dma_wait3A_187 = tpu.memref_slice %run_scoped3A_9[%rem3A_176] : memref<2x!tpu.dma_semaphore, #tpu.memory_space<semaphore_mem>> -> memref<1x!tpu.dma_semaphore, #tpu.memory_space<semaphore_mem>>
      %dma_wait3A_188 = tpu.memref_squeeze %dma_wait3A_187 : memref<1x!tpu.dma_semaphore, #tpu.memory_space<semaphore_mem>> -> memref<!tpu.dma_semaphore, #tpu.memory_space<semaphore_mem>>
      %dma_wait3A_189 = arith.constant 0 : i32
      %dma_wait3A_190 = tpu.memref_slice %arg4[%mul3A_181, %dma_wait3A_189] : memref<8192x384xf32, #tpu.memory_space<hbm>> -> memref<128x384xf32, #tpu.memory_space<hbm>>
      %dma_wait3A_191 = arith.constant 0 : i32
      %dma_wait3A_192 = arith.constant 0 : i32
      %dma_wait3A_193 = tpu.memref_slice %run_scoped3A_8[%rem3A_176, %dma_wait3A_191, %dma_wait3A_192] : memref<2x128x384xf32, #tpu.memory_space<vmem>> -> memref<1x128x384xf32, #tpu.memory_space<vmem>>
      %dma_wait3A_194 = tpu.memref_squeeze %dma_wait3A_193 : memref<1x128x384xf32, #tpu.memory_space<vmem>> -> memref<128x384xf32, #tpu.memory_space<vmem>>
      tpu.wait_dma2 semaphore(%dma_wait3A_188 : memref<!tpu.dma_semaphore, #tpu.memory_space<semaphore_mem>>) src(%dma_wait3A_194 : memref<128x384xf32, #tpu.memory_space<vmem>>) dst(%dma_wait3A_190 : memref<128x384xf32, #tpu.memory_space<hbm>>)
      "tpu.trace_stop"() : () -> ()
      tpu.yield
    }) : () -> ()
    return
  }
}

#map = affine_map<(d0, d1) -> (0, 0)>
module attributes {stable_mosaic.version = 14 : i64} {
  func.func @k(%arg0: i32, %arg1: i32, %arg2: memref<2048x768xf32, #tpu.memory_space<hbm>>, %arg3: memref<2x4096xi32, #tpu.memory_space<hbm>>, %arg4: memref<10240x384xf32, #tpu.memory_space<hbm>>) attributes {dimension_semantics = [#tpu.dimension_semantics<core_parallel>, #tpu.dimension_semantics<subcore_parallel>], iteration_bounds = array<i64: 2, 16>, scalar_prefetch = 0 : i64, scratch_operands = 0 : i64, tpu.core_type = #tpu.core_type<sc_vector_subcore>, window_params = [{transform_indices = #map}, {transform_indices = #map}, {transform_indices = #map}]} {
    %mul3A = arith.constant 1 : i32
    %mul3A_0 = arith.muli %arg1, %mul3A : i32
    %add3A = arith.constant 0 : i32
    %add3A_1 = arith.addi %add3A, %mul3A_0 : i32
    %mul3A_2 = arith.constant 16 : i32
    %mul3A_3 = arith.muli %arg0, %mul3A_2 : i32
    %add3A_4 = arith.addi %add3A_1, %mul3A_3 : i32
    %lt3A = arith.constant 16 : i32
    %lt3A_5 = arith.cmpi slt, %add3A_4, %lt3A : i32
    %jit3A = arith.constant 1 : i32
    %jit3A_6 = arith.constant 0 : i32
    %select_n3A = arith.select %lt3A_5, %jit3A, %jit3A_6 : i32
    %lt3A_7 = arith.constant 16 : i32
    %lt3A_8 = arith.cmpi slt, %add3A_4, %lt3A_7 : i32
    %mul3A_9 = arith.muli %add3A_4, %select_n3A : i32
    %mul3A_10 = arith.constant 0 : i32
    %mul3A_11 = arith.muli %add3A_4, %mul3A_10 : i32
    %add3A_12 = arith.constant 16 : i32
    %add3A_13 = arith.addi %mul3A_11, %add3A_12 : i32
    %select_n3A_14 = arith.select %lt3A_8, %mul3A_9, %add3A_13 : i32
    %mul3A_15 = arith.constant 1 : i32
    %mul3A_16 = arith.muli %mul3A_15, %select_n3A : i32
    %mul3A_17 = arith.constant 2 : i32
    %mul3A_18 = arith.muli %mul3A_16, %mul3A_17 : i32
    "tpu.region"() ({
      %run_scoped3A = memref.alloca() : memref<2x128x384xf32, #tpu.memory_space<vmem>>
      %run_scoped3A_19 = tpu.sem_alloc : memref<2x!tpu.dma_semaphore, #tpu.memory_space<semaphore_mem>>
      %run_scoped3A_20 = memref.alloca() : memref<2x1x128xi32, #tpu.memory_space<vmem>>
      %run_scoped3A_21 = tpu.sem_alloc : memref<2x!tpu.dma_semaphore, #tpu.memory_space<semaphore_mem>>
      %run_scoped3A_22 = memref.alloca() : memref<2x1x128xi32, #tpu.memory_space<vmem>>
      %run_scoped3A_23 = tpu.sem_alloc : memref<2x!tpu.dma_semaphore, #tpu.memory_space<semaphore_mem>>
      %gt3A = arith.constant 0 : i32
      %gt3A_24 = arith.cmpi sgt, %mul3A_18, %gt3A : i32
      %convert_element_type3A = arith.extui %gt3A_24 : i1 to i32
      %cond3A = arith.constant 0 : i32
      %cond3A_25 = arith.cmpi ne, %convert_element_type3A, %cond3A : i32
      scf.if %cond3A_25 {
        %mul3A_26 = arith.constant 1 : i32
        %mul3A_27 = arith.muli %mul3A_26, %select_n3A : i32
        %mul3A_28 = arith.constant 2 : i32
        %mul3A_29 = arith.muli %mul3A_27, %mul3A_28 : i32
        %sub3A = arith.constant 1 : i32
        %sub3A_30 = arith.subi %mul3A_29, %sub3A : i32
        %eq3A = arith.constant 0 : i32
        %eq3A_31 = arith.cmpi eq, %sub3A_30, %eq3A : i32
        %add3A_32 = arith.constant 0 : i32
        %add3A_33 = arith.addi %add3A_32, %select_n3A_14 : i32
        %select_n3A_34 = arith.constant true
        %select_n3A_35 = arith.constant 0 : i32
        %select_n3A_36 = arith.constant -1 : i32
        %select_n3A_37 = arith.select %select_n3A_34, %select_n3A_36, %select_n3A_35 : i32
        %eq3A_38 = arith.constant -1 : i32
        %eq3A_39 = arith.cmpi eq, %select_n3A_37, %eq3A_38 : i32
        %select_n3A_40 = arith.constant 1 : i32
        %select_n3A_41 = arith.select %eq3A_39, %select_n3A_40, %select_n3A_37 : i32
        %select_n3A_42 = arith.constant 0 : i32
        %select_n3A_43 = arith.constant -1 : i32
        %select_n3A_44 = arith.select %eq3A_39, %select_n3A_43, %select_n3A_42 : i32
        %eq3A_45 = arith.constant -1 : i32
        %eq3A_46 = arith.cmpi eq, %select_n3A_44, %eq3A_45 : i32
        %sub3A_47 = arith.constant 1 : i32
        %sub3A_48 = arith.subi %select_n3A, %sub3A_47 : i32
        %select_n3A_49 = arith.select %eq3A_46, %sub3A_48, %select_n3A_44 : i32
        %add3A_50 = arith.addi %select_n3A_49, %select_n3A_14 : i32
        %add3A_51 = arith.constant 0 : i32
        %add3A_52 = arith.addi %select_n3A_41, %add3A_51 : i32
        %select_n3A_53 = arith.constant true
        %select_n3A_54 = arith.constant 0 : i32
        %select_n3A_55 = arith.constant 1 : i32
        %select_n3A_56 = arith.select %select_n3A_53, %select_n3A_55, %select_n3A_54 : i32
        %eq3A_57 = arith.constant 2 : i32
        %eq3A_58 = arith.cmpi eq, %select_n3A_56, %eq3A_57 : i32
        %select_n3A_59 = arith.constant 0 : i32
        %select_n3A_60 = arith.select %eq3A_58, %select_n3A_59, %select_n3A_56 : i32
        %select_n3A_61 = arith.constant 0 : i32
        %select_n3A_62 = arith.constant 1 : i32
        %select_n3A_63 = arith.select %eq3A_58, %select_n3A_62, %select_n3A_61 : i32
        %eq3A_64 = arith.cmpi eq, %select_n3A_63, %select_n3A : i32
        %select_n3A_65 = arith.constant 0 : i32
        %select_n3A_66 = arith.select %eq3A_64, %select_n3A_65, %select_n3A_63 : i32
        %add3A_67 = arith.addi %select_n3A_66, %select_n3A_14 : i32
        %add3A_68 = arith.constant 0 : i32
        %add3A_69 = arith.addi %select_n3A_60, %add3A_68 : i32
        %add3A_70 = arith.constant 1 : i32
        %add3A_71 = arith.addi %select_n3A_60, %add3A_70 : i32
        %select_n3A_72 = arith.constant true
        %select_n3A_73 = arith.select %select_n3A_72, %add3A_71, %select_n3A_60 : i32
        %eq3A_74 = arith.constant 2 : i32
        %eq3A_75 = arith.cmpi eq, %select_n3A_73, %eq3A_74 : i32
        %select_n3A_76 = arith.constant 0 : i32
        %select_n3A_77 = arith.select %eq3A_75, %select_n3A_76, %select_n3A_73 : i32
        %add3A_78 = arith.constant 1 : i32
        %add3A_79 = arith.addi %select_n3A_66, %add3A_78 : i32
        %select_n3A_80 = arith.select %eq3A_75, %add3A_79, %select_n3A_66 : i32
        %eq3A_81 = arith.cmpi eq, %select_n3A_80, %select_n3A : i32
        %select_n3A_82 = arith.constant 0 : i32
        %select_n3A_83 = arith.select %eq3A_81, %select_n3A_82, %select_n3A_80 : i32
        %add3A_84 = arith.addi %select_n3A_83, %select_n3A_14 : i32
        %add3A_85 = arith.constant 0 : i32
        %add3A_86 = arith.addi %select_n3A_77, %add3A_85 : i32
        "tpu.trace_start"() <{level = 10 : i32, message = "ep_initialize_0"}> : () -> ()
        %rem3A = arith.constant 0 : i32
        %rem3A_87 = arith.constant 2 : i32
        %rem3A_88 = arith.remui %rem3A, %rem3A_87 : i32
        %mul3A_89 = arith.constant 128 : i32
        %mul3A_90 = arith.muli %mul3A_89, %add3A_33 : i32
        %dma_start3A = arith.constant 0 : i32
        %dma_start3A_91 = arith.constant 0 : i32
        %dma_start3A_92 = tpu.memref_slice %run_scoped3A[%rem3A_88, %dma_start3A, %dma_start3A_91] : memref<2x128x384xf32, #tpu.memory_space<vmem>> -> memref<1x128x384xf32, #tpu.memory_space<vmem>>
        %dma_start3A_93 = tpu.memref_squeeze %dma_start3A_92 : memref<1x128x384xf32, #tpu.memory_space<vmem>> -> memref<128x384xf32, #tpu.memory_space<vmem>>
        %dma_start3A_94 = arith.constant 0 : i32
        %dma_start3A_95 = tpu.memref_slice %arg2[%mul3A_90, %dma_start3A_94] : memref<2048x768xf32, #tpu.memory_space<hbm>> -> memref<128x384xf32, #tpu.memory_space<hbm>>
        %dma_start3A_96 = tpu.memref_slice %run_scoped3A_19[%rem3A_88] : memref<2x!tpu.dma_semaphore, #tpu.memory_space<semaphore_mem>> -> memref<1x!tpu.dma_semaphore, #tpu.memory_space<semaphore_mem>>
        %dma_start3A_97 = tpu.memref_squeeze %dma_start3A_96 : memref<1x!tpu.dma_semaphore, #tpu.memory_space<semaphore_mem>> -> memref<!tpu.dma_semaphore, #tpu.memory_space<semaphore_mem>>
        %dma_start3A_98 = arith.constant 0 : i32
        %dma_start3A_99 = arith.constant 0 : i32
        %dma_start3A_100 = tpu.memref_slice %run_scoped3A[%rem3A_88, %dma_start3A_98, %dma_start3A_99] : memref<2x128x384xf32, #tpu.memory_space<vmem>> -> memref<1x128x384xf32, #tpu.memory_space<vmem>>
        %dma_start3A_101 = tpu.memref_squeeze %dma_start3A_100 : memref<1x128x384xf32, #tpu.memory_space<vmem>> -> memref<128x384xf32, #tpu.memory_space<vmem>>
        %dma_start3A_102 = arith.constant 0 : i32
        %dma_start3A_103 = tpu.memref_slice %arg2[%mul3A_90, %dma_start3A_102] : memref<2048x768xf32, #tpu.memory_space<hbm>> -> memref<128x384xf32, #tpu.memory_space<hbm>>
        tpu.enqueue_dma source(%dma_start3A_103 : memref<128x384xf32, #tpu.memory_space<hbm>>) target(%dma_start3A_101 : memref<128x384xf32, #tpu.memory_space<vmem>>) target_semaphore(%dma_start3A_97 : memref<!tpu.dma_semaphore, #tpu.memory_space<semaphore_mem>>)
        %add3A_104 = arith.constant 0 : i32
        %add3A_105 = arith.constant 1 : i32
        %add3A_106 = arith.addi %add3A_104, %add3A_105 : i32
        %select_n3A_107 = arith.constant true
        %select_n3A_108 = arith.constant 0 : i32
        %select_n3A_109 = arith.select %select_n3A_107, %add3A_106, %select_n3A_108 : i32
        %rem3A_110 = arith.constant 0 : i32
        %rem3A_111 = arith.constant 2 : i32
        %rem3A_112 = arith.remui %rem3A_110, %rem3A_111 : i32
        %mul3A_113 = arith.constant 128 : i32
        %mul3A_114 = arith.muli %mul3A_113, %add3A_33 : i32
        %dma_start3A_115 = arith.constant 0 : i32
        %dma_start3A_116 = arith.constant 0 : i32
        %dma_start3A_117 = tpu.memref_slice %run_scoped3A_20[%rem3A_112, %dma_start3A_115, %dma_start3A_116] : memref<2x1x128xi32, #tpu.memory_space<vmem>> -> memref<1x1x128xi32, #tpu.memory_space<vmem>>
        %dma_start3A_118 = tpu.memref_squeeze %dma_start3A_117 : memref<1x1x128xi32, #tpu.memory_space<vmem>> -> memref<1x128xi32, #tpu.memory_space<vmem>>
        %dma_start3A_119 = arith.constant 0 : i32
        %dma_start3A_120 = tpu.memref_slice %arg3[%dma_start3A_119, %mul3A_114] : memref<2x4096xi32, #tpu.memory_space<hbm>> -> memref<1x128xi32, #tpu.memory_space<hbm>>
        %dma_start3A_121 = tpu.memref_slice %run_scoped3A_21[%rem3A_112] : memref<2x!tpu.dma_semaphore, #tpu.memory_space<semaphore_mem>> -> memref<1x!tpu.dma_semaphore, #tpu.memory_space<semaphore_mem>>
        %dma_start3A_122 = tpu.memref_squeeze %dma_start3A_121 : memref<1x!tpu.dma_semaphore, #tpu.memory_space<semaphore_mem>> -> memref<!tpu.dma_semaphore, #tpu.memory_space<semaphore_mem>>
        %dma_start3A_123 = arith.constant 0 : i32
        %dma_start3A_124 = arith.constant 0 : i32
        %dma_start3A_125 = tpu.memref_slice %run_scoped3A_20[%rem3A_112, %dma_start3A_123, %dma_start3A_124] : memref<2x1x128xi32, #tpu.memory_space<vmem>> -> memref<1x1x128xi32, #tpu.memory_space<vmem>>
        %dma_start3A_126 = tpu.memref_squeeze %dma_start3A_125 : memref<1x1x128xi32, #tpu.memory_space<vmem>> -> memref<1x128xi32, #tpu.memory_space<vmem>>
        %dma_start3A_127 = arith.constant 0 : i32
        %dma_start3A_128 = tpu.memref_slice %arg3[%dma_start3A_127, %mul3A_114] : memref<2x4096xi32, #tpu.memory_space<hbm>> -> memref<1x128xi32, #tpu.memory_space<hbm>>
        tpu.enqueue_dma source(%dma_start3A_128 : memref<1x128xi32, #tpu.memory_space<hbm>>) target(%dma_start3A_126 : memref<1x128xi32, #tpu.memory_space<vmem>>) target_semaphore(%dma_start3A_122 : memref<!tpu.dma_semaphore, #tpu.memory_space<semaphore_mem>>)
        %add3A_129 = arith.constant 0 : i32
        %add3A_130 = arith.constant 1 : i32
        %add3A_131 = arith.addi %add3A_129, %add3A_130 : i32
        %select_n3A_132 = arith.constant true
        %select_n3A_133 = arith.constant 0 : i32
        %select_n3A_134 = arith.select %select_n3A_132, %add3A_131, %select_n3A_133 : i32
        %rem3A_135 = arith.constant 0 : i32
        %rem3A_136 = arith.constant 2 : i32
        %rem3A_137 = arith.remui %rem3A_135, %rem3A_136 : i32
        %add3A_138 = arith.constant 16 : i32
        %add3A_139 = arith.addi %add3A_138, %add3A_33 : i32
        %mul3A_140 = arith.constant 128 : i32
        %mul3A_141 = arith.muli %mul3A_140, %add3A_139 : i32
        %dma_start3A_142 = arith.constant 0 : i32
        %dma_start3A_143 = arith.constant 0 : i32
        %dma_start3A_144 = tpu.memref_slice %run_scoped3A_22[%rem3A_137, %dma_start3A_142, %dma_start3A_143] : memref<2x1x128xi32, #tpu.memory_space<vmem>> -> memref<1x1x128xi32, #tpu.memory_space<vmem>>
        %dma_start3A_145 = tpu.memref_squeeze %dma_start3A_144 : memref<1x1x128xi32, #tpu.memory_space<vmem>> -> memref<1x128xi32, #tpu.memory_space<vmem>>
        %dma_start3A_146 = arith.constant 0 : i32
        %dma_start3A_147 = tpu.memref_slice %arg3[%dma_start3A_146, %mul3A_141] : memref<2x4096xi32, #tpu.memory_space<hbm>> -> memref<1x128xi32, #tpu.memory_space<hbm>>
        %dma_start3A_148 = tpu.memref_slice %run_scoped3A_23[%rem3A_137] : memref<2x!tpu.dma_semaphore, #tpu.memory_space<semaphore_mem>> -> memref<1x!tpu.dma_semaphore, #tpu.memory_space<semaphore_mem>>
        %dma_start3A_149 = tpu.memref_squeeze %dma_start3A_148 : memref<1x!tpu.dma_semaphore, #tpu.memory_space<semaphore_mem>> -> memref<!tpu.dma_semaphore, #tpu.memory_space<semaphore_mem>>
        %dma_start3A_150 = arith.constant 0 : i32
        %dma_start3A_151 = arith.constant 0 : i32
        %dma_start3A_152 = tpu.memref_slice %run_scoped3A_22[%rem3A_137, %dma_start3A_150, %dma_start3A_151] : memref<2x1x128xi32, #tpu.memory_space<vmem>> -> memref<1x1x128xi32, #tpu.memory_space<vmem>>
        %dma_start3A_153 = tpu.memref_squeeze %dma_start3A_152 : memref<1x1x128xi32, #tpu.memory_space<vmem>> -> memref<1x128xi32, #tpu.memory_space<vmem>>
        %dma_start3A_154 = arith.constant 0 : i32
        %dma_start3A_155 = tpu.memref_slice %arg3[%dma_start3A_154, %mul3A_141] : memref<2x4096xi32, #tpu.memory_space<hbm>> -> memref<1x128xi32, #tpu.memory_space<hbm>>
        tpu.enqueue_dma source(%dma_start3A_155 : memref<1x128xi32, #tpu.memory_space<hbm>>) target(%dma_start3A_153 : memref<1x128xi32, #tpu.memory_space<vmem>>) target_semaphore(%dma_start3A_149 : memref<!tpu.dma_semaphore, #tpu.memory_space<semaphore_mem>>)
        %add3A_156 = arith.constant 0 : i32
        %add3A_157 = arith.constant 1 : i32
        %add3A_158 = arith.addi %add3A_156, %add3A_157 : i32
        %select_n3A_159 = arith.constant true
        %select_n3A_160 = arith.constant 0 : i32
        %select_n3A_161 = arith.select %select_n3A_159, %add3A_158, %select_n3A_160 : i32
        %while3A = arith.constant 0 : i32
        %while3A_162 = arith.constant 0 : i32
        %while3A_163 = arith.constant 0 : i32
        %while3A_164 = arith.constant 0 : i32
        %while3A_165 = arith.constant 0 : i32
        %while3A_166 = arith.constant 0 : i32
        "tpu.trace_stop"() : () -> ()
        %while3A_167 = arith.subi %mul3A_18, %while3A : i32
        %while3A_168 = arith.addi %while3A, %while3A_167 : i32
        %while3A_169 = arith.constant 1 : i32
        %while3A_170 = arith.divsi %while3A_167, %while3A_169 : i32
        %while3A_171 = arith.muli %while3A_170, %while3A_169 : i32
        %while3A_172 = arith.addi %while3A, %while3A_171 : i32
        %while3A_173 = arith.constant 1 : i32
        %while3A_174:8 = scf.for %while3A_269 = %while3A to %while3A_172 step %while3A_173 iter_args(%while3A_270 = %select_n3A_109, %while3A_271 = %while3A_162, %while3A_272 = %select_n3A_134, %while3A_273 = %while3A_163, %while3A_274 = %select_n3A_161, %while3A_275 = %while3A_164, %while3A_276 = %while3A_165, %while3A_277 = %while3A_166) -> (i32, i32, i32, i32, i32, i32, i32, i32)  : i32 {
          %mul3A_278 = arith.constant 1 : i32
          %mul3A_279 = arith.muli %mul3A_278, %select_n3A : i32
          %mul3A_280 = arith.constant 2 : i32
          %mul3A_281 = arith.muli %mul3A_279, %mul3A_280 : i32
          %eq3A_282 = arith.constant 0 : i32
          %eq3A_283 = arith.cmpi eq, %while3A_269, %eq3A_282 : i32
          %sub3A_284 = arith.constant 1 : i32
          %sub3A_285 = arith.subi %mul3A_281, %sub3A_284 : i32
          %eq3A_286 = arith.cmpi eq, %while3A_269, %sub3A_285 : i32
          %add3A_287 = arith.addi %while3A_276, %select_n3A_14 : i32
          %add3A_288 = arith.constant 0 : i32
          %add3A_289 = arith.addi %while3A_277, %add3A_288 : i32
          %sub3A_290 = arith.constant 1 : i32
          %sub3A_291 = arith.subi %while3A_277, %sub3A_290 : i32
          %select_n3A_292 = arith.constant true
          %select_n3A_293 = arith.select %select_n3A_292, %sub3A_291, %while3A_277 : i32
          %eq3A_294 = arith.constant -1 : i32
          %eq3A_295 = arith.cmpi eq, %select_n3A_293, %eq3A_294 : i32
          %select_n3A_296 = arith.constant 1 : i32
          %select_n3A_297 = arith.select %eq3A_295, %select_n3A_296, %select_n3A_293 : i32
          %sub3A_298 = arith.constant 1 : i32
          %sub3A_299 = arith.subi %while3A_276, %sub3A_298 : i32
          %select_n3A_300 = arith.select %eq3A_295, %sub3A_299, %while3A_276 : i32
          %eq3A_301 = arith.constant -1 : i32
          %eq3A_302 = arith.cmpi eq, %select_n3A_300, %eq3A_301 : i32
          %sub3A_303 = arith.constant 1 : i32
          %sub3A_304 = arith.subi %select_n3A, %sub3A_303 : i32
          %select_n3A_305 = arith.select %eq3A_302, %sub3A_304, %select_n3A_300 : i32
          %add3A_306 = arith.addi %select_n3A_305, %select_n3A_14 : i32
          %add3A_307 = arith.constant 0 : i32
          %add3A_308 = arith.addi %select_n3A_297, %add3A_307 : i32
          %add3A_309 = arith.constant 1 : i32
          %add3A_310 = arith.addi %while3A_277, %add3A_309 : i32
          %select_n3A_311 = arith.constant true
          %select_n3A_312 = arith.select %select_n3A_311, %add3A_310, %while3A_277 : i32
          %eq3A_313 = arith.constant 2 : i32
          %eq3A_314 = arith.cmpi eq, %select_n3A_312, %eq3A_313 : i32
          %select_n3A_315 = arith.constant 0 : i32
          %select_n3A_316 = arith.select %eq3A_314, %select_n3A_315, %select_n3A_312 : i32
          %add3A_317 = arith.constant 1 : i32
          %add3A_318 = arith.addi %while3A_276, %add3A_317 : i32
          %select_n3A_319 = arith.select %eq3A_314, %add3A_318, %while3A_276 : i32
          %eq3A_320 = arith.cmpi eq, %select_n3A_319, %select_n3A : i32
          %select_n3A_321 = arith.constant 0 : i32
          %select_n3A_322 = arith.select %eq3A_320, %select_n3A_321, %select_n3A_319 : i32
          %add3A_323 = arith.addi %select_n3A_322, %select_n3A_14 : i32
          %add3A_324 = arith.constant 0 : i32
          %add3A_325 = arith.addi %select_n3A_316, %add3A_324 : i32
          %add3A_326 = arith.constant 1 : i32
          %add3A_327 = arith.addi %select_n3A_316, %add3A_326 : i32
          %select_n3A_328 = arith.constant true
          %select_n3A_329 = arith.select %select_n3A_328, %add3A_327, %select_n3A_316 : i32
          %eq3A_330 = arith.constant 2 : i32
          %eq3A_331 = arith.cmpi eq, %select_n3A_329, %eq3A_330 : i32
          %select_n3A_332 = arith.constant 0 : i32
          %select_n3A_333 = arith.select %eq3A_331, %select_n3A_332, %select_n3A_329 : i32
          %add3A_334 = arith.constant 1 : i32
          %add3A_335 = arith.addi %select_n3A_322, %add3A_334 : i32
          %select_n3A_336 = arith.select %eq3A_331, %add3A_335, %select_n3A_322 : i32
          %eq3A_337 = arith.cmpi eq, %select_n3A_336, %select_n3A : i32
          %select_n3A_338 = arith.constant 0 : i32
          %select_n3A_339 = arith.select %eq3A_337, %select_n3A_338, %select_n3A_336 : i32
          %add3A_340 = arith.addi %select_n3A_339, %select_n3A_14 : i32
          %add3A_341 = arith.constant 0 : i32
          %add3A_342 = arith.addi %select_n3A_333, %add3A_341 : i32
          %ne3A = arith.cmpi ne, %add3A_287, %add3A_323 : i32
          %ne3A_343 = arith.cmpi ne, %add3A_289, %add3A_325 : i32
          %or3A = arith.constant false
          %or3A_344 = arith.ori %or3A, %ne3A : i1
          %or3A_345 = arith.ori %or3A_344, %ne3A_343 : i1
          %sub3A_346 = arith.constant 2 : i32
          %sub3A_347 = arith.subi %mul3A_281, %sub3A_346 : i32
          %add3A_348 = arith.constant 1 : i32
          %add3A_349 = arith.addi %sub3A_347, %add3A_348 : i32
          %ge3A = arith.cmpi sge, %while3A_269, %add3A_349 : i32
          %not3A = arith.constant true
          %not3A_350 = arith.xori %ge3A, %not3A : i1
          %and3A = arith.andi %or3A_345, %not3A_350 : i1
          %convert_element_type3A_351 = arith.extui %and3A : i1 to i32
          %cond3A_352 = arith.constant 0 : i32
          %cond3A_353 = arith.cmpi ne, %convert_element_type3A_351, %cond3A_352 : i32
          scf.if %cond3A_353 {
            "tpu.trace_start"() <{level = 10 : i32, message = "ep_copy_in"}> : () -> ()
            %rem3A_569 = arith.constant 2 : i32
            %rem3A_570 = arith.remui %while3A_270, %rem3A_569 : i32
            %mul3A_571 = arith.constant 128 : i32
            %mul3A_572 = arith.muli %mul3A_571, %add3A_323 : i32
            %mul3A_573 = arith.constant 384 : i32
            %mul3A_574 = arith.muli %mul3A_573, %add3A_325 : i32
            %dma_start3A_575 = arith.constant 0 : i32
            %dma_start3A_576 = arith.constant 0 : i32
            %dma_start3A_577 = tpu.memref_slice %run_scoped3A[%rem3A_570, %dma_start3A_575, %dma_start3A_576] : memref<2x128x384xf32, #tpu.memory_space<vmem>> -> memref<1x128x384xf32, #tpu.memory_space<vmem>>
            %dma_start3A_578 = tpu.memref_squeeze %dma_start3A_577 : memref<1x128x384xf32, #tpu.memory_space<vmem>> -> memref<128x384xf32, #tpu.memory_space<vmem>>
            %dma_start3A_579 = tpu.memref_slice %arg2[%mul3A_572, %mul3A_574] : memref<2048x768xf32, #tpu.memory_space<hbm>> -> memref<128x384xf32, #tpu.memory_space<hbm>>
            %dma_start3A_580 = tpu.memref_slice %run_scoped3A_19[%rem3A_570] : memref<2x!tpu.dma_semaphore, #tpu.memory_space<semaphore_mem>> -> memref<1x!tpu.dma_semaphore, #tpu.memory_space<semaphore_mem>>
            %dma_start3A_581 = tpu.memref_squeeze %dma_start3A_580 : memref<1x!tpu.dma_semaphore, #tpu.memory_space<semaphore_mem>> -> memref<!tpu.dma_semaphore, #tpu.memory_space<semaphore_mem>>
            %dma_start3A_582 = arith.constant 0 : i32
            %dma_start3A_583 = arith.constant 0 : i32
            %dma_start3A_584 = tpu.memref_slice %run_scoped3A[%rem3A_570, %dma_start3A_582, %dma_start3A_583] : memref<2x128x384xf32, #tpu.memory_space<vmem>> -> memref<1x128x384xf32, #tpu.memory_space<vmem>>
            %dma_start3A_585 = tpu.memref_squeeze %dma_start3A_584 : memref<1x128x384xf32, #tpu.memory_space<vmem>> -> memref<128x384xf32, #tpu.memory_space<vmem>>
            %dma_start3A_586 = tpu.memref_slice %arg2[%mul3A_572, %mul3A_574] : memref<2048x768xf32, #tpu.memory_space<hbm>> -> memref<128x384xf32, #tpu.memory_space<hbm>>
            tpu.enqueue_dma source(%dma_start3A_586 : memref<128x384xf32, #tpu.memory_space<hbm>>) target(%dma_start3A_585 : memref<128x384xf32, #tpu.memory_space<vmem>>) target_semaphore(%dma_start3A_581 : memref<!tpu.dma_semaphore, #tpu.memory_space<semaphore_mem>>)
            "tpu.trace_stop"() : () -> ()
          } else {
          }
          %and3A_354 = arith.constant true
          %and3A_355 = arith.andi %and3A, %and3A_354 : i1
          %add3A_356 = arith.constant 1 : i32
          %add3A_357 = arith.addi %while3A_270, %add3A_356 : i32
          %select_n3A_358 = arith.select %and3A_355, %add3A_357, %while3A_270 : i32
          %ne3A_359 = arith.cmpi ne, %add3A_289, %add3A_325 : i32
          %ne3A_360 = arith.cmpi ne, %add3A_287, %add3A_323 : i32
          %or3A_361 = arith.constant false
          %or3A_362 = arith.ori %or3A_361, %ne3A_359 : i1
          %or3A_363 = arith.ori %or3A_362, %ne3A_360 : i1
          %sub3A_364 = arith.constant 2 : i32
          %sub3A_365 = arith.subi %mul3A_281, %sub3A_364 : i32
          %add3A_366 = arith.constant 1 : i32
          %add3A_367 = arith.addi %sub3A_365, %add3A_366 : i32
          %ge3A_368 = arith.cmpi sge, %while3A_269, %add3A_367 : i32
          %not3A_369 = arith.constant true
          %not3A_370 = arith.xori %ge3A_368, %not3A_369 : i1
          %and3A_371 = arith.andi %or3A_363, %not3A_370 : i1
          %convert_element_type3A_372 = arith.extui %and3A_371 : i1 to i32
          %cond3A_373 = arith.constant 0 : i32
          %cond3A_374 = arith.cmpi ne, %convert_element_type3A_372, %cond3A_373 : i32
          scf.if %cond3A_374 {
            "tpu.trace_start"() <{level = 10 : i32, message = "ep_copy_in"}> : () -> ()
            %rem3A_569 = arith.constant 2 : i32
            %rem3A_570 = arith.remui %while3A_272, %rem3A_569 : i32
            %mul3A_571 = arith.constant 1 : i32
            %mul3A_572 = arith.muli %mul3A_571, %add3A_325 : i32
            %mul3A_573 = arith.constant 128 : i32
            %mul3A_574 = arith.muli %mul3A_573, %add3A_323 : i32
            %dma_start3A_575 = arith.constant 0 : i32
            %dma_start3A_576 = arith.constant 0 : i32
            %dma_start3A_577 = tpu.memref_slice %run_scoped3A_20[%rem3A_570, %dma_start3A_575, %dma_start3A_576] : memref<2x1x128xi32, #tpu.memory_space<vmem>> -> memref<1x1x128xi32, #tpu.memory_space<vmem>>
            %dma_start3A_578 = tpu.memref_squeeze %dma_start3A_577 : memref<1x1x128xi32, #tpu.memory_space<vmem>> -> memref<1x128xi32, #tpu.memory_space<vmem>>
            %dma_start3A_579 = tpu.memref_slice %arg3[%mul3A_572, %mul3A_574] : memref<2x4096xi32, #tpu.memory_space<hbm>> -> memref<1x128xi32, #tpu.memory_space<hbm>>
            %dma_start3A_580 = tpu.memref_slice %run_scoped3A_21[%rem3A_570] : memref<2x!tpu.dma_semaphore, #tpu.memory_space<semaphore_mem>> -> memref<1x!tpu.dma_semaphore, #tpu.memory_space<semaphore_mem>>
            %dma_start3A_581 = tpu.memref_squeeze %dma_start3A_580 : memref<1x!tpu.dma_semaphore, #tpu.memory_space<semaphore_mem>> -> memref<!tpu.dma_semaphore, #tpu.memory_space<semaphore_mem>>
            %dma_start3A_582 = arith.constant 0 : i32
            %dma_start3A_583 = arith.constant 0 : i32
            %dma_start3A_584 = tpu.memref_slice %run_scoped3A_20[%rem3A_570, %dma_start3A_582, %dma_start3A_583] : memref<2x1x128xi32, #tpu.memory_space<vmem>> -> memref<1x1x128xi32, #tpu.memory_space<vmem>>
            %dma_start3A_585 = tpu.memref_squeeze %dma_start3A_584 : memref<1x1x128xi32, #tpu.memory_space<vmem>> -> memref<1x128xi32, #tpu.memory_space<vmem>>
            %dma_start3A_586 = tpu.memref_slice %arg3[%mul3A_572, %mul3A_574] : memref<2x4096xi32, #tpu.memory_space<hbm>> -> memref<1x128xi32, #tpu.memory_space<hbm>>
            tpu.enqueue_dma source(%dma_start3A_586 : memref<1x128xi32, #tpu.memory_space<hbm>>) target(%dma_start3A_585 : memref<1x128xi32, #tpu.memory_space<vmem>>) target_semaphore(%dma_start3A_581 : memref<!tpu.dma_semaphore, #tpu.memory_space<semaphore_mem>>)
            "tpu.trace_stop"() : () -> ()
          } else {
          }
          %and3A_375 = arith.constant true
          %and3A_376 = arith.andi %and3A_371, %and3A_375 : i1
          %add3A_377 = arith.constant 1 : i32
          %add3A_378 = arith.addi %while3A_272, %add3A_377 : i32
          %select_n3A_379 = arith.select %and3A_376, %add3A_378, %while3A_272 : i32
          %add3A_380 = arith.constant 16 : i32
          %add3A_381 = arith.addi %add3A_380, %add3A_287 : i32
          %add3A_382 = arith.constant 16 : i32
          %add3A_383 = arith.addi %add3A_382, %add3A_323 : i32
          %ne3A_384 = arith.cmpi ne, %add3A_289, %add3A_325 : i32
          %ne3A_385 = arith.cmpi ne, %add3A_381, %add3A_383 : i32
          %or3A_386 = arith.constant false
          %or3A_387 = arith.ori %or3A_386, %ne3A_384 : i1
          %or3A_388 = arith.ori %or3A_387, %ne3A_385 : i1
          %sub3A_389 = arith.constant 2 : i32
          %sub3A_390 = arith.subi %mul3A_281, %sub3A_389 : i32
          %add3A_391 = arith.constant 1 : i32
          %add3A_392 = arith.addi %sub3A_390, %add3A_391 : i32
          %ge3A_393 = arith.cmpi sge, %while3A_269, %add3A_392 : i32
          %not3A_394 = arith.constant true
          %not3A_395 = arith.xori %ge3A_393, %not3A_394 : i1
          %and3A_396 = arith.andi %or3A_388, %not3A_395 : i1
          %convert_element_type3A_397 = arith.extui %and3A_396 : i1 to i32
          %cond3A_398 = arith.constant 0 : i32
          %cond3A_399 = arith.cmpi ne, %convert_element_type3A_397, %cond3A_398 : i32
          scf.if %cond3A_399 {
            "tpu.trace_start"() <{level = 10 : i32, message = "ep_copy_in"}> : () -> ()
            %rem3A_569 = arith.constant 2 : i32
            %rem3A_570 = arith.remui %while3A_274, %rem3A_569 : i32
            %add3A_571 = arith.constant 16 : i32
            %add3A_572 = arith.addi %add3A_571, %add3A_323 : i32
            %mul3A_573 = arith.constant 1 : i32
            %mul3A_574 = arith.muli %mul3A_573, %add3A_325 : i32
            %mul3A_575 = arith.constant 128 : i32
            %mul3A_576 = arith.muli %mul3A_575, %add3A_572 : i32
            %dma_start3A_577 = arith.constant 0 : i32
            %dma_start3A_578 = arith.constant 0 : i32
            %dma_start3A_579 = tpu.memref_slice %run_scoped3A_22[%rem3A_570, %dma_start3A_577, %dma_start3A_578] : memref<2x1x128xi32, #tpu.memory_space<vmem>> -> memref<1x1x128xi32, #tpu.memory_space<vmem>>
            %dma_start3A_580 = tpu.memref_squeeze %dma_start3A_579 : memref<1x1x128xi32, #tpu.memory_space<vmem>> -> memref<1x128xi32, #tpu.memory_space<vmem>>
            %dma_start3A_581 = tpu.memref_slice %arg3[%mul3A_574, %mul3A_576] : memref<2x4096xi32, #tpu.memory_space<hbm>> -> memref<1x128xi32, #tpu.memory_space<hbm>>
            %dma_start3A_582 = tpu.memref_slice %run_scoped3A_23[%rem3A_570] : memref<2x!tpu.dma_semaphore, #tpu.memory_space<semaphore_mem>> -> memref<1x!tpu.dma_semaphore, #tpu.memory_space<semaphore_mem>>
            %dma_start3A_583 = tpu.memref_squeeze %dma_start3A_582 : memref<1x!tpu.dma_semaphore, #tpu.memory_space<semaphore_mem>> -> memref<!tpu.dma_semaphore, #tpu.memory_space<semaphore_mem>>
            %dma_start3A_584 = arith.constant 0 : i32
            %dma_start3A_585 = arith.constant 0 : i32
            %dma_start3A_586 = tpu.memref_slice %run_scoped3A_22[%rem3A_570, %dma_start3A_584, %dma_start3A_585] : memref<2x1x128xi32, #tpu.memory_space<vmem>> -> memref<1x1x128xi32, #tpu.memory_space<vmem>>
            %dma_start3A_587 = tpu.memref_squeeze %dma_start3A_586 : memref<1x1x128xi32, #tpu.memory_space<vmem>> -> memref<1x128xi32, #tpu.memory_space<vmem>>
            %dma_start3A_588 = tpu.memref_slice %arg3[%mul3A_574, %mul3A_576] : memref<2x4096xi32, #tpu.memory_space<hbm>> -> memref<1x128xi32, #tpu.memory_space<hbm>>
            tpu.enqueue_dma source(%dma_start3A_588 : memref<1x128xi32, #tpu.memory_space<hbm>>) target(%dma_start3A_587 : memref<1x128xi32, #tpu.memory_space<vmem>>) target_semaphore(%dma_start3A_583 : memref<!tpu.dma_semaphore, #tpu.memory_space<semaphore_mem>>)
            "tpu.trace_stop"() : () -> ()
          } else {
          }
          %and3A_400 = arith.constant true
          %and3A_401 = arith.andi %and3A_396, %and3A_400 : i1
          %add3A_402 = arith.constant 1 : i32
          %add3A_403 = arith.addi %while3A_274, %add3A_402 : i32
          %select_n3A_404 = arith.select %and3A_401, %add3A_403, %while3A_274 : i32
          %ne3A_405 = arith.cmpi ne, %add3A_287, %add3A_306 : i32
          %ne3A_406 = arith.cmpi ne, %add3A_289, %add3A_308 : i32
          %or3A_407 = arith.constant false
          %or3A_408 = arith.ori %or3A_407, %ne3A_405 : i1
          %or3A_409 = arith.ori %or3A_408, %ne3A_406 : i1
          %or3A_410 = arith.ori %or3A_409, %eq3A_283 : i1
          %convert_element_type3A_411 = arith.extui %or3A_410 : i1 to i32
          %cond3A_412 = arith.constant 0 : i32
          %cond3A_413 = arith.cmpi ne, %convert_element_type3A_411, %cond3A_412 : i32
          scf.if %cond3A_413 {
            "tpu.trace_start"() <{level = 10 : i32, message = "ep_wait_in"}> : () -> ()
            %mul3A_569 = arith.constant 128 : i32
            %mul3A_570 = arith.muli %mul3A_569, %add3A_287 : i32
            %mul3A_571 = arith.constant 384 : i32
            %mul3A_572 = arith.muli %mul3A_571, %add3A_289 : i32
            %rem3A_573 = arith.constant 2 : i32
            %rem3A_574 = arith.remui %while3A_271, %rem3A_573 : i32
            %dma_wait3A = arith.constant 0 : i32
            %dma_wait3A_575 = arith.constant 0 : i32
            %dma_wait3A_576 = tpu.memref_slice %run_scoped3A[%rem3A_574, %dma_wait3A, %dma_wait3A_575] : memref<2x128x384xf32, #tpu.memory_space<vmem>> -> memref<1x128x384xf32, #tpu.memory_space<vmem>>
            %dma_wait3A_577 = tpu.memref_squeeze %dma_wait3A_576 : memref<1x128x384xf32, #tpu.memory_space<vmem>> -> memref<128x384xf32, #tpu.memory_space<vmem>>
            %dma_wait3A_578 = tpu.memref_slice %arg2[%mul3A_570, %mul3A_572] : memref<2048x768xf32, #tpu.memory_space<hbm>> -> memref<128x384xf32, #tpu.memory_space<hbm>>
            %dma_wait3A_579 = tpu.memref_slice %run_scoped3A_19[%rem3A_574] : memref<2x!tpu.dma_semaphore, #tpu.memory_space<semaphore_mem>> -> memref<1x!tpu.dma_semaphore, #tpu.memory_space<semaphore_mem>>
            %dma_wait3A_580 = tpu.memref_squeeze %dma_wait3A_579 : memref<1x!tpu.dma_semaphore, #tpu.memory_space<semaphore_mem>> -> memref<!tpu.dma_semaphore, #tpu.memory_space<semaphore_mem>>
            %dma_wait3A_581 = arith.constant 0 : i32
            %dma_wait3A_582 = arith.constant 0 : i32
            %dma_wait3A_583 = tpu.memref_slice %run_scoped3A[%rem3A_574, %dma_wait3A_581, %dma_wait3A_582] : memref<2x128x384xf32, #tpu.memory_space<vmem>> -> memref<1x128x384xf32, #tpu.memory_space<vmem>>
            %dma_wait3A_584 = tpu.memref_squeeze %dma_wait3A_583 : memref<1x128x384xf32, #tpu.memory_space<vmem>> -> memref<128x384xf32, #tpu.memory_space<vmem>>
            %dma_wait3A_585 = tpu.memref_slice %arg2[%mul3A_570, %mul3A_572] : memref<2048x768xf32, #tpu.memory_space<hbm>> -> memref<128x384xf32, #tpu.memory_space<hbm>>
            tpu.wait_dma2 semaphore(%dma_wait3A_580 : memref<!tpu.dma_semaphore, #tpu.memory_space<semaphore_mem>>) src(%dma_wait3A_585 : memref<128x384xf32, #tpu.memory_space<hbm>>) dst(%dma_wait3A_584 : memref<128x384xf32, #tpu.memory_space<vmem>>)
            "tpu.trace_stop"() : () -> ()
          } else {
          }
          %ne3A_414 = arith.cmpi ne, %add3A_289, %add3A_308 : i32
          %ne3A_415 = arith.cmpi ne, %add3A_287, %add3A_306 : i32
          %or3A_416 = arith.constant false
          %or3A_417 = arith.ori %or3A_416, %ne3A_414 : i1
          %or3A_418 = arith.ori %or3A_417, %ne3A_415 : i1
          %or3A_419 = arith.ori %or3A_418, %eq3A_283 : i1
          %convert_element_type3A_420 = arith.extui %or3A_419 : i1 to i32
          %cond3A_421 = arith.constant 0 : i32
          %cond3A_422 = arith.cmpi ne, %convert_element_type3A_420, %cond3A_421 : i32
          scf.if %cond3A_422 {
            "tpu.trace_start"() <{level = 10 : i32, message = "ep_wait_in"}> : () -> ()
            %mul3A_569 = arith.constant 1 : i32
            %mul3A_570 = arith.muli %mul3A_569, %add3A_289 : i32
            %mul3A_571 = arith.constant 128 : i32
            %mul3A_572 = arith.muli %mul3A_571, %add3A_287 : i32
            %rem3A_573 = arith.constant 2 : i32
            %rem3A_574 = arith.remui %while3A_273, %rem3A_573 : i32
            %dma_wait3A = arith.constant 0 : i32
            %dma_wait3A_575 = arith.constant 0 : i32
            %dma_wait3A_576 = tpu.memref_slice %run_scoped3A_20[%rem3A_574, %dma_wait3A, %dma_wait3A_575] : memref<2x1x128xi32, #tpu.memory_space<vmem>> -> memref<1x1x128xi32, #tpu.memory_space<vmem>>
            %dma_wait3A_577 = tpu.memref_squeeze %dma_wait3A_576 : memref<1x1x128xi32, #tpu.memory_space<vmem>> -> memref<1x128xi32, #tpu.memory_space<vmem>>
            %dma_wait3A_578 = tpu.memref_slice %arg3[%mul3A_570, %mul3A_572] : memref<2x4096xi32, #tpu.memory_space<hbm>> -> memref<1x128xi32, #tpu.memory_space<hbm>>
            %dma_wait3A_579 = tpu.memref_slice %run_scoped3A_21[%rem3A_574] : memref<2x!tpu.dma_semaphore, #tpu.memory_space<semaphore_mem>> -> memref<1x!tpu.dma_semaphore, #tpu.memory_space<semaphore_mem>>
            %dma_wait3A_580 = tpu.memref_squeeze %dma_wait3A_579 : memref<1x!tpu.dma_semaphore, #tpu.memory_space<semaphore_mem>> -> memref<!tpu.dma_semaphore, #tpu.memory_space<semaphore_mem>>
            %dma_wait3A_581 = arith.constant 0 : i32
            %dma_wait3A_582 = arith.constant 0 : i32
            %dma_wait3A_583 = tpu.memref_slice %run_scoped3A_20[%rem3A_574, %dma_wait3A_581, %dma_wait3A_582] : memref<2x1x128xi32, #tpu.memory_space<vmem>> -> memref<1x1x128xi32, #tpu.memory_space<vmem>>
            %dma_wait3A_584 = tpu.memref_squeeze %dma_wait3A_583 : memref<1x1x128xi32, #tpu.memory_space<vmem>> -> memref<1x128xi32, #tpu.memory_space<vmem>>
            %dma_wait3A_585 = tpu.memref_slice %arg3[%mul3A_570, %mul3A_572] : memref<2x4096xi32, #tpu.memory_space<hbm>> -> memref<1x128xi32, #tpu.memory_space<hbm>>
            tpu.wait_dma2 semaphore(%dma_wait3A_580 : memref<!tpu.dma_semaphore, #tpu.memory_space<semaphore_mem>>) src(%dma_wait3A_585 : memref<1x128xi32, #tpu.memory_space<hbm>>) dst(%dma_wait3A_584 : memref<1x128xi32, #tpu.memory_space<vmem>>)
            "tpu.trace_stop"() : () -> ()
          } else {
          }
          %add3A_423 = arith.constant 16 : i32
          %add3A_424 = arith.addi %add3A_423, %add3A_287 : i32
          %add3A_425 = arith.constant 16 : i32
          %add3A_426 = arith.addi %add3A_425, %add3A_306 : i32
          %ne3A_427 = arith.cmpi ne, %add3A_289, %add3A_308 : i32
          %ne3A_428 = arith.cmpi ne, %add3A_424, %add3A_426 : i32
          %or3A_429 = arith.constant false
          %or3A_430 = arith.ori %or3A_429, %ne3A_427 : i1
          %or3A_431 = arith.ori %or3A_430, %ne3A_428 : i1
          %or3A_432 = arith.ori %or3A_431, %eq3A_283 : i1
          %convert_element_type3A_433 = arith.extui %or3A_432 : i1 to i32
          %cond3A_434 = arith.constant 0 : i32
          %cond3A_435 = arith.cmpi ne, %convert_element_type3A_433, %cond3A_434 : i32
          scf.if %cond3A_435 {
            "tpu.trace_start"() <{level = 10 : i32, message = "ep_wait_in"}> : () -> ()
            %add3A_569 = arith.constant 16 : i32
            %add3A_570 = arith.addi %add3A_569, %add3A_287 : i32
            %mul3A_571 = arith.constant 1 : i32
            %mul3A_572 = arith.muli %mul3A_571, %add3A_289 : i32
            %mul3A_573 = arith.constant 128 : i32
            %mul3A_574 = arith.muli %mul3A_573, %add3A_570 : i32
            %rem3A_575 = arith.constant 2 : i32
            %rem3A_576 = arith.remui %while3A_275, %rem3A_575 : i32
            %dma_wait3A = arith.constant 0 : i32
            %dma_wait3A_577 = arith.constant 0 : i32
            %dma_wait3A_578 = tpu.memref_slice %run_scoped3A_22[%rem3A_576, %dma_wait3A, %dma_wait3A_577] : memref<2x1x128xi32, #tpu.memory_space<vmem>> -> memref<1x1x128xi32, #tpu.memory_space<vmem>>
            %dma_wait3A_579 = tpu.memref_squeeze %dma_wait3A_578 : memref<1x1x128xi32, #tpu.memory_space<vmem>> -> memref<1x128xi32, #tpu.memory_space<vmem>>
            %dma_wait3A_580 = tpu.memref_slice %arg3[%mul3A_572, %mul3A_574] : memref<2x4096xi32, #tpu.memory_space<hbm>> -> memref<1x128xi32, #tpu.memory_space<hbm>>
            %dma_wait3A_581 = tpu.memref_slice %run_scoped3A_23[%rem3A_576] : memref<2x!tpu.dma_semaphore, #tpu.memory_space<semaphore_mem>> -> memref<1x!tpu.dma_semaphore, #tpu.memory_space<semaphore_mem>>
            %dma_wait3A_582 = tpu.memref_squeeze %dma_wait3A_581 : memref<1x!tpu.dma_semaphore, #tpu.memory_space<semaphore_mem>> -> memref<!tpu.dma_semaphore, #tpu.memory_space<semaphore_mem>>
            %dma_wait3A_583 = arith.constant 0 : i32
            %dma_wait3A_584 = arith.constant 0 : i32
            %dma_wait3A_585 = tpu.memref_slice %run_scoped3A_22[%rem3A_576, %dma_wait3A_583, %dma_wait3A_584] : memref<2x1x128xi32, #tpu.memory_space<vmem>> -> memref<1x1x128xi32, #tpu.memory_space<vmem>>
            %dma_wait3A_586 = tpu.memref_squeeze %dma_wait3A_585 : memref<1x1x128xi32, #tpu.memory_space<vmem>> -> memref<1x128xi32, #tpu.memory_space<vmem>>
            %dma_wait3A_587 = tpu.memref_slice %arg3[%mul3A_572, %mul3A_574] : memref<2x4096xi32, #tpu.memory_space<hbm>> -> memref<1x128xi32, #tpu.memory_space<hbm>>
            tpu.wait_dma2 semaphore(%dma_wait3A_582 : memref<!tpu.dma_semaphore, #tpu.memory_space<semaphore_mem>>) src(%dma_wait3A_587 : memref<1x128xi32, #tpu.memory_space<hbm>>) dst(%dma_wait3A_586 : memref<1x128xi32, #tpu.memory_space<vmem>>)
            "tpu.trace_stop"() : () -> ()
          } else {
          }
          %rem3A_436 = arith.constant 2 : i32
          %rem3A_437 = arith.remui %while3A_271, %rem3A_436 : i32
          %rem3A_438 = arith.constant 2 : i32
          %rem3A_439 = arith.remui %while3A_273, %rem3A_438 : i32
          %rem3A_440 = arith.constant 2 : i32
          %rem3A_441 = arith.remui %while3A_275, %rem3A_440 : i32
          %run_scoped3A_442 = arith.constant 0 : i32
          "tpu.trace_start"() <{level = 10 : i32, message = "ep_run_kernel"}> : () -> ()
          "tpu.region"() ({
            %run_scoped3A_569 = tpu.sem_alloc : memref<!tpu.dma_semaphore, #tpu.memory_space<semaphore_mem>>
            %dma_start3A_570 = arith.constant 0 : i32
            %dma_start3A_571 = arith.constant 0 : i32
            %dma_start3A_572 = tpu.memref_slice %run_scoped3A[%rem3A_437, %dma_start3A_570, %dma_start3A_571] : memref<2x128x384xf32, #tpu.memory_space<vmem>> -> memref<1x128x384xf32, #tpu.memory_space<vmem>>
            %dma_start3A_573 = tpu.memref_squeeze %dma_start3A_572 : memref<1x128x384xf32, #tpu.memory_space<vmem>> -> memref<128x384xf32, #tpu.memory_space<vmem>>
            %dma_start3A_574 = arith.constant 0 : i32
            %dma_start3A_575 = arith.constant 0 : i32
            %dma_start3A_576 = tpu.memref_slice %run_scoped3A_20[%rem3A_439, %dma_start3A_574, %dma_start3A_575] : memref<2x1x128xi32, #tpu.memory_space<vmem>> -> memref<1x1x128xi32, #tpu.memory_space<vmem>>
            %dma_start3A_577 = tpu.memref_squeeze %dma_start3A_576 : memref<1x1x128xi32, #tpu.memory_space<vmem>> -> memref<1x128xi32, #tpu.memory_space<vmem>>
            %dma_start3A_578 = arith.constant 0 : i32
            %dma_start3A_579 = tpu.memref_slice %dma_start3A_577[%run_scoped3A_442, %dma_start3A_578] : memref<1x128xi32, #tpu.memory_space<vmem>> -> memref<1x128xi32, #tpu.memory_space<vmem>>
            %dma_start3A_580 = tpu.memref_squeeze %dma_start3A_579 : memref<1x128xi32, #tpu.memory_space<vmem>> -> memref<128xi32, #tpu.memory_space<vmem>>
            %dma_start3A_581 = arith.constant 0 : i32
            %dma_start3A_582 = arith.constant 0 : i32
            %dma_start3A_583 = tpu.memref_slice %arg4[%dma_start3A_581, %dma_start3A_582] : memref<10240x384xf32, #tpu.memory_space<hbm>> -> memref<10240x384xf32, #tpu.memory_space<hbm>>
            tpu.enqueue_indirect_dma source(%dma_start3A_573 : memref<128x384xf32, #tpu.memory_space<vmem>>) target(%dma_start3A_583 : memref<10240x384xf32, #tpu.memory_space<hbm>>) offsets(%dma_start3A_580 : memref<128xi32, #tpu.memory_space<vmem>>) semaphore(%run_scoped3A_569 : memref<!tpu.dma_semaphore, #tpu.memory_space<semaphore_mem>>)
            %dma_wait3A = arith.constant 0 : i32
            %dma_wait3A_584 = arith.constant 0 : i32
            %dma_wait3A_585 = tpu.memref_slice %run_scoped3A[%rem3A_437, %dma_wait3A, %dma_wait3A_584] : memref<2x128x384xf32, #tpu.memory_space<vmem>> -> memref<1x128x384xf32, #tpu.memory_space<vmem>>
            %dma_wait3A_586 = tpu.memref_squeeze %dma_wait3A_585 : memref<1x128x384xf32, #tpu.memory_space<vmem>> -> memref<128x384xf32, #tpu.memory_space<vmem>>
            %dma_wait3A_587 = arith.constant 0 : i32
            %dma_wait3A_588 = arith.constant 0 : i32
            %dma_wait3A_589 = tpu.memref_slice %run_scoped3A_20[%rem3A_439, %dma_wait3A_587, %dma_wait3A_588] : memref<2x1x128xi32, #tpu.memory_space<vmem>> -> memref<1x1x128xi32, #tpu.memory_space<vmem>>
            %dma_wait3A_590 = tpu.memref_squeeze %dma_wait3A_589 : memref<1x1x128xi32, #tpu.memory_space<vmem>> -> memref<1x128xi32, #tpu.memory_space<vmem>>
            %dma_wait3A_591 = arith.constant 0 : i32
            %dma_wait3A_592 = tpu.memref_slice %dma_wait3A_590[%run_scoped3A_442, %dma_wait3A_591] : memref<1x128xi32, #tpu.memory_space<vmem>> -> memref<1x128xi32, #tpu.memory_space<vmem>>
            %dma_wait3A_593 = tpu.memref_squeeze %dma_wait3A_592 : memref<1x128xi32, #tpu.memory_space<vmem>> -> memref<128xi32, #tpu.memory_space<vmem>>
            %dma_wait3A_594 = arith.constant 0 : i32
            %dma_wait3A_595 = arith.constant 0 : i32
            %dma_wait3A_596 = tpu.memref_slice %arg4[%dma_wait3A_594, %dma_wait3A_595] : memref<10240x384xf32, #tpu.memory_space<hbm>> -> memref<10240x384xf32, #tpu.memory_space<hbm>>
            tpu.wait_indirect_dma semaphore(%run_scoped3A_569 : memref<!tpu.dma_semaphore, #tpu.memory_space<semaphore_mem>>) src(%dma_wait3A_586 : memref<128x384xf32, #tpu.memory_space<vmem>>) dst(%dma_wait3A_596 : memref<10240x384xf32, #tpu.memory_space<hbm>>)
            tpu.yield
          }) : () -> ()
          %run_scoped3A_443 = arith.constant 0 : i32
          "tpu.region"() ({
            %run_scoped3A_569 = tpu.sem_alloc : memref<!tpu.dma_semaphore, #tpu.memory_space<semaphore_mem>>
            %dma_start3A_570 = arith.constant 0 : i32
            %dma_start3A_571 = arith.constant 0 : i32
            %dma_start3A_572 = tpu.memref_slice %run_scoped3A[%rem3A_437, %dma_start3A_570, %dma_start3A_571] : memref<2x128x384xf32, #tpu.memory_space<vmem>> -> memref<1x128x384xf32, #tpu.memory_space<vmem>>
            %dma_start3A_573 = tpu.memref_squeeze %dma_start3A_572 : memref<1x128x384xf32, #tpu.memory_space<vmem>> -> memref<128x384xf32, #tpu.memory_space<vmem>>
            %dma_start3A_574 = arith.constant 0 : i32
            %dma_start3A_575 = arith.constant 0 : i32
            %dma_start3A_576 = tpu.memref_slice %run_scoped3A_22[%rem3A_441, %dma_start3A_574, %dma_start3A_575] : memref<2x1x128xi32, #tpu.memory_space<vmem>> -> memref<1x1x128xi32, #tpu.memory_space<vmem>>
            %dma_start3A_577 = tpu.memref_squeeze %dma_start3A_576 : memref<1x1x128xi32, #tpu.memory_space<vmem>> -> memref<1x128xi32, #tpu.memory_space<vmem>>
            %dma_start3A_578 = arith.constant 0 : i32
            %dma_start3A_579 = tpu.memref_slice %dma_start3A_577[%run_scoped3A_443, %dma_start3A_578] : memref<1x128xi32, #tpu.memory_space<vmem>> -> memref<1x128xi32, #tpu.memory_space<vmem>>
            %dma_start3A_580 = tpu.memref_squeeze %dma_start3A_579 : memref<1x128xi32, #tpu.memory_space<vmem>> -> memref<128xi32, #tpu.memory_space<vmem>>
            %dma_start3A_581 = arith.constant 0 : i32
            %dma_start3A_582 = arith.constant 0 : i32
            %dma_start3A_583 = tpu.memref_slice %arg4[%dma_start3A_581, %dma_start3A_582] : memref<10240x384xf32, #tpu.memory_space<hbm>> -> memref<10240x384xf32, #tpu.memory_space<hbm>>
            tpu.enqueue_indirect_dma source(%dma_start3A_573 : memref<128x384xf32, #tpu.memory_space<vmem>>) target(%dma_start3A_583 : memref<10240x384xf32, #tpu.memory_space<hbm>>) offsets(%dma_start3A_580 : memref<128xi32, #tpu.memory_space<vmem>>) semaphore(%run_scoped3A_569 : memref<!tpu.dma_semaphore, #tpu.memory_space<semaphore_mem>>)
            %dma_wait3A = arith.constant 0 : i32
            %dma_wait3A_584 = arith.constant 0 : i32
            %dma_wait3A_585 = tpu.memref_slice %run_scoped3A[%rem3A_437, %dma_wait3A, %dma_wait3A_584] : memref<2x128x384xf32, #tpu.memory_space<vmem>> -> memref<1x128x384xf32, #tpu.memory_space<vmem>>
            %dma_wait3A_586 = tpu.memref_squeeze %dma_wait3A_585 : memref<1x128x384xf32, #tpu.memory_space<vmem>> -> memref<128x384xf32, #tpu.memory_space<vmem>>
            %dma_wait3A_587 = arith.constant 0 : i32
            %dma_wait3A_588 = arith.constant 0 : i32
            %dma_wait3A_589 = tpu.memref_slice %run_scoped3A_22[%rem3A_441, %dma_wait3A_587, %dma_wait3A_588] : memref<2x1x128xi32, #tpu.memory_space<vmem>> -> memref<1x1x128xi32, #tpu.memory_space<vmem>>
            %dma_wait3A_590 = tpu.memref_squeeze %dma_wait3A_589 : memref<1x1x128xi32, #tpu.memory_space<vmem>> -> memref<1x128xi32, #tpu.memory_space<vmem>>
            %dma_wait3A_591 = arith.constant 0 : i32
            %dma_wait3A_592 = tpu.memref_slice %dma_wait3A_590[%run_scoped3A_443, %dma_wait3A_591] : memref<1x128xi32, #tpu.memory_space<vmem>> -> memref<1x128xi32, #tpu.memory_space<vmem>>
            %dma_wait3A_593 = tpu.memref_squeeze %dma_wait3A_592 : memref<1x128xi32, #tpu.memory_space<vmem>> -> memref<128xi32, #tpu.memory_space<vmem>>
            %dma_wait3A_594 = arith.constant 0 : i32
            %dma_wait3A_595 = arith.constant 0 : i32
            %dma_wait3A_596 = tpu.memref_slice %arg4[%dma_wait3A_594, %dma_wait3A_595] : memref<10240x384xf32, #tpu.memory_space<hbm>> -> memref<10240x384xf32, #tpu.memory_space<hbm>>
            tpu.wait_indirect_dma semaphore(%run_scoped3A_569 : memref<!tpu.dma_semaphore, #tpu.memory_space<semaphore_mem>>) src(%dma_wait3A_586 : memref<128x384xf32, #tpu.memory_space<vmem>>) dst(%dma_wait3A_596 : memref<10240x384xf32, #tpu.memory_space<hbm>>)
            tpu.yield
          }) : () -> ()
          "tpu.trace_stop"() : () -> ()
          %ne3A_444 = arith.cmpi ne, %add3A_287, %add3A_323 : i32
          %ne3A_445 = arith.cmpi ne, %add3A_289, %add3A_325 : i32
          %or3A_446 = arith.constant false
          %or3A_447 = arith.ori %or3A_446, %ne3A_444 : i1
          %or3A_448 = arith.ori %or3A_447, %ne3A_445 : i1
          %or3A_449 = arith.ori %or3A_448, %eq3A_286 : i1
          %convert_element_type3A_450 = arith.extui %or3A_449 : i1 to i32
          %cond3A_451 = arith.constant 0 : i32
          %cond3A_452 = arith.cmpi ne, %convert_element_type3A_450, %cond3A_451 : i32
          scf.if %cond3A_452 {
          } else {
          }
          %and3A_453 = arith.constant false
          %and3A_454 = arith.andi %or3A_449, %and3A_453 : i1
          %ne3A_455 = arith.cmpi ne, %add3A_289, %add3A_325 : i32
          %ne3A_456 = arith.cmpi ne, %add3A_287, %add3A_323 : i32
          %or3A_457 = arith.constant false
          %or3A_458 = arith.ori %or3A_457, %ne3A_455 : i1
          %or3A_459 = arith.ori %or3A_458, %ne3A_456 : i1
          %or3A_460 = arith.ori %or3A_459, %eq3A_286 : i1
          %convert_element_type3A_461 = arith.extui %or3A_460 : i1 to i32
          %cond3A_462 = arith.constant 0 : i32
          %cond3A_463 = arith.cmpi ne, %convert_element_type3A_461, %cond3A_462 : i32
          scf.if %cond3A_463 {
          } else {
          }
          %and3A_464 = arith.constant false
          %and3A_465 = arith.andi %or3A_460, %and3A_464 : i1
          %add3A_466 = arith.constant 16 : i32
          %add3A_467 = arith.addi %add3A_466, %add3A_287 : i32
          %add3A_468 = arith.constant 16 : i32
          %add3A_469 = arith.addi %add3A_468, %add3A_323 : i32
          %ne3A_470 = arith.cmpi ne, %add3A_289, %add3A_325 : i32
          %ne3A_471 = arith.cmpi ne, %add3A_467, %add3A_469 : i32
          %or3A_472 = arith.constant false
          %or3A_473 = arith.ori %or3A_472, %ne3A_470 : i1
          %or3A_474 = arith.ori %or3A_473, %ne3A_471 : i1
          %or3A_475 = arith.ori %or3A_474, %eq3A_286 : i1
          %convert_element_type3A_476 = arith.extui %or3A_475 : i1 to i32
          %cond3A_477 = arith.constant 0 : i32
          %cond3A_478 = arith.cmpi ne, %convert_element_type3A_476, %cond3A_477 : i32
          scf.if %cond3A_478 {
          } else {
          }
          %and3A_479 = arith.constant false
          %and3A_480 = arith.andi %or3A_475, %and3A_479 : i1
          %ne3A_481 = arith.cmpi ne, %add3A_287, %add3A_306 : i32
          %ne3A_482 = arith.cmpi ne, %add3A_289, %add3A_308 : i32
          %or3A_483 = arith.constant false
          %or3A_484 = arith.ori %or3A_483, %ne3A_481 : i1
          %or3A_485 = arith.ori %or3A_484, %ne3A_482 : i1
          %not3A_486 = arith.constant true
          %not3A_487 = arith.xori %eq3A_283, %not3A_486 : i1
          %and3A_488 = arith.andi %or3A_485, %not3A_487 : i1
          %convert_element_type3A_489 = arith.extui %and3A_488 : i1 to i32
          %cond3A_490 = arith.constant 0 : i32
          %cond3A_491 = arith.cmpi ne, %convert_element_type3A_489, %cond3A_490 : i32
          scf.if %cond3A_491 {
          } else {
          }
          %and3A_492 = arith.constant false
          %and3A_493 = arith.andi %and3A_488, %and3A_492 : i1
          %ne3A_494 = arith.cmpi ne, %add3A_289, %add3A_308 : i32
          %ne3A_495 = arith.cmpi ne, %add3A_287, %add3A_306 : i32
          %or3A_496 = arith.constant false
          %or3A_497 = arith.ori %or3A_496, %ne3A_494 : i1
          %or3A_498 = arith.ori %or3A_497, %ne3A_495 : i1
          %not3A_499 = arith.constant true
          %not3A_500 = arith.xori %eq3A_283, %not3A_499 : i1
          %and3A_501 = arith.andi %or3A_498, %not3A_500 : i1
          %convert_element_type3A_502 = arith.extui %and3A_501 : i1 to i32
          %cond3A_503 = arith.constant 0 : i32
          %cond3A_504 = arith.cmpi ne, %convert_element_type3A_502, %cond3A_503 : i32
          scf.if %cond3A_504 {
          } else {
          }
          %and3A_505 = arith.constant false
          %and3A_506 = arith.andi %and3A_501, %and3A_505 : i1
          %add3A_507 = arith.constant 16 : i32
          %add3A_508 = arith.addi %add3A_507, %add3A_287 : i32
          %add3A_509 = arith.constant 16 : i32
          %add3A_510 = arith.addi %add3A_509, %add3A_306 : i32
          %ne3A_511 = arith.cmpi ne, %add3A_289, %add3A_308 : i32
          %ne3A_512 = arith.cmpi ne, %add3A_508, %add3A_510 : i32
          %or3A_513 = arith.constant false
          %or3A_514 = arith.ori %or3A_513, %ne3A_511 : i1
          %or3A_515 = arith.ori %or3A_514, %ne3A_512 : i1
          %not3A_516 = arith.constant true
          %not3A_517 = arith.xori %eq3A_283, %not3A_516 : i1
          %and3A_518 = arith.andi %or3A_515, %not3A_517 : i1
          %convert_element_type3A_519 = arith.extui %and3A_518 : i1 to i32
          %cond3A_520 = arith.constant 0 : i32
          %cond3A_521 = arith.cmpi ne, %convert_element_type3A_519, %cond3A_520 : i32
          scf.if %cond3A_521 {
          } else {
          }
          %and3A_522 = arith.constant false
          %and3A_523 = arith.andi %and3A_518, %and3A_522 : i1
          %ne3A_524 = arith.cmpi ne, %add3A_287, %add3A_323 : i32
          %ne3A_525 = arith.cmpi ne, %add3A_289, %add3A_325 : i32
          %or3A_526 = arith.constant false
          %or3A_527 = arith.ori %or3A_526, %ne3A_524 : i1
          %or3A_528 = arith.ori %or3A_527, %ne3A_525 : i1
          %or3A_529 = arith.ori %or3A_528, %eq3A_286 : i1
          %add3A_530 = arith.constant 1 : i32
          %add3A_531 = arith.addi %while3A_271, %add3A_530 : i32
          %select_n3A_532 = arith.select %or3A_529, %add3A_531, %while3A_271 : i32
          %ne3A_533 = arith.cmpi ne, %add3A_289, %add3A_325 : i32
          %ne3A_534 = arith.cmpi ne, %add3A_287, %add3A_323 : i32
          %or3A_535 = arith.constant false
          %or3A_536 = arith.ori %or3A_535, %ne3A_533 : i1
          %or3A_537 = arith.ori %or3A_536, %ne3A_534 : i1
          %or3A_538 = arith.ori %or3A_537, %eq3A_286 : i1
          %add3A_539 = arith.constant 1 : i32
          %add3A_540 = arith.addi %while3A_273, %add3A_539 : i32
          %select_n3A_541 = arith.select %or3A_538, %add3A_540, %while3A_273 : i32
          %add3A_542 = arith.constant 16 : i32
          %add3A_543 = arith.addi %add3A_542, %add3A_287 : i32
          %add3A_544 = arith.constant 16 : i32
          %add3A_545 = arith.addi %add3A_544, %add3A_323 : i32
          %ne3A_546 = arith.cmpi ne, %add3A_289, %add3A_325 : i32
          %ne3A_547 = arith.cmpi ne, %add3A_543, %add3A_545 : i32
          %or3A_548 = arith.constant false
          %or3A_549 = arith.ori %or3A_548, %ne3A_546 : i1
          %or3A_550 = arith.ori %or3A_549, %ne3A_547 : i1
          %or3A_551 = arith.ori %or3A_550, %eq3A_286 : i1
          %add3A_552 = arith.constant 1 : i32
          %add3A_553 = arith.addi %while3A_275, %add3A_552 : i32
          %select_n3A_554 = arith.select %or3A_551, %add3A_553, %while3A_275 : i32
          %add3A_555 = arith.constant 1 : i32
          %add3A_556 = arith.addi %while3A_277, %add3A_555 : i32
          %select_n3A_557 = arith.constant true
          %select_n3A_558 = arith.select %select_n3A_557, %add3A_556, %while3A_277 : i32
          %eq3A_559 = arith.constant 2 : i32
          %eq3A_560 = arith.cmpi eq, %select_n3A_558, %eq3A_559 : i32
          %select_n3A_561 = arith.constant 0 : i32
          %select_n3A_562 = arith.select %eq3A_560, %select_n3A_561, %select_n3A_558 : i32
          %add3A_563 = arith.constant 1 : i32
          %add3A_564 = arith.addi %while3A_276, %add3A_563 : i32
          %select_n3A_565 = arith.select %eq3A_560, %add3A_564, %while3A_276 : i32
          %eq3A_566 = arith.cmpi eq, %select_n3A_565, %select_n3A : i32
          %select_n3A_567 = arith.constant 0 : i32
          %select_n3A_568 = arith.select %eq3A_566, %select_n3A_567, %select_n3A_565 : i32
          scf.yield %select_n3A_358, %select_n3A_532, %select_n3A_379, %select_n3A_541, %select_n3A_404, %select_n3A_554, %select_n3A_568, %select_n3A_562 : i32, i32, i32, i32, i32, i32, i32, i32
        }
        %while3A_175 = arith.constant 1 : i32
        %while3A_176:8 = scf.for %while3A_269 = %while3A_172 to %while3A_168 step %while3A_175 iter_args(%while3A_270 = %while3A_174#0, %while3A_271 = %while3A_174#1, %while3A_272 = %while3A_174#2, %while3A_273 = %while3A_174#3, %while3A_274 = %while3A_174#4, %while3A_275 = %while3A_174#5, %while3A_276 = %while3A_174#6, %while3A_277 = %while3A_174#7) -> (i32, i32, i32, i32, i32, i32, i32, i32)  : i32 {
          %mul3A_278 = arith.constant 1 : i32
          %mul3A_279 = arith.muli %mul3A_278, %select_n3A : i32
          %mul3A_280 = arith.constant 2 : i32
          %mul3A_281 = arith.muli %mul3A_279, %mul3A_280 : i32
          %eq3A_282 = arith.constant 0 : i32
          %eq3A_283 = arith.cmpi eq, %while3A_269, %eq3A_282 : i32
          %sub3A_284 = arith.constant 1 : i32
          %sub3A_285 = arith.subi %mul3A_281, %sub3A_284 : i32
          %eq3A_286 = arith.cmpi eq, %while3A_269, %sub3A_285 : i32
          %add3A_287 = arith.addi %while3A_276, %select_n3A_14 : i32
          %add3A_288 = arith.constant 0 : i32
          %add3A_289 = arith.addi %while3A_277, %add3A_288 : i32
          %sub3A_290 = arith.constant 1 : i32
          %sub3A_291 = arith.subi %while3A_277, %sub3A_290 : i32
          %select_n3A_292 = arith.constant true
          %select_n3A_293 = arith.select %select_n3A_292, %sub3A_291, %while3A_277 : i32
          %eq3A_294 = arith.constant -1 : i32
          %eq3A_295 = arith.cmpi eq, %select_n3A_293, %eq3A_294 : i32
          %select_n3A_296 = arith.constant 1 : i32
          %select_n3A_297 = arith.select %eq3A_295, %select_n3A_296, %select_n3A_293 : i32
          %sub3A_298 = arith.constant 1 : i32
          %sub3A_299 = arith.subi %while3A_276, %sub3A_298 : i32
          %select_n3A_300 = arith.select %eq3A_295, %sub3A_299, %while3A_276 : i32
          %eq3A_301 = arith.constant -1 : i32
          %eq3A_302 = arith.cmpi eq, %select_n3A_300, %eq3A_301 : i32
          %sub3A_303 = arith.constant 1 : i32
          %sub3A_304 = arith.subi %select_n3A, %sub3A_303 : i32
          %select_n3A_305 = arith.select %eq3A_302, %sub3A_304, %select_n3A_300 : i32
          %add3A_306 = arith.addi %select_n3A_305, %select_n3A_14 : i32
          %add3A_307 = arith.constant 0 : i32
          %add3A_308 = arith.addi %select_n3A_297, %add3A_307 : i32
          %add3A_309 = arith.constant 1 : i32
          %add3A_310 = arith.addi %while3A_277, %add3A_309 : i32
          %select_n3A_311 = arith.constant true
          %select_n3A_312 = arith.select %select_n3A_311, %add3A_310, %while3A_277 : i32
          %eq3A_313 = arith.constant 2 : i32
          %eq3A_314 = arith.cmpi eq, %select_n3A_312, %eq3A_313 : i32
          %select_n3A_315 = arith.constant 0 : i32
          %select_n3A_316 = arith.select %eq3A_314, %select_n3A_315, %select_n3A_312 : i32
          %add3A_317 = arith.constant 1 : i32
          %add3A_318 = arith.addi %while3A_276, %add3A_317 : i32
          %select_n3A_319 = arith.select %eq3A_314, %add3A_318, %while3A_276 : i32
          %eq3A_320 = arith.cmpi eq, %select_n3A_319, %select_n3A : i32
          %select_n3A_321 = arith.constant 0 : i32
          %select_n3A_322 = arith.select %eq3A_320, %select_n3A_321, %select_n3A_319 : i32
          %add3A_323 = arith.addi %select_n3A_322, %select_n3A_14 : i32
          %add3A_324 = arith.constant 0 : i32
          %add3A_325 = arith.addi %select_n3A_316, %add3A_324 : i32
          %add3A_326 = arith.constant 1 : i32
          %add3A_327 = arith.addi %select_n3A_316, %add3A_326 : i32
          %select_n3A_328 = arith.constant true
          %select_n3A_329 = arith.select %select_n3A_328, %add3A_327, %select_n3A_316 : i32
          %eq3A_330 = arith.constant 2 : i32
          %eq3A_331 = arith.cmpi eq, %select_n3A_329, %eq3A_330 : i32
          %select_n3A_332 = arith.constant 0 : i32
          %select_n3A_333 = arith.select %eq3A_331, %select_n3A_332, %select_n3A_329 : i32
          %add3A_334 = arith.constant 1 : i32
          %add3A_335 = arith.addi %select_n3A_322, %add3A_334 : i32
          %select_n3A_336 = arith.select %eq3A_331, %add3A_335, %select_n3A_322 : i32
          %eq3A_337 = arith.cmpi eq, %select_n3A_336, %select_n3A : i32
          %select_n3A_338 = arith.constant 0 : i32
          %select_n3A_339 = arith.select %eq3A_337, %select_n3A_338, %select_n3A_336 : i32
          %add3A_340 = arith.addi %select_n3A_339, %select_n3A_14 : i32
          %add3A_341 = arith.constant 0 : i32
          %add3A_342 = arith.addi %select_n3A_333, %add3A_341 : i32
          %ne3A = arith.cmpi ne, %add3A_287, %add3A_323 : i32
          %ne3A_343 = arith.cmpi ne, %add3A_289, %add3A_325 : i32
          %or3A = arith.constant false
          %or3A_344 = arith.ori %or3A, %ne3A : i1
          %or3A_345 = arith.ori %or3A_344, %ne3A_343 : i1
          %sub3A_346 = arith.constant 2 : i32
          %sub3A_347 = arith.subi %mul3A_281, %sub3A_346 : i32
          %add3A_348 = arith.constant 1 : i32
          %add3A_349 = arith.addi %sub3A_347, %add3A_348 : i32
          %ge3A = arith.cmpi sge, %while3A_269, %add3A_349 : i32
          %not3A = arith.constant true
          %not3A_350 = arith.xori %ge3A, %not3A : i1
          %and3A = arith.andi %or3A_345, %not3A_350 : i1
          %convert_element_type3A_351 = arith.extui %and3A : i1 to i32
          %cond3A_352 = arith.constant 0 : i32
          %cond3A_353 = arith.cmpi ne, %convert_element_type3A_351, %cond3A_352 : i32
          scf.if %cond3A_353 {
            "tpu.trace_start"() <{level = 10 : i32, message = "ep_copy_in"}> : () -> ()
            %rem3A_569 = arith.constant 2 : i32
            %rem3A_570 = arith.remui %while3A_270, %rem3A_569 : i32
            %mul3A_571 = arith.constant 128 : i32
            %mul3A_572 = arith.muli %mul3A_571, %add3A_323 : i32
            %mul3A_573 = arith.constant 384 : i32
            %mul3A_574 = arith.muli %mul3A_573, %add3A_325 : i32
            %dma_start3A_575 = arith.constant 0 : i32
            %dma_start3A_576 = arith.constant 0 : i32
            %dma_start3A_577 = tpu.memref_slice %run_scoped3A[%rem3A_570, %dma_start3A_575, %dma_start3A_576] : memref<2x128x384xf32, #tpu.memory_space<vmem>> -> memref<1x128x384xf32, #tpu.memory_space<vmem>>
            %dma_start3A_578 = tpu.memref_squeeze %dma_start3A_577 : memref<1x128x384xf32, #tpu.memory_space<vmem>> -> memref<128x384xf32, #tpu.memory_space<vmem>>
            %dma_start3A_579 = tpu.memref_slice %arg2[%mul3A_572, %mul3A_574] : memref<2048x768xf32, #tpu.memory_space<hbm>> -> memref<128x384xf32, #tpu.memory_space<hbm>>
            %dma_start3A_580 = tpu.memref_slice %run_scoped3A_19[%rem3A_570] : memref<2x!tpu.dma_semaphore, #tpu.memory_space<semaphore_mem>> -> memref<1x!tpu.dma_semaphore, #tpu.memory_space<semaphore_mem>>
            %dma_start3A_581 = tpu.memref_squeeze %dma_start3A_580 : memref<1x!tpu.dma_semaphore, #tpu.memory_space<semaphore_mem>> -> memref<!tpu.dma_semaphore, #tpu.memory_space<semaphore_mem>>
            %dma_start3A_582 = arith.constant 0 : i32
            %dma_start3A_583 = arith.constant 0 : i32
            %dma_start3A_584 = tpu.memref_slice %run_scoped3A[%rem3A_570, %dma_start3A_582, %dma_start3A_583] : memref<2x128x384xf32, #tpu.memory_space<vmem>> -> memref<1x128x384xf32, #tpu.memory_space<vmem>>
            %dma_start3A_585 = tpu.memref_squeeze %dma_start3A_584 : memref<1x128x384xf32, #tpu.memory_space<vmem>> -> memref<128x384xf32, #tpu.memory_space<vmem>>
            %dma_start3A_586 = tpu.memref_slice %arg2[%mul3A_572, %mul3A_574] : memref<2048x768xf32, #tpu.memory_space<hbm>> -> memref<128x384xf32, #tpu.memory_space<hbm>>
            tpu.enqueue_dma source(%dma_start3A_586 : memref<128x384xf32, #tpu.memory_space<hbm>>) target(%dma_start3A_585 : memref<128x384xf32, #tpu.memory_space<vmem>>) target_semaphore(%dma_start3A_581 : memref<!tpu.dma_semaphore, #tpu.memory_space<semaphore_mem>>)
            "tpu.trace_stop"() : () -> ()
          } else {
          }
          %and3A_354 = arith.constant true
          %and3A_355 = arith.andi %and3A, %and3A_354 : i1
          %add3A_356 = arith.constant 1 : i32
          %add3A_357 = arith.addi %while3A_270, %add3A_356 : i32
          %select_n3A_358 = arith.select %and3A_355, %add3A_357, %while3A_270 : i32
          %ne3A_359 = arith.cmpi ne, %add3A_289, %add3A_325 : i32
          %ne3A_360 = arith.cmpi ne, %add3A_287, %add3A_323 : i32
          %or3A_361 = arith.constant false
          %or3A_362 = arith.ori %or3A_361, %ne3A_359 : i1
          %or3A_363 = arith.ori %or3A_362, %ne3A_360 : i1
          %sub3A_364 = arith.constant 2 : i32
          %sub3A_365 = arith.subi %mul3A_281, %sub3A_364 : i32
          %add3A_366 = arith.constant 1 : i32
          %add3A_367 = arith.addi %sub3A_365, %add3A_366 : i32
          %ge3A_368 = arith.cmpi sge, %while3A_269, %add3A_367 : i32
          %not3A_369 = arith.constant true
          %not3A_370 = arith.xori %ge3A_368, %not3A_369 : i1
          %and3A_371 = arith.andi %or3A_363, %not3A_370 : i1
          %convert_element_type3A_372 = arith.extui %and3A_371 : i1 to i32
          %cond3A_373 = arith.constant 0 : i32
          %cond3A_374 = arith.cmpi ne, %convert_element_type3A_372, %cond3A_373 : i32
          scf.if %cond3A_374 {
            "tpu.trace_start"() <{level = 10 : i32, message = "ep_copy_in"}> : () -> ()
            %rem3A_569 = arith.constant 2 : i32
            %rem3A_570 = arith.remui %while3A_272, %rem3A_569 : i32
            %mul3A_571 = arith.constant 1 : i32
            %mul3A_572 = arith.muli %mul3A_571, %add3A_325 : i32
            %mul3A_573 = arith.constant 128 : i32
            %mul3A_574 = arith.muli %mul3A_573, %add3A_323 : i32
            %dma_start3A_575 = arith.constant 0 : i32
            %dma_start3A_576 = arith.constant 0 : i32
            %dma_start3A_577 = tpu.memref_slice %run_scoped3A_20[%rem3A_570, %dma_start3A_575, %dma_start3A_576] : memref<2x1x128xi32, #tpu.memory_space<vmem>> -> memref<1x1x128xi32, #tpu.memory_space<vmem>>
            %dma_start3A_578 = tpu.memref_squeeze %dma_start3A_577 : memref<1x1x128xi32, #tpu.memory_space<vmem>> -> memref<1x128xi32, #tpu.memory_space<vmem>>
            %dma_start3A_579 = tpu.memref_slice %arg3[%mul3A_572, %mul3A_574] : memref<2x4096xi32, #tpu.memory_space<hbm>> -> memref<1x128xi32, #tpu.memory_space<hbm>>
            %dma_start3A_580 = tpu.memref_slice %run_scoped3A_21[%rem3A_570] : memref<2x!tpu.dma_semaphore, #tpu.memory_space<semaphore_mem>> -> memref<1x!tpu.dma_semaphore, #tpu.memory_space<semaphore_mem>>
            %dma_start3A_581 = tpu.memref_squeeze %dma_start3A_580 : memref<1x!tpu.dma_semaphore, #tpu.memory_space<semaphore_mem>> -> memref<!tpu.dma_semaphore, #tpu.memory_space<semaphore_mem>>
            %dma_start3A_582 = arith.constant 0 : i32
            %dma_start3A_583 = arith.constant 0 : i32
            %dma_start3A_584 = tpu.memref_slice %run_scoped3A_20[%rem3A_570, %dma_start3A_582, %dma_start3A_583] : memref<2x1x128xi32, #tpu.memory_space<vmem>> -> memref<1x1x128xi32, #tpu.memory_space<vmem>>
            %dma_start3A_585 = tpu.memref_squeeze %dma_start3A_584 : memref<1x1x128xi32, #tpu.memory_space<vmem>> -> memref<1x128xi32, #tpu.memory_space<vmem>>
            %dma_start3A_586 = tpu.memref_slice %arg3[%mul3A_572, %mul3A_574] : memref<2x4096xi32, #tpu.memory_space<hbm>> -> memref<1x128xi32, #tpu.memory_space<hbm>>
            tpu.enqueue_dma source(%dma_start3A_586 : memref<1x128xi32, #tpu.memory_space<hbm>>) target(%dma_start3A_585 : memref<1x128xi32, #tpu.memory_space<vmem>>) target_semaphore(%dma_start3A_581 : memref<!tpu.dma_semaphore, #tpu.memory_space<semaphore_mem>>)
            "tpu.trace_stop"() : () -> ()
          } else {
          }
          %and3A_375 = arith.constant true
          %and3A_376 = arith.andi %and3A_371, %and3A_375 : i1
          %add3A_377 = arith.constant 1 : i32
          %add3A_378 = arith.addi %while3A_272, %add3A_377 : i32
          %select_n3A_379 = arith.select %and3A_376, %add3A_378, %while3A_272 : i32
          %add3A_380 = arith.constant 16 : i32
          %add3A_381 = arith.addi %add3A_380, %add3A_287 : i32
          %add3A_382 = arith.constant 16 : i32
          %add3A_383 = arith.addi %add3A_382, %add3A_323 : i32
          %ne3A_384 = arith.cmpi ne, %add3A_289, %add3A_325 : i32
          %ne3A_385 = arith.cmpi ne, %add3A_381, %add3A_383 : i32
          %or3A_386 = arith.constant false
          %or3A_387 = arith.ori %or3A_386, %ne3A_384 : i1
          %or3A_388 = arith.ori %or3A_387, %ne3A_385 : i1
          %sub3A_389 = arith.constant 2 : i32
          %sub3A_390 = arith.subi %mul3A_281, %sub3A_389 : i32
          %add3A_391 = arith.constant 1 : i32
          %add3A_392 = arith.addi %sub3A_390, %add3A_391 : i32
          %ge3A_393 = arith.cmpi sge, %while3A_269, %add3A_392 : i32
          %not3A_394 = arith.constant true
          %not3A_395 = arith.xori %ge3A_393, %not3A_394 : i1
          %and3A_396 = arith.andi %or3A_388, %not3A_395 : i1
          %convert_element_type3A_397 = arith.extui %and3A_396 : i1 to i32
          %cond3A_398 = arith.constant 0 : i32
          %cond3A_399 = arith.cmpi ne, %convert_element_type3A_397, %cond3A_398 : i32
          scf.if %cond3A_399 {
            "tpu.trace_start"() <{level = 10 : i32, message = "ep_copy_in"}> : () -> ()
            %rem3A_569 = arith.constant 2 : i32
            %rem3A_570 = arith.remui %while3A_274, %rem3A_569 : i32
            %add3A_571 = arith.constant 16 : i32
            %add3A_572 = arith.addi %add3A_571, %add3A_323 : i32
            %mul3A_573 = arith.constant 1 : i32
            %mul3A_574 = arith.muli %mul3A_573, %add3A_325 : i32
            %mul3A_575 = arith.constant 128 : i32
            %mul3A_576 = arith.muli %mul3A_575, %add3A_572 : i32
            %dma_start3A_577 = arith.constant 0 : i32
            %dma_start3A_578 = arith.constant 0 : i32
            %dma_start3A_579 = tpu.memref_slice %run_scoped3A_22[%rem3A_570, %dma_start3A_577, %dma_start3A_578] : memref<2x1x128xi32, #tpu.memory_space<vmem>> -> memref<1x1x128xi32, #tpu.memory_space<vmem>>
            %dma_start3A_580 = tpu.memref_squeeze %dma_start3A_579 : memref<1x1x128xi32, #tpu.memory_space<vmem>> -> memref<1x128xi32, #tpu.memory_space<vmem>>
            %dma_start3A_581 = tpu.memref_slice %arg3[%mul3A_574, %mul3A_576] : memref<2x4096xi32, #tpu.memory_space<hbm>> -> memref<1x128xi32, #tpu.memory_space<hbm>>
            %dma_start3A_582 = tpu.memref_slice %run_scoped3A_23[%rem3A_570] : memref<2x!tpu.dma_semaphore, #tpu.memory_space<semaphore_mem>> -> memref<1x!tpu.dma_semaphore, #tpu.memory_space<semaphore_mem>>
            %dma_start3A_583 = tpu.memref_squeeze %dma_start3A_582 : memref<1x!tpu.dma_semaphore, #tpu.memory_space<semaphore_mem>> -> memref<!tpu.dma_semaphore, #tpu.memory_space<semaphore_mem>>
            %dma_start3A_584 = arith.constant 0 : i32
            %dma_start3A_585 = arith.constant 0 : i32
            %dma_start3A_586 = tpu.memref_slice %run_scoped3A_22[%rem3A_570, %dma_start3A_584, %dma_start3A_585] : memref<2x1x128xi32, #tpu.memory_space<vmem>> -> memref<1x1x128xi32, #tpu.memory_space<vmem>>
            %dma_start3A_587 = tpu.memref_squeeze %dma_start3A_586 : memref<1x1x128xi32, #tpu.memory_space<vmem>> -> memref<1x128xi32, #tpu.memory_space<vmem>>
            %dma_start3A_588 = tpu.memref_slice %arg3[%mul3A_574, %mul3A_576] : memref<2x4096xi32, #tpu.memory_space<hbm>> -> memref<1x128xi32, #tpu.memory_space<hbm>>
            tpu.enqueue_dma source(%dma_start3A_588 : memref<1x128xi32, #tpu.memory_space<hbm>>) target(%dma_start3A_587 : memref<1x128xi32, #tpu.memory_space<vmem>>) target_semaphore(%dma_start3A_583 : memref<!tpu.dma_semaphore, #tpu.memory_space<semaphore_mem>>)
            "tpu.trace_stop"() : () -> ()
          } else {
          }
          %and3A_400 = arith.constant true
          %and3A_401 = arith.andi %and3A_396, %and3A_400 : i1
          %add3A_402 = arith.constant 1 : i32
          %add3A_403 = arith.addi %while3A_274, %add3A_402 : i32
          %select_n3A_404 = arith.select %and3A_401, %add3A_403, %while3A_274 : i32
          %ne3A_405 = arith.cmpi ne, %add3A_287, %add3A_306 : i32
          %ne3A_406 = arith.cmpi ne, %add3A_289, %add3A_308 : i32
          %or3A_407 = arith.constant false
          %or3A_408 = arith.ori %or3A_407, %ne3A_405 : i1
          %or3A_409 = arith.ori %or3A_408, %ne3A_406 : i1
          %or3A_410 = arith.ori %or3A_409, %eq3A_283 : i1
          %convert_element_type3A_411 = arith.extui %or3A_410 : i1 to i32
          %cond3A_412 = arith.constant 0 : i32
          %cond3A_413 = arith.cmpi ne, %convert_element_type3A_411, %cond3A_412 : i32
          scf.if %cond3A_413 {
            "tpu.trace_start"() <{level = 10 : i32, message = "ep_wait_in"}> : () -> ()
            %mul3A_569 = arith.constant 128 : i32
            %mul3A_570 = arith.muli %mul3A_569, %add3A_287 : i32
            %mul3A_571 = arith.constant 384 : i32
            %mul3A_572 = arith.muli %mul3A_571, %add3A_289 : i32
            %rem3A_573 = arith.constant 2 : i32
            %rem3A_574 = arith.remui %while3A_271, %rem3A_573 : i32
            %dma_wait3A = arith.constant 0 : i32
            %dma_wait3A_575 = arith.constant 0 : i32
            %dma_wait3A_576 = tpu.memref_slice %run_scoped3A[%rem3A_574, %dma_wait3A, %dma_wait3A_575] : memref<2x128x384xf32, #tpu.memory_space<vmem>> -> memref<1x128x384xf32, #tpu.memory_space<vmem>>
            %dma_wait3A_577 = tpu.memref_squeeze %dma_wait3A_576 : memref<1x128x384xf32, #tpu.memory_space<vmem>> -> memref<128x384xf32, #tpu.memory_space<vmem>>
            %dma_wait3A_578 = tpu.memref_slice %arg2[%mul3A_570, %mul3A_572] : memref<2048x768xf32, #tpu.memory_space<hbm>> -> memref<128x384xf32, #tpu.memory_space<hbm>>
            %dma_wait3A_579 = tpu.memref_slice %run_scoped3A_19[%rem3A_574] : memref<2x!tpu.dma_semaphore, #tpu.memory_space<semaphore_mem>> -> memref<1x!tpu.dma_semaphore, #tpu.memory_space<semaphore_mem>>
            %dma_wait3A_580 = tpu.memref_squeeze %dma_wait3A_579 : memref<1x!tpu.dma_semaphore, #tpu.memory_space<semaphore_mem>> -> memref<!tpu.dma_semaphore, #tpu.memory_space<semaphore_mem>>
            %dma_wait3A_581 = arith.constant 0 : i32
            %dma_wait3A_582 = arith.constant 0 : i32
            %dma_wait3A_583 = tpu.memref_slice %run_scoped3A[%rem3A_574, %dma_wait3A_581, %dma_wait3A_582] : memref<2x128x384xf32, #tpu.memory_space<vmem>> -> memref<1x128x384xf32, #tpu.memory_space<vmem>>
            %dma_wait3A_584 = tpu.memref_squeeze %dma_wait3A_583 : memref<1x128x384xf32, #tpu.memory_space<vmem>> -> memref<128x384xf32, #tpu.memory_space<vmem>>
            %dma_wait3A_585 = tpu.memref_slice %arg2[%mul3A_570, %mul3A_572] : memref<2048x768xf32, #tpu.memory_space<hbm>> -> memref<128x384xf32, #tpu.memory_space<hbm>>
            tpu.wait_dma2 semaphore(%dma_wait3A_580 : memref<!tpu.dma_semaphore, #tpu.memory_space<semaphore_mem>>) src(%dma_wait3A_585 : memref<128x384xf32, #tpu.memory_space<hbm>>) dst(%dma_wait3A_584 : memref<128x384xf32, #tpu.memory_space<vmem>>)
            "tpu.trace_stop"() : () -> ()
          } else {
          }
          %ne3A_414 = arith.cmpi ne, %add3A_289, %add3A_308 : i32
          %ne3A_415 = arith.cmpi ne, %add3A_287, %add3A_306 : i32
          %or3A_416 = arith.constant false
          %or3A_417 = arith.ori %or3A_416, %ne3A_414 : i1
          %or3A_418 = arith.ori %or3A_417, %ne3A_415 : i1
          %or3A_419 = arith.ori %or3A_418, %eq3A_283 : i1
          %convert_element_type3A_420 = arith.extui %or3A_419 : i1 to i32
          %cond3A_421 = arith.constant 0 : i32
          %cond3A_422 = arith.cmpi ne, %convert_element_type3A_420, %cond3A_421 : i32
          scf.if %cond3A_422 {
            "tpu.trace_start"() <{level = 10 : i32, message = "ep_wait_in"}> : () -> ()
            %mul3A_569 = arith.constant 1 : i32
            %mul3A_570 = arith.muli %mul3A_569, %add3A_289 : i32
            %mul3A_571 = arith.constant 128 : i32
            %mul3A_572 = arith.muli %mul3A_571, %add3A_287 : i32
            %rem3A_573 = arith.constant 2 : i32
            %rem3A_574 = arith.remui %while3A_273, %rem3A_573 : i32
            %dma_wait3A = arith.constant 0 : i32
            %dma_wait3A_575 = arith.constant 0 : i32
            %dma_wait3A_576 = tpu.memref_slice %run_scoped3A_20[%rem3A_574, %dma_wait3A, %dma_wait3A_575] : memref<2x1x128xi32, #tpu.memory_space<vmem>> -> memref<1x1x128xi32, #tpu.memory_space<vmem>>
            %dma_wait3A_577 = tpu.memref_squeeze %dma_wait3A_576 : memref<1x1x128xi32, #tpu.memory_space<vmem>> -> memref<1x128xi32, #tpu.memory_space<vmem>>
            %dma_wait3A_578 = tpu.memref_slice %arg3[%mul3A_570, %mul3A_572] : memref<2x4096xi32, #tpu.memory_space<hbm>> -> memref<1x128xi32, #tpu.memory_space<hbm>>
            %dma_wait3A_579 = tpu.memref_slice %run_scoped3A_21[%rem3A_574] : memref<2x!tpu.dma_semaphore, #tpu.memory_space<semaphore_mem>> -> memref<1x!tpu.dma_semaphore, #tpu.memory_space<semaphore_mem>>
            %dma_wait3A_580 = tpu.memref_squeeze %dma_wait3A_579 : memref<1x!tpu.dma_semaphore, #tpu.memory_space<semaphore_mem>> -> memref<!tpu.dma_semaphore, #tpu.memory_space<semaphore_mem>>
            %dma_wait3A_581 = arith.constant 0 : i32
            %dma_wait3A_582 = arith.constant 0 : i32
            %dma_wait3A_583 = tpu.memref_slice %run_scoped3A_20[%rem3A_574, %dma_wait3A_581, %dma_wait3A_582] : memref<2x1x128xi32, #tpu.memory_space<vmem>> -> memref<1x1x128xi32, #tpu.memory_space<vmem>>
            %dma_wait3A_584 = tpu.memref_squeeze %dma_wait3A_583 : memref<1x1x128xi32, #tpu.memory_space<vmem>> -> memref<1x128xi32, #tpu.memory_space<vmem>>
            %dma_wait3A_585 = tpu.memref_slice %arg3[%mul3A_570, %mul3A_572] : memref<2x4096xi32, #tpu.memory_space<hbm>> -> memref<1x128xi32, #tpu.memory_space<hbm>>
            tpu.wait_dma2 semaphore(%dma_wait3A_580 : memref<!tpu.dma_semaphore, #tpu.memory_space<semaphore_mem>>) src(%dma_wait3A_585 : memref<1x128xi32, #tpu.memory_space<hbm>>) dst(%dma_wait3A_584 : memref<1x128xi32, #tpu.memory_space<vmem>>)
            "tpu.trace_stop"() : () -> ()
          } else {
          }
          %add3A_423 = arith.constant 16 : i32
          %add3A_424 = arith.addi %add3A_423, %add3A_287 : i32
          %add3A_425 = arith.constant 16 : i32
          %add3A_426 = arith.addi %add3A_425, %add3A_306 : i32
          %ne3A_427 = arith.cmpi ne, %add3A_289, %add3A_308 : i32
          %ne3A_428 = arith.cmpi ne, %add3A_424, %add3A_426 : i32
          %or3A_429 = arith.constant false
          %or3A_430 = arith.ori %or3A_429, %ne3A_427 : i1
          %or3A_431 = arith.ori %or3A_430, %ne3A_428 : i1
          %or3A_432 = arith.ori %or3A_431, %eq3A_283 : i1
          %convert_element_type3A_433 = arith.extui %or3A_432 : i1 to i32
          %cond3A_434 = arith.constant 0 : i32
          %cond3A_435 = arith.cmpi ne, %convert_element_type3A_433, %cond3A_434 : i32
          scf.if %cond3A_435 {
            "tpu.trace_start"() <{level = 10 : i32, message = "ep_wait_in"}> : () -> ()
            %add3A_569 = arith.constant 16 : i32
            %add3A_570 = arith.addi %add3A_569, %add3A_287 : i32
            %mul3A_571 = arith.constant 1 : i32
            %mul3A_572 = arith.muli %mul3A_571, %add3A_289 : i32
            %mul3A_573 = arith.constant 128 : i32
            %mul3A_574 = arith.muli %mul3A_573, %add3A_570 : i32
            %rem3A_575 = arith.constant 2 : i32
            %rem3A_576 = arith.remui %while3A_275, %rem3A_575 : i32
            %dma_wait3A = arith.constant 0 : i32
            %dma_wait3A_577 = arith.constant 0 : i32
            %dma_wait3A_578 = tpu.memref_slice %run_scoped3A_22[%rem3A_576, %dma_wait3A, %dma_wait3A_577] : memref<2x1x128xi32, #tpu.memory_space<vmem>> -> memref<1x1x128xi32, #tpu.memory_space<vmem>>
            %dma_wait3A_579 = tpu.memref_squeeze %dma_wait3A_578 : memref<1x1x128xi32, #tpu.memory_space<vmem>> -> memref<1x128xi32, #tpu.memory_space<vmem>>
            %dma_wait3A_580 = tpu.memref_slice %arg3[%mul3A_572, %mul3A_574] : memref<2x4096xi32, #tpu.memory_space<hbm>> -> memref<1x128xi32, #tpu.memory_space<hbm>>
            %dma_wait3A_581 = tpu.memref_slice %run_scoped3A_23[%rem3A_576] : memref<2x!tpu.dma_semaphore, #tpu.memory_space<semaphore_mem>> -> memref<1x!tpu.dma_semaphore, #tpu.memory_space<semaphore_mem>>
            %dma_wait3A_582 = tpu.memref_squeeze %dma_wait3A_581 : memref<1x!tpu.dma_semaphore, #tpu.memory_space<semaphore_mem>> -> memref<!tpu.dma_semaphore, #tpu.memory_space<semaphore_mem>>
            %dma_wait3A_583 = arith.constant 0 : i32
            %dma_wait3A_584 = arith.constant 0 : i32
            %dma_wait3A_585 = tpu.memref_slice %run_scoped3A_22[%rem3A_576, %dma_wait3A_583, %dma_wait3A_584] : memref<2x1x128xi32, #tpu.memory_space<vmem>> -> memref<1x1x128xi32, #tpu.memory_space<vmem>>
            %dma_wait3A_586 = tpu.memref_squeeze %dma_wait3A_585 : memref<1x1x128xi32, #tpu.memory_space<vmem>> -> memref<1x128xi32, #tpu.memory_space<vmem>>
            %dma_wait3A_587 = tpu.memref_slice %arg3[%mul3A_572, %mul3A_574] : memref<2x4096xi32, #tpu.memory_space<hbm>> -> memref<1x128xi32, #tpu.memory_space<hbm>>
            tpu.wait_dma2 semaphore(%dma_wait3A_582 : memref<!tpu.dma_semaphore, #tpu.memory_space<semaphore_mem>>) src(%dma_wait3A_587 : memref<1x128xi32, #tpu.memory_space<hbm>>) dst(%dma_wait3A_586 : memref<1x128xi32, #tpu.memory_space<vmem>>)
            "tpu.trace_stop"() : () -> ()
          } else {
          }
          %rem3A_436 = arith.constant 2 : i32
          %rem3A_437 = arith.remui %while3A_271, %rem3A_436 : i32
          %rem3A_438 = arith.constant 2 : i32
          %rem3A_439 = arith.remui %while3A_273, %rem3A_438 : i32
          %rem3A_440 = arith.constant 2 : i32
          %rem3A_441 = arith.remui %while3A_275, %rem3A_440 : i32
          %run_scoped3A_442 = arith.constant 0 : i32
          "tpu.trace_start"() <{level = 10 : i32, message = "ep_run_kernel"}> : () -> ()
          "tpu.region"() ({
            %run_scoped3A_569 = tpu.sem_alloc : memref<!tpu.dma_semaphore, #tpu.memory_space<semaphore_mem>>
            %dma_start3A_570 = arith.constant 0 : i32
            %dma_start3A_571 = arith.constant 0 : i32
            %dma_start3A_572 = tpu.memref_slice %run_scoped3A[%rem3A_437, %dma_start3A_570, %dma_start3A_571] : memref<2x128x384xf32, #tpu.memory_space<vmem>> -> memref<1x128x384xf32, #tpu.memory_space<vmem>>
            %dma_start3A_573 = tpu.memref_squeeze %dma_start3A_572 : memref<1x128x384xf32, #tpu.memory_space<vmem>> -> memref<128x384xf32, #tpu.memory_space<vmem>>
            %dma_start3A_574 = arith.constant 0 : i32
            %dma_start3A_575 = arith.constant 0 : i32
            %dma_start3A_576 = tpu.memref_slice %run_scoped3A_20[%rem3A_439, %dma_start3A_574, %dma_start3A_575] : memref<2x1x128xi32, #tpu.memory_space<vmem>> -> memref<1x1x128xi32, #tpu.memory_space<vmem>>
            %dma_start3A_577 = tpu.memref_squeeze %dma_start3A_576 : memref<1x1x128xi32, #tpu.memory_space<vmem>> -> memref<1x128xi32, #tpu.memory_space<vmem>>
            %dma_start3A_578 = arith.constant 0 : i32
            %dma_start3A_579 = tpu.memref_slice %dma_start3A_577[%run_scoped3A_442, %dma_start3A_578] : memref<1x128xi32, #tpu.memory_space<vmem>> -> memref<1x128xi32, #tpu.memory_space<vmem>>
            %dma_start3A_580 = tpu.memref_squeeze %dma_start3A_579 : memref<1x128xi32, #tpu.memory_space<vmem>> -> memref<128xi32, #tpu.memory_space<vmem>>
            %dma_start3A_581 = arith.constant 0 : i32
            %dma_start3A_582 = arith.constant 0 : i32
            %dma_start3A_583 = tpu.memref_slice %arg4[%dma_start3A_581, %dma_start3A_582] : memref<10240x384xf32, #tpu.memory_space<hbm>> -> memref<10240x384xf32, #tpu.memory_space<hbm>>
            tpu.enqueue_indirect_dma source(%dma_start3A_573 : memref<128x384xf32, #tpu.memory_space<vmem>>) target(%dma_start3A_583 : memref<10240x384xf32, #tpu.memory_space<hbm>>) offsets(%dma_start3A_580 : memref<128xi32, #tpu.memory_space<vmem>>) semaphore(%run_scoped3A_569 : memref<!tpu.dma_semaphore, #tpu.memory_space<semaphore_mem>>)
            %dma_wait3A = arith.constant 0 : i32
            %dma_wait3A_584 = arith.constant 0 : i32
            %dma_wait3A_585 = tpu.memref_slice %run_scoped3A[%rem3A_437, %dma_wait3A, %dma_wait3A_584] : memref<2x128x384xf32, #tpu.memory_space<vmem>> -> memref<1x128x384xf32, #tpu.memory_space<vmem>>
            %dma_wait3A_586 = tpu.memref_squeeze %dma_wait3A_585 : memref<1x128x384xf32, #tpu.memory_space<vmem>> -> memref<128x384xf32, #tpu.memory_space<vmem>>
            %dma_wait3A_587 = arith.constant 0 : i32
            %dma_wait3A_588 = arith.constant 0 : i32
            %dma_wait3A_589 = tpu.memref_slice %run_scoped3A_20[%rem3A_439, %dma_wait3A_587, %dma_wait3A_588] : memref<2x1x128xi32, #tpu.memory_space<vmem>> -> memref<1x1x128xi32, #tpu.memory_space<vmem>>
            %dma_wait3A_590 = tpu.memref_squeeze %dma_wait3A_589 : memref<1x1x128xi32, #tpu.memory_space<vmem>> -> memref<1x128xi32, #tpu.memory_space<vmem>>
            %dma_wait3A_591 = arith.constant 0 : i32
            %dma_wait3A_592 = tpu.memref_slice %dma_wait3A_590[%run_scoped3A_442, %dma_wait3A_591] : memref<1x128xi32, #tpu.memory_space<vmem>> -> memref<1x128xi32, #tpu.memory_space<vmem>>
            %dma_wait3A_593 = tpu.memref_squeeze %dma_wait3A_592 : memref<1x128xi32, #tpu.memory_space<vmem>> -> memref<128xi32, #tpu.memory_space<vmem>>
            %dma_wait3A_594 = arith.constant 0 : i32
            %dma_wait3A_595 = arith.constant 0 : i32
            %dma_wait3A_596 = tpu.memref_slice %arg4[%dma_wait3A_594, %dma_wait3A_595] : memref<10240x384xf32, #tpu.memory_space<hbm>> -> memref<10240x384xf32, #tpu.memory_space<hbm>>
            tpu.wait_indirect_dma semaphore(%run_scoped3A_569 : memref<!tpu.dma_semaphore, #tpu.memory_space<semaphore_mem>>) src(%dma_wait3A_586 : memref<128x384xf32, #tpu.memory_space<vmem>>) dst(%dma_wait3A_596 : memref<10240x384xf32, #tpu.memory_space<hbm>>)
            tpu.yield
          }) : () -> ()
          %run_scoped3A_443 = arith.constant 0 : i32
          "tpu.region"() ({
            %run_scoped3A_569 = tpu.sem_alloc : memref<!tpu.dma_semaphore, #tpu.memory_space<semaphore_mem>>
            %dma_start3A_570 = arith.constant 0 : i32
            %dma_start3A_571 = arith.constant 0 : i32
            %dma_start3A_572 = tpu.memref_slice %run_scoped3A[%rem3A_437, %dma_start3A_570, %dma_start3A_571] : memref<2x128x384xf32, #tpu.memory_space<vmem>> -> memref<1x128x384xf32, #tpu.memory_space<vmem>>
            %dma_start3A_573 = tpu.memref_squeeze %dma_start3A_572 : memref<1x128x384xf32, #tpu.memory_space<vmem>> -> memref<128x384xf32, #tpu.memory_space<vmem>>
            %dma_start3A_574 = arith.constant 0 : i32
            %dma_start3A_575 = arith.constant 0 : i32
            %dma_start3A_576 = tpu.memref_slice %run_scoped3A_22[%rem3A_441, %dma_start3A_574, %dma_start3A_575] : memref<2x1x128xi32, #tpu.memory_space<vmem>> -> memref<1x1x128xi32, #tpu.memory_space<vmem>>
            %dma_start3A_577 = tpu.memref_squeeze %dma_start3A_576 : memref<1x1x128xi32, #tpu.memory_space<vmem>> -> memref<1x128xi32, #tpu.memory_space<vmem>>
            %dma_start3A_578 = arith.constant 0 : i32
            %dma_start3A_579 = tpu.memref_slice %dma_start3A_577[%run_scoped3A_443, %dma_start3A_578] : memref<1x128xi32, #tpu.memory_space<vmem>> -> memref<1x128xi32, #tpu.memory_space<vmem>>
            %dma_start3A_580 = tpu.memref_squeeze %dma_start3A_579 : memref<1x128xi32, #tpu.memory_space<vmem>> -> memref<128xi32, #tpu.memory_space<vmem>>
            %dma_start3A_581 = arith.constant 0 : i32
            %dma_start3A_582 = arith.constant 0 : i32
            %dma_start3A_583 = tpu.memref_slice %arg4[%dma_start3A_581, %dma_start3A_582] : memref<10240x384xf32, #tpu.memory_space<hbm>> -> memref<10240x384xf32, #tpu.memory_space<hbm>>
            tpu.enqueue_indirect_dma source(%dma_start3A_573 : memref<128x384xf32, #tpu.memory_space<vmem>>) target(%dma_start3A_583 : memref<10240x384xf32, #tpu.memory_space<hbm>>) offsets(%dma_start3A_580 : memref<128xi32, #tpu.memory_space<vmem>>) semaphore(%run_scoped3A_569 : memref<!tpu.dma_semaphore, #tpu.memory_space<semaphore_mem>>)
            %dma_wait3A = arith.constant 0 : i32
            %dma_wait3A_584 = arith.constant 0 : i32
            %dma_wait3A_585 = tpu.memref_slice %run_scoped3A[%rem3A_437, %dma_wait3A, %dma_wait3A_584] : memref<2x128x384xf32, #tpu.memory_space<vmem>> -> memref<1x128x384xf32, #tpu.memory_space<vmem>>
            %dma_wait3A_586 = tpu.memref_squeeze %dma_wait3A_585 : memref<1x128x384xf32, #tpu.memory_space<vmem>> -> memref<128x384xf32, #tpu.memory_space<vmem>>
            %dma_wait3A_587 = arith.constant 0 : i32
            %dma_wait3A_588 = arith.constant 0 : i32
            %dma_wait3A_589 = tpu.memref_slice %run_scoped3A_22[%rem3A_441, %dma_wait3A_587, %dma_wait3A_588] : memref<2x1x128xi32, #tpu.memory_space<vmem>> -> memref<1x1x128xi32, #tpu.memory_space<vmem>>
            %dma_wait3A_590 = tpu.memref_squeeze %dma_wait3A_589 : memref<1x1x128xi32, #tpu.memory_space<vmem>> -> memref<1x128xi32, #tpu.memory_space<vmem>>
            %dma_wait3A_591 = arith.constant 0 : i32
            %dma_wait3A_592 = tpu.memref_slice %dma_wait3A_590[%run_scoped3A_443, %dma_wait3A_591] : memref<1x128xi32, #tpu.memory_space<vmem>> -> memref<1x128xi32, #tpu.memory_space<vmem>>
            %dma_wait3A_593 = tpu.memref_squeeze %dma_wait3A_592 : memref<1x128xi32, #tpu.memory_space<vmem>> -> memref<128xi32, #tpu.memory_space<vmem>>
            %dma_wait3A_594 = arith.constant 0 : i32
            %dma_wait3A_595 = arith.constant 0 : i32
            %dma_wait3A_596 = tpu.memref_slice %arg4[%dma_wait3A_594, %dma_wait3A_595] : memref<10240x384xf32, #tpu.memory_space<hbm>> -> memref<10240x384xf32, #tpu.memory_space<hbm>>
            tpu.wait_indirect_dma semaphore(%run_scoped3A_569 : memref<!tpu.dma_semaphore, #tpu.memory_space<semaphore_mem>>) src(%dma_wait3A_586 : memref<128x384xf32, #tpu.memory_space<vmem>>) dst(%dma_wait3A_596 : memref<10240x384xf32, #tpu.memory_space<hbm>>)
            tpu.yield
          }) : () -> ()
          "tpu.trace_stop"() : () -> ()
          %ne3A_444 = arith.cmpi ne, %add3A_287, %add3A_323 : i32
          %ne3A_445 = arith.cmpi ne, %add3A_289, %add3A_325 : i32
          %or3A_446 = arith.constant false
          %or3A_447 = arith.ori %or3A_446, %ne3A_444 : i1
          %or3A_448 = arith.ori %or3A_447, %ne3A_445 : i1
          %or3A_449 = arith.ori %or3A_448, %eq3A_286 : i1
          %convert_element_type3A_450 = arith.extui %or3A_449 : i1 to i32
          %cond3A_451 = arith.constant 0 : i32
          %cond3A_452 = arith.cmpi ne, %convert_element_type3A_450, %cond3A_451 : i32
          scf.if %cond3A_452 {
          } else {
          }
          %and3A_453 = arith.constant false
          %and3A_454 = arith.andi %or3A_449, %and3A_453 : i1
          %ne3A_455 = arith.cmpi ne, %add3A_289, %add3A_325 : i32
          %ne3A_456 = arith.cmpi ne, %add3A_287, %add3A_323 : i32
          %or3A_457 = arith.constant false
          %or3A_458 = arith.ori %or3A_457, %ne3A_455 : i1
          %or3A_459 = arith.ori %or3A_458, %ne3A_456 : i1
          %or3A_460 = arith.ori %or3A_459, %eq3A_286 : i1
          %convert_element_type3A_461 = arith.extui %or3A_460 : i1 to i32
          %cond3A_462 = arith.constant 0 : i32
          %cond3A_463 = arith.cmpi ne, %convert_element_type3A_461, %cond3A_462 : i32
          scf.if %cond3A_463 {
          } else {
          }
          %and3A_464 = arith.constant false
          %and3A_465 = arith.andi %or3A_460, %and3A_464 : i1
          %add3A_466 = arith.constant 16 : i32
          %add3A_467 = arith.addi %add3A_466, %add3A_287 : i32
          %add3A_468 = arith.constant 16 : i32
          %add3A_469 = arith.addi %add3A_468, %add3A_323 : i32
          %ne3A_470 = arith.cmpi ne, %add3A_289, %add3A_325 : i32
          %ne3A_471 = arith.cmpi ne, %add3A_467, %add3A_469 : i32
          %or3A_472 = arith.constant false
          %or3A_473 = arith.ori %or3A_472, %ne3A_470 : i1
          %or3A_474 = arith.ori %or3A_473, %ne3A_471 : i1
          %or3A_475 = arith.ori %or3A_474, %eq3A_286 : i1
          %convert_element_type3A_476 = arith.extui %or3A_475 : i1 to i32
          %cond3A_477 = arith.constant 0 : i32
          %cond3A_478 = arith.cmpi ne, %convert_element_type3A_476, %cond3A_477 : i32
          scf.if %cond3A_478 {
          } else {
          }
          %and3A_479 = arith.constant false
          %and3A_480 = arith.andi %or3A_475, %and3A_479 : i1
          %ne3A_481 = arith.cmpi ne, %add3A_287, %add3A_306 : i32
          %ne3A_482 = arith.cmpi ne, %add3A_289, %add3A_308 : i32
          %or3A_483 = arith.constant false
          %or3A_484 = arith.ori %or3A_483, %ne3A_481 : i1
          %or3A_485 = arith.ori %or3A_484, %ne3A_482 : i1
          %not3A_486 = arith.constant true
          %not3A_487 = arith.xori %eq3A_283, %not3A_486 : i1
          %and3A_488 = arith.andi %or3A_485, %not3A_487 : i1
          %convert_element_type3A_489 = arith.extui %and3A_488 : i1 to i32
          %cond3A_490 = arith.constant 0 : i32
          %cond3A_491 = arith.cmpi ne, %convert_element_type3A_489, %cond3A_490 : i32
          scf.if %cond3A_491 {
          } else {
          }
          %and3A_492 = arith.constant false
          %and3A_493 = arith.andi %and3A_488, %and3A_492 : i1
          %ne3A_494 = arith.cmpi ne, %add3A_289, %add3A_308 : i32
          %ne3A_495 = arith.cmpi ne, %add3A_287, %add3A_306 : i32
          %or3A_496 = arith.constant false
          %or3A_497 = arith.ori %or3A_496, %ne3A_494 : i1
          %or3A_498 = arith.ori %or3A_497, %ne3A_495 : i1
          %not3A_499 = arith.constant true
          %not3A_500 = arith.xori %eq3A_283, %not3A_499 : i1
          %and3A_501 = arith.andi %or3A_498, %not3A_500 : i1
          %convert_element_type3A_502 = arith.extui %and3A_501 : i1 to i32
          %cond3A_503 = arith.constant 0 : i32
          %cond3A_504 = arith.cmpi ne, %convert_element_type3A_502, %cond3A_503 : i32
          scf.if %cond3A_504 {
          } else {
          }
          %and3A_505 = arith.constant false
          %and3A_506 = arith.andi %and3A_501, %and3A_505 : i1
          %add3A_507 = arith.constant 16 : i32
          %add3A_508 = arith.addi %add3A_507, %add3A_287 : i32
          %add3A_509 = arith.constant 16 : i32
          %add3A_510 = arith.addi %add3A_509, %add3A_306 : i32
          %ne3A_511 = arith.cmpi ne, %add3A_289, %add3A_308 : i32
          %ne3A_512 = arith.cmpi ne, %add3A_508, %add3A_510 : i32
          %or3A_513 = arith.constant false
          %or3A_514 = arith.ori %or3A_513, %ne3A_511 : i1
          %or3A_515 = arith.ori %or3A_514, %ne3A_512 : i1
          %not3A_516 = arith.constant true
          %not3A_517 = arith.xori %eq3A_283, %not3A_516 : i1
          %and3A_518 = arith.andi %or3A_515, %not3A_517 : i1
          %convert_element_type3A_519 = arith.extui %and3A_518 : i1 to i32
          %cond3A_520 = arith.constant 0 : i32
          %cond3A_521 = arith.cmpi ne, %convert_element_type3A_519, %cond3A_520 : i32
          scf.if %cond3A_521 {
          } else {
          }
          %and3A_522 = arith.constant false
          %and3A_523 = arith.andi %and3A_518, %and3A_522 : i1
          %ne3A_524 = arith.cmpi ne, %add3A_287, %add3A_323 : i32
          %ne3A_525 = arith.cmpi ne, %add3A_289, %add3A_325 : i32
          %or3A_526 = arith.constant false
          %or3A_527 = arith.ori %or3A_526, %ne3A_524 : i1
          %or3A_528 = arith.ori %or3A_527, %ne3A_525 : i1
          %or3A_529 = arith.ori %or3A_528, %eq3A_286 : i1
          %add3A_530 = arith.constant 1 : i32
          %add3A_531 = arith.addi %while3A_271, %add3A_530 : i32
          %select_n3A_532 = arith.select %or3A_529, %add3A_531, %while3A_271 : i32
          %ne3A_533 = arith.cmpi ne, %add3A_289, %add3A_325 : i32
          %ne3A_534 = arith.cmpi ne, %add3A_287, %add3A_323 : i32
          %or3A_535 = arith.constant false
          %or3A_536 = arith.ori %or3A_535, %ne3A_533 : i1
          %or3A_537 = arith.ori %or3A_536, %ne3A_534 : i1
          %or3A_538 = arith.ori %or3A_537, %eq3A_286 : i1
          %add3A_539 = arith.constant 1 : i32
          %add3A_540 = arith.addi %while3A_273, %add3A_539 : i32
          %select_n3A_541 = arith.select %or3A_538, %add3A_540, %while3A_273 : i32
          %add3A_542 = arith.constant 16 : i32
          %add3A_543 = arith.addi %add3A_542, %add3A_287 : i32
          %add3A_544 = arith.constant 16 : i32
          %add3A_545 = arith.addi %add3A_544, %add3A_323 : i32
          %ne3A_546 = arith.cmpi ne, %add3A_289, %add3A_325 : i32
          %ne3A_547 = arith.cmpi ne, %add3A_543, %add3A_545 : i32
          %or3A_548 = arith.constant false
          %or3A_549 = arith.ori %or3A_548, %ne3A_546 : i1
          %or3A_550 = arith.ori %or3A_549, %ne3A_547 : i1
          %or3A_551 = arith.ori %or3A_550, %eq3A_286 : i1
          %add3A_552 = arith.constant 1 : i32
          %add3A_553 = arith.addi %while3A_275, %add3A_552 : i32
          %select_n3A_554 = arith.select %or3A_551, %add3A_553, %while3A_275 : i32
          %add3A_555 = arith.constant 1 : i32
          %add3A_556 = arith.addi %while3A_277, %add3A_555 : i32
          %select_n3A_557 = arith.constant true
          %select_n3A_558 = arith.select %select_n3A_557, %add3A_556, %while3A_277 : i32
          %eq3A_559 = arith.constant 2 : i32
          %eq3A_560 = arith.cmpi eq, %select_n3A_558, %eq3A_559 : i32
          %select_n3A_561 = arith.constant 0 : i32
          %select_n3A_562 = arith.select %eq3A_560, %select_n3A_561, %select_n3A_558 : i32
          %add3A_563 = arith.constant 1 : i32
          %add3A_564 = arith.addi %while3A_276, %add3A_563 : i32
          %select_n3A_565 = arith.select %eq3A_560, %add3A_564, %while3A_276 : i32
          %eq3A_566 = arith.cmpi eq, %select_n3A_565, %select_n3A : i32
          %select_n3A_567 = arith.constant 0 : i32
          %select_n3A_568 = arith.select %eq3A_566, %select_n3A_567, %select_n3A_565 : i32
          scf.yield %select_n3A_358, %select_n3A_532, %select_n3A_379, %select_n3A_541, %select_n3A_404, %select_n3A_554, %select_n3A_568, %select_n3A_562 : i32, i32, i32, i32, i32, i32, i32, i32
        }
        %sub3A_177 = arith.constant 1 : i32
        %sub3A_178 = arith.subi %while3A_176#7, %sub3A_177 : i32
        %select_n3A_179 = arith.constant true
        %select_n3A_180 = arith.select %select_n3A_179, %sub3A_178, %while3A_176#7 : i32
        %eq3A_181 = arith.constant -1 : i32
        %eq3A_182 = arith.cmpi eq, %select_n3A_180, %eq3A_181 : i32
        %select_n3A_183 = arith.constant 1 : i32
        %select_n3A_184 = arith.select %eq3A_182, %select_n3A_183, %select_n3A_180 : i32
        %sub3A_185 = arith.constant 1 : i32
        %sub3A_186 = arith.subi %while3A_176#6, %sub3A_185 : i32
        %select_n3A_187 = arith.select %eq3A_182, %sub3A_186, %while3A_176#6 : i32
        %eq3A_188 = arith.constant -1 : i32
        %eq3A_189 = arith.cmpi eq, %select_n3A_187, %eq3A_188 : i32
        %sub3A_190 = arith.constant 1 : i32
        %sub3A_191 = arith.subi %select_n3A, %sub3A_190 : i32
        %select_n3A_192 = arith.select %eq3A_189, %sub3A_191, %select_n3A_187 : i32
        %sub3A_193 = arith.constant 1 : i32
        %sub3A_194 = arith.subi %mul3A_18, %sub3A_193 : i32
        %mul3A_195 = arith.constant 1 : i32
        %mul3A_196 = arith.muli %mul3A_195, %select_n3A : i32
        %mul3A_197 = arith.constant 2 : i32
        %mul3A_198 = arith.muli %mul3A_196, %mul3A_197 : i32
        %eq3A_199 = arith.constant 0 : i32
        %eq3A_200 = arith.cmpi eq, %sub3A_194, %eq3A_199 : i32
        %sub3A_201 = arith.constant 1 : i32
        %sub3A_202 = arith.subi %mul3A_198, %sub3A_201 : i32
        %eq3A_203 = arith.cmpi eq, %sub3A_194, %sub3A_202 : i32
        %add3A_204 = arith.addi %select_n3A_192, %select_n3A_14 : i32
        %add3A_205 = arith.constant 0 : i32
        %add3A_206 = arith.addi %select_n3A_184, %add3A_205 : i32
        %sub3A_207 = arith.constant 1 : i32
        %sub3A_208 = arith.subi %select_n3A_184, %sub3A_207 : i32
        %select_n3A_209 = arith.constant true
        %select_n3A_210 = arith.select %select_n3A_209, %sub3A_208, %select_n3A_184 : i32
        %eq3A_211 = arith.constant -1 : i32
        %eq3A_212 = arith.cmpi eq, %select_n3A_210, %eq3A_211 : i32
        %select_n3A_213 = arith.constant 1 : i32
        %select_n3A_214 = arith.select %eq3A_212, %select_n3A_213, %select_n3A_210 : i32
        %sub3A_215 = arith.constant 1 : i32
        %sub3A_216 = arith.subi %select_n3A_192, %sub3A_215 : i32
        %select_n3A_217 = arith.select %eq3A_212, %sub3A_216, %select_n3A_192 : i32
        %eq3A_218 = arith.constant -1 : i32
        %eq3A_219 = arith.cmpi eq, %select_n3A_217, %eq3A_218 : i32
        %sub3A_220 = arith.constant 1 : i32
        %sub3A_221 = arith.subi %select_n3A, %sub3A_220 : i32
        %select_n3A_222 = arith.select %eq3A_219, %sub3A_221, %select_n3A_217 : i32
        %add3A_223 = arith.addi %select_n3A_222, %select_n3A_14 : i32
        %add3A_224 = arith.constant 0 : i32
        %add3A_225 = arith.addi %select_n3A_214, %add3A_224 : i32
        %add3A_226 = arith.constant 1 : i32
        %add3A_227 = arith.addi %select_n3A_184, %add3A_226 : i32
        %select_n3A_228 = arith.constant true
        %select_n3A_229 = arith.select %select_n3A_228, %add3A_227, %select_n3A_184 : i32
        %eq3A_230 = arith.constant 2 : i32
        %eq3A_231 = arith.cmpi eq, %select_n3A_229, %eq3A_230 : i32
        %select_n3A_232 = arith.constant 0 : i32
        %select_n3A_233 = arith.select %eq3A_231, %select_n3A_232, %select_n3A_229 : i32
        %add3A_234 = arith.constant 1 : i32
        %add3A_235 = arith.addi %select_n3A_192, %add3A_234 : i32
        %select_n3A_236 = arith.select %eq3A_231, %add3A_235, %select_n3A_192 : i32
        %eq3A_237 = arith.cmpi eq, %select_n3A_236, %select_n3A : i32
        %select_n3A_238 = arith.constant 0 : i32
        %select_n3A_239 = arith.select %eq3A_237, %select_n3A_238, %select_n3A_236 : i32
        %add3A_240 = arith.addi %select_n3A_239, %select_n3A_14 : i32
        %add3A_241 = arith.constant 0 : i32
        %add3A_242 = arith.addi %select_n3A_233, %add3A_241 : i32
        %add3A_243 = arith.constant 1 : i32
        %add3A_244 = arith.addi %select_n3A_233, %add3A_243 : i32
        %select_n3A_245 = arith.constant true
        %select_n3A_246 = arith.select %select_n3A_245, %add3A_244, %select_n3A_233 : i32
        %eq3A_247 = arith.constant 2 : i32
        %eq3A_248 = arith.cmpi eq, %select_n3A_246, %eq3A_247 : i32
        %select_n3A_249 = arith.constant 0 : i32
        %select_n3A_250 = arith.select %eq3A_248, %select_n3A_249, %select_n3A_246 : i32
        %add3A_251 = arith.constant 1 : i32
        %add3A_252 = arith.addi %select_n3A_239, %add3A_251 : i32
        %select_n3A_253 = arith.select %eq3A_248, %add3A_252, %select_n3A_239 : i32
        %eq3A_254 = arith.cmpi eq, %select_n3A_253, %select_n3A : i32
        %select_n3A_255 = arith.constant 0 : i32
        %select_n3A_256 = arith.select %eq3A_254, %select_n3A_255, %select_n3A_253 : i32
        %add3A_257 = arith.addi %select_n3A_256, %select_n3A_14 : i32
        %add3A_258 = arith.constant 0 : i32
        %add3A_259 = arith.addi %select_n3A_250, %add3A_258 : i32
        %convert_element_type3A_260 = arith.extui %eq3A_203 : i1 to i32
        %cond3A_261 = arith.constant 0 : i32
        %cond3A_262 = arith.cmpi ne, %convert_element_type3A_260, %cond3A_261 : i32
        scf.if %cond3A_262 {
        } else {
        }
        %convert_element_type3A_263 = arith.extui %eq3A_203 : i1 to i32
        %cond3A_264 = arith.constant 0 : i32
        %cond3A_265 = arith.cmpi ne, %convert_element_type3A_263, %cond3A_264 : i32
        scf.if %cond3A_265 {
        } else {
        }
        %convert_element_type3A_266 = arith.extui %eq3A_203 : i1 to i32
        %cond3A_267 = arith.constant 0 : i32
        %cond3A_268 = arith.cmpi ne, %convert_element_type3A_266, %cond3A_267 : i32
        scf.if %cond3A_268 {
        } else {
        }
      } else {
      }
      tpu.yield
    }) : () -> ()
    return
  }
}

module attributes {stable_mosaic.version = 14 : i64} {
  func.func @_gate_body(%arg0: memref<2048x768xf32, #tpu.memory_space<vmem>>, %arg1: memref<768x8xf32, #tpu.memory_space<vmem>>, %arg2: memref<1x8xf32, #tpu.memory_space<vmem>>, %arg3: memref<2048x8xf32, #tpu.memory_space<vmem>>, %arg4: memref<8192x1xi32, #tpu.memory_space<vmem>>, %arg5: memref<2048x2xf32, #tpu.memory_space<vmem>>, %arg6: memref<40x6xi32, #tpu.memory_space<vmem>>) attributes {dimension_semantics = [], scalar_prefetch = 0 : i64, scratch_operands = 0 : i64, tpu.core_type = #tpu.core_type<tc>} {
    %get3A = arith.constant 0 : index
    %get3A_0 = arith.constant 0 : index
    %get3A_1 = vector.load %arg0[%get3A, %get3A_0] : memref<2048x768xf32, #tpu.memory_space<vmem>>, vector<2048x768xf32>
    %get3A_2 = arith.constant 0 : index
    %get3A_3 = arith.constant 0 : index
    %get3A_4 = vector.load %arg1[%get3A_2, %get3A_3] : memref<768x8xf32, #tpu.memory_space<vmem>>, vector<768x8xf32>
    %dot_general3A = arith.constant dense<0.000000e+00> : vector<2048x8xf32>
    %dot_general3A_5 = tpu.matmul %get3A_1, %get3A_4, %dot_general3A {dimension_numbers = #tpu.dot_dimension_numbers<[1], [0], [0], [1], [0, 0, 1, 1], [], []>, transpose_lhs_hint = false} : vector<2048x768xf32>, vector<768x8xf32>, vector<2048x8xf32> -> vector<2048x8xf32>
    %get3A_6 = arith.constant 0 : index
    %get3A_7 = arith.constant 0 : index
    %get3A_8 = vector.load %arg2[%get3A_6, %get3A_7] : memref<1x8xf32, #tpu.memory_space<vmem>>, vector<1x8xf32>
    %add3A = vector.broadcast %get3A_8 : vector<1x8xf32> to vector<2048x8xf32>
    %add3A_9 = arith.addf %dot_general3A_5, %add3A : vector<2048x8xf32>
    %reduce_max3A = arith.constant dense<0xFF800000> : vector<2048xf32>
    %reduce_max3A_10 = vector.multi_reduction <maximumf>, %add3A_9, %reduce_max3A [1] : vector<2048x8xf32> to vector<2048xf32>
    %broadcast_in_dim3A = vector.shape_cast %reduce_max3A_10 : vector<2048xf32> to vector<2048x1xf32>
    %sub3A = vector.broadcast %broadcast_in_dim3A : vector<2048x1xf32> to vector<2048x8xf32>
    %sub3A_11 = arith.subf %add3A_9, %sub3A : vector<2048x8xf32>
    %exp3A = math.exp %sub3A_11 : vector<2048x8xf32>
    %reduce_sum3A = arith.constant dense<0.000000e+00> : vector<2048xf32>
    %reduce_sum3A_12 = vector.multi_reduction <add>, %exp3A, %reduce_sum3A [1] : vector<2048x8xf32> to vector<2048xf32>
    %broadcast_in_dim3A_13 = vector.shape_cast %reduce_sum3A_12 : vector<2048xf32> to vector<2048x1xf32>
    %div3A = vector.broadcast %broadcast_in_dim3A_13 : vector<2048x1xf32> to vector<2048x8xf32>
    %div3A_14 = arith.divf %exp3A, %div3A : vector<2048x8xf32>
    %swap3A = arith.constant 0 : index
    %swap3A_15 = arith.constant 0 : index
    %swap3A_16 = vector.load %arg3[%swap3A, %swap3A_15] : memref<2048x8xf32, #tpu.memory_space<vmem>>, vector<2048x8xf32>
    tpu.vector_store %arg3[%swap3A, %swap3A_15], %div3A_14 {strides = array<i32>} : memref<2048x8xf32, #tpu.memory_space<vmem>>, vector<2048x8xf32>,
    %iota3A = tpu.iota {dimensions = array<i32: 1>} : vector<2048x8xi32>
    %reduce_max3A_17 = arith.constant dense<0xFF800000> : vector<2048xf32>
    %reduce_max3A_18 = vector.multi_reduction <maximumf>, %div3A_14, %reduce_max3A_17 [1] : vector<2048x8xf32> to vector<2048xf32>
    %broadcast_in_dim3A_19 = vector.shape_cast %reduce_max3A_18 : vector<2048xf32> to vector<2048x1xf32>
    %ge3A = vector.broadcast %broadcast_in_dim3A_19 : vector<2048x1xf32> to vector<2048x8xf32>
    %ge3A_20 = arith.cmpf oge, %div3A_14, %ge3A : vector<2048x8xf32>
    %jit3A = arith.constant 8 : i32
    %broadcast_in_dim3A_21 = vector.broadcast %jit3A : i32 to vector<2048x8xi32>
    %select_n3A = arith.select %ge3A_20, %iota3A, %broadcast_in_dim3A_21 : vector<2048x8xi1>, vector<2048x8xi32>
    %reduce_min3A = arith.constant dense<2147483647> : vector<2048xi32>
    %reduce_min3A_22 = vector.multi_reduction <minsi>, %select_n3A, %reduce_min3A [1] : vector<2048x8xi32> to vector<2048xi32>
    %broadcast_in_dim3A_23 = vector.shape_cast %reduce_min3A_22 : vector<2048xi32> to vector<2048x1xi32>
    %eq3A = vector.broadcast %broadcast_in_dim3A_23 : vector<2048x1xi32> to vector<2048x8xi32>
    %eq3A_24 = arith.cmpi eq, %iota3A, %eq3A : vector<2048x8xi32>
    %jit3A_25 = arith.constant -1.000000e+00 : f32
    %broadcast_in_dim3A_26 = vector.broadcast %jit3A_25 : f32 to vector<2048x8xf32>
    %select_n3A_27 = arith.select %eq3A_24, %broadcast_in_dim3A_26, %div3A_14 : vector<2048x8xi1>, vector<2048x8xf32>
    %reduce_max3A_28 = arith.constant dense<0xFF800000> : vector<2048xf32>
    %reduce_max3A_29 = vector.multi_reduction <maximumf>, %select_n3A_27, %reduce_max3A_28 [1] : vector<2048x8xf32> to vector<2048xf32>
    %broadcast_in_dim3A_30 = vector.shape_cast %reduce_max3A_29 : vector<2048xf32> to vector<2048x1xf32>
    %ge3A_31 = vector.broadcast %broadcast_in_dim3A_30 : vector<2048x1xf32> to vector<2048x8xf32>
    %ge3A_32 = arith.cmpf oge, %select_n3A_27, %ge3A_31 : vector<2048x8xf32>
    %jit3A_33 = arith.constant 8 : i32
    %broadcast_in_dim3A_34 = vector.broadcast %jit3A_33 : i32 to vector<2048x8xi32>
    %select_n3A_35 = arith.select %ge3A_32, %iota3A, %broadcast_in_dim3A_34 : vector<2048x8xi1>, vector<2048x8xi32>
    %reduce_min3A_36 = arith.constant dense<2147483647> : vector<2048xi32>
    %reduce_min3A_37 = vector.multi_reduction <minsi>, %select_n3A_35, %reduce_min3A_36 [1] : vector<2048x8xi32> to vector<2048xi32>
    %broadcast_in_dim3A_38 = vector.shape_cast %reduce_min3A_37 : vector<2048xi32> to vector<2048x1xi32>
    %eq3A_39 = vector.broadcast %broadcast_in_dim3A_38 : vector<2048x1xi32> to vector<2048x8xi32>
    %eq3A_40 = arith.cmpi eq, %iota3A, %eq3A_39 : vector<2048x8xi32>
    %convert_element_type3A = arith.extui %eq3A_24 : vector<2048x8xi1> to vector<2048x8xi32>
    %convert_element_type3A_41 = arith.extui %eq3A_40 : vector<2048x8xi1> to vector<2048x8xi32>
    %broadcast_in_dim3A_42 = arith.constant 0 : i32
    %broadcast_in_dim3A_43 = vector.broadcast %broadcast_in_dim3A_42 : i32 to vector<1x8xi32>
    %slice3A = vector.extract_strided_slice %convert_element_type3A {offsets = [0, 0], sizes = [2047, 8], strides = [1, 1]} : vector<2048x8xi32> to vector<2047x8xi32>
    %concatenate3A = tpu.concatenate %broadcast_in_dim3A_43, %slice3A in 0 : vector<1x8xi32>, vector<2047x8xi32> -> vector<2048x8xi32>
    %add3A_44 = arith.addi %convert_element_type3A, %concatenate3A : vector<2048x8xi32>
    %broadcast_in_dim3A_45 = arith.constant 0 : i32
    %broadcast_in_dim3A_46 = vector.broadcast %broadcast_in_dim3A_45 : i32 to vector<2x8xi32>
    %slice3A_47 = vector.extract_strided_slice %add3A_44 {offsets = [0, 0], sizes = [2046, 8], strides = [1, 1]} : vector<2048x8xi32> to vector<2046x8xi32>
    %concatenate3A_48 = tpu.concatenate %broadcast_in_dim3A_46, %slice3A_47 in 0 : vector<2x8xi32>, vector<2046x8xi32> -> vector<2048x8xi32>
    %add3A_49 = arith.addi %add3A_44, %concatenate3A_48 : vector<2048x8xi32>
    %broadcast_in_dim3A_50 = arith.constant 0 : i32
    %broadcast_in_dim3A_51 = vector.broadcast %broadcast_in_dim3A_50 : i32 to vector<4x8xi32>
    %slice3A_52 = vector.extract_strided_slice %add3A_49 {offsets = [0, 0], sizes = [2044, 8], strides = [1, 1]} : vector<2048x8xi32> to vector<2044x8xi32>
    %concatenate3A_53 = tpu.concatenate %broadcast_in_dim3A_51, %slice3A_52 in 0 : vector<4x8xi32>, vector<2044x8xi32> -> vector<2048x8xi32>
    %add3A_54 = arith.addi %add3A_49, %concatenate3A_53 : vector<2048x8xi32>
    %broadcast_in_dim3A_55 = arith.constant 0 : i32
    %broadcast_in_dim3A_56 = vector.broadcast %broadcast_in_dim3A_55 : i32 to vector<8x8xi32>
    %slice3A_57 = vector.extract_strided_slice %add3A_54 {offsets = [0, 0], sizes = [2040, 8], strides = [1, 1]} : vector<2048x8xi32> to vector<2040x8xi32>
    %concatenate3A_58 = tpu.concatenate %broadcast_in_dim3A_56, %slice3A_57 in 0 : vector<8x8xi32>, vector<2040x8xi32> -> vector<2048x8xi32>
    %add3A_59 = arith.addi %add3A_54, %concatenate3A_58 : vector<2048x8xi32>
    %broadcast_in_dim3A_60 = arith.constant 0 : i32
    %broadcast_in_dim3A_61 = vector.broadcast %broadcast_in_dim3A_60 : i32 to vector<16x8xi32>
    %slice3A_62 = vector.extract_strided_slice %add3A_59 {offsets = [0, 0], sizes = [2032, 8], strides = [1, 1]} : vector<2048x8xi32> to vector<2032x8xi32>
    %concatenate3A_63 = tpu.concatenate %broadcast_in_dim3A_61, %slice3A_62 in 0 : vector<16x8xi32>, vector<2032x8xi32> -> vector<2048x8xi32>
    %add3A_64 = arith.addi %add3A_59, %concatenate3A_63 : vector<2048x8xi32>
    %broadcast_in_dim3A_65 = arith.constant 0 : i32
    %broadcast_in_dim3A_66 = vector.broadcast %broadcast_in_dim3A_65 : i32 to vector<32x8xi32>
    %slice3A_67 = vector.extract_strided_slice %add3A_64 {offsets = [0, 0], sizes = [2016, 8], strides = [1, 1]} : vector<2048x8xi32> to vector<2016x8xi32>
    %concatenate3A_68 = tpu.concatenate %broadcast_in_dim3A_66, %slice3A_67 in 0 : vector<32x8xi32>, vector<2016x8xi32> -> vector<2048x8xi32>
    %add3A_69 = arith.addi %add3A_64, %concatenate3A_68 : vector<2048x8xi32>
    %broadcast_in_dim3A_70 = arith.constant 0 : i32
    %broadcast_in_dim3A_71 = vector.broadcast %broadcast_in_dim3A_70 : i32 to vector<64x8xi32>
    %slice3A_72 = vector.extract_strided_slice %add3A_69 {offsets = [0, 0], sizes = [1984, 8], strides = [1, 1]} : vector<2048x8xi32> to vector<1984x8xi32>
    %concatenate3A_73 = tpu.concatenate %broadcast_in_dim3A_71, %slice3A_72 in 0 : vector<64x8xi32>, vector<1984x8xi32> -> vector<2048x8xi32>
    %add3A_74 = arith.addi %add3A_69, %concatenate3A_73 : vector<2048x8xi32>
    %broadcast_in_dim3A_75 = arith.constant 0 : i32
    %broadcast_in_dim3A_76 = vector.broadcast %broadcast_in_dim3A_75 : i32 to vector<128x8xi32>
    %slice3A_77 = vector.extract_strided_slice %add3A_74 {offsets = [0, 0], sizes = [1920, 8], strides = [1, 1]} : vector<2048x8xi32> to vector<1920x8xi32>
    %concatenate3A_78 = tpu.concatenate %broadcast_in_dim3A_76, %slice3A_77 in 0 : vector<128x8xi32>, vector<1920x8xi32> -> vector<2048x8xi32>
    %add3A_79 = arith.addi %add3A_74, %concatenate3A_78 : vector<2048x8xi32>
    %broadcast_in_dim3A_80 = arith.constant 0 : i32
    %broadcast_in_dim3A_81 = vector.broadcast %broadcast_in_dim3A_80 : i32 to vector<256x8xi32>
    %slice3A_82 = vector.extract_strided_slice %add3A_79 {offsets = [0, 0], sizes = [1792, 8], strides = [1, 1]} : vector<2048x8xi32> to vector<1792x8xi32>
    %concatenate3A_83 = tpu.concatenate %broadcast_in_dim3A_81, %slice3A_82 in 0 : vector<256x8xi32>, vector<1792x8xi32> -> vector<2048x8xi32>
    %add3A_84 = arith.addi %add3A_79, %concatenate3A_83 : vector<2048x8xi32>
    %broadcast_in_dim3A_85 = arith.constant 0 : i32
    %broadcast_in_dim3A_86 = vector.broadcast %broadcast_in_dim3A_85 : i32 to vector<512x8xi32>
    %slice3A_87 = vector.extract_strided_slice %add3A_84 {offsets = [0, 0], sizes = [1536, 8], strides = [1, 1]} : vector<2048x8xi32> to vector<1536x8xi32>
    %concatenate3A_88 = tpu.concatenate %broadcast_in_dim3A_86, %slice3A_87 in 0 : vector<512x8xi32>, vector<1536x8xi32> -> vector<2048x8xi32>
    %add3A_89 = arith.addi %add3A_84, %concatenate3A_88 : vector<2048x8xi32>
    %broadcast_in_dim3A_90 = arith.constant 0 : i32
    %broadcast_in_dim3A_91 = vector.broadcast %broadcast_in_dim3A_90 : i32 to vector<1024x8xi32>
    %slice3A_92 = vector.extract_strided_slice %add3A_89 {offsets = [0, 0], sizes = [1024, 8], strides = [1, 1]} : vector<2048x8xi32> to vector<1024x8xi32>
    %concatenate3A_93 = tpu.concatenate %broadcast_in_dim3A_91, %slice3A_92 in 0 : vector<1024x8xi32>, vector<1024x8xi32> -> vector<2048x8xi32>
    %add3A_94 = arith.addi %add3A_89, %concatenate3A_93 : vector<2048x8xi32>
    %sub3A_95 = arith.subi %add3A_94, %convert_element_type3A : vector<2048x8xi32>
    %reduce_sum3A_96 = arith.constant dense<0> : vector<8xi32>
    %reduce_sum3A_97 = vector.multi_reduction <add>, %convert_element_type3A, %reduce_sum3A_96 [0] : vector<2048x8xi32> to vector<8xi32>
    %broadcast_in_dim3A_98 = vector.shape_cast %reduce_sum3A_97 : vector<8xi32> to vector<1x8xi32>
    %broadcast_in_dim3A_99 = arith.constant 0 : i32
    %broadcast_in_dim3A_100 = vector.broadcast %broadcast_in_dim3A_99 : i32 to vector<1x8xi32>
    %slice3A_101 = vector.extract_strided_slice %convert_element_type3A_41 {offsets = [0, 0], sizes = [2047, 8], strides = [1, 1]} : vector<2048x8xi32> to vector<2047x8xi32>
    %concatenate3A_102 = tpu.concatenate %broadcast_in_dim3A_100, %slice3A_101 in 0 : vector<1x8xi32>, vector<2047x8xi32> -> vector<2048x8xi32>
    %add3A_103 = arith.addi %convert_element_type3A_41, %concatenate3A_102 : vector<2048x8xi32>
    %broadcast_in_dim3A_104 = arith.constant 0 : i32
    %broadcast_in_dim3A_105 = vector.broadcast %broadcast_in_dim3A_104 : i32 to vector<2x8xi32>
    %slice3A_106 = vector.extract_strided_slice %add3A_103 {offsets = [0, 0], sizes = [2046, 8], strides = [1, 1]} : vector<2048x8xi32> to vector<2046x8xi32>
    %concatenate3A_107 = tpu.concatenate %broadcast_in_dim3A_105, %slice3A_106 in 0 : vector<2x8xi32>, vector<2046x8xi32> -> vector<2048x8xi32>
    %add3A_108 = arith.addi %add3A_103, %concatenate3A_107 : vector<2048x8xi32>
    %broadcast_in_dim3A_109 = arith.constant 0 : i32
    %broadcast_in_dim3A_110 = vector.broadcast %broadcast_in_dim3A_109 : i32 to vector<4x8xi32>
    %slice3A_111 = vector.extract_strided_slice %add3A_108 {offsets = [0, 0], sizes = [2044, 8], strides = [1, 1]} : vector<2048x8xi32> to vector<2044x8xi32>
    %concatenate3A_112 = tpu.concatenate %broadcast_in_dim3A_110, %slice3A_111 in 0 : vector<4x8xi32>, vector<2044x8xi32> -> vector<2048x8xi32>
    %add3A_113 = arith.addi %add3A_108, %concatenate3A_112 : vector<2048x8xi32>
    %broadcast_in_dim3A_114 = arith.constant 0 : i32
    %broadcast_in_dim3A_115 = vector.broadcast %broadcast_in_dim3A_114 : i32 to vector<8x8xi32>
    %slice3A_116 = vector.extract_strided_slice %add3A_113 {offsets = [0, 0], sizes = [2040, 8], strides = [1, 1]} : vector<2048x8xi32> to vector<2040x8xi32>
    %concatenate3A_117 = tpu.concatenate %broadcast_in_dim3A_115, %slice3A_116 in 0 : vector<8x8xi32>, vector<2040x8xi32> -> vector<2048x8xi32>
    %add3A_118 = arith.addi %add3A_113, %concatenate3A_117 : vector<2048x8xi32>
    %broadcast_in_dim3A_119 = arith.constant 0 : i32
    %broadcast_in_dim3A_120 = vector.broadcast %broadcast_in_dim3A_119 : i32 to vector<16x8xi32>
    %slice3A_121 = vector.extract_strided_slice %add3A_118 {offsets = [0, 0], sizes = [2032, 8], strides = [1, 1]} : vector<2048x8xi32> to vector<2032x8xi32>
    %concatenate3A_122 = tpu.concatenate %broadcast_in_dim3A_120, %slice3A_121 in 0 : vector<16x8xi32>, vector<2032x8xi32> -> vector<2048x8xi32>
    %add3A_123 = arith.addi %add3A_118, %concatenate3A_122 : vector<2048x8xi32>
    %broadcast_in_dim3A_124 = arith.constant 0 : i32
    %broadcast_in_dim3A_125 = vector.broadcast %broadcast_in_dim3A_124 : i32 to vector<32x8xi32>
    %slice3A_126 = vector.extract_strided_slice %add3A_123 {offsets = [0, 0], sizes = [2016, 8], strides = [1, 1]} : vector<2048x8xi32> to vector<2016x8xi32>
    %concatenate3A_127 = tpu.concatenate %broadcast_in_dim3A_125, %slice3A_126 in 0 : vector<32x8xi32>, vector<2016x8xi32> -> vector<2048x8xi32>
    %add3A_128 = arith.addi %add3A_123, %concatenate3A_127 : vector<2048x8xi32>
    %broadcast_in_dim3A_129 = arith.constant 0 : i32
    %broadcast_in_dim3A_130 = vector.broadcast %broadcast_in_dim3A_129 : i32 to vector<64x8xi32>
    %slice3A_131 = vector.extract_strided_slice %add3A_128 {offsets = [0, 0], sizes = [1984, 8], strides = [1, 1]} : vector<2048x8xi32> to vector<1984x8xi32>
    %concatenate3A_132 = tpu.concatenate %broadcast_in_dim3A_130, %slice3A_131 in 0 : vector<64x8xi32>, vector<1984x8xi32> -> vector<2048x8xi32>
    %add3A_133 = arith.addi %add3A_128, %concatenate3A_132 : vector<2048x8xi32>
    %broadcast_in_dim3A_134 = arith.constant 0 : i32
    %broadcast_in_dim3A_135 = vector.broadcast %broadcast_in_dim3A_134 : i32 to vector<128x8xi32>
    %slice3A_136 = vector.extract_strided_slice %add3A_133 {offsets = [0, 0], sizes = [1920, 8], strides = [1, 1]} : vector<2048x8xi32> to vector<1920x8xi32>
    %concatenate3A_137 = tpu.concatenate %broadcast_in_dim3A_135, %slice3A_136 in 0 : vector<128x8xi32>, vector<1920x8xi32> -> vector<2048x8xi32>
    %add3A_138 = arith.addi %add3A_133, %concatenate3A_137 : vector<2048x8xi32>
    %broadcast_in_dim3A_139 = arith.constant 0 : i32
    %broadcast_in_dim3A_140 = vector.broadcast %broadcast_in_dim3A_139 : i32 to vector<256x8xi32>
    %slice3A_141 = vector.extract_strided_slice %add3A_138 {offsets = [0, 0], sizes = [1792, 8], strides = [1, 1]} : vector<2048x8xi32> to vector<1792x8xi32>
    %concatenate3A_142 = tpu.concatenate %broadcast_in_dim3A_140, %slice3A_141 in 0 : vector<256x8xi32>, vector<1792x8xi32> -> vector<2048x8xi32>
    %add3A_143 = arith.addi %add3A_138, %concatenate3A_142 : vector<2048x8xi32>
    %broadcast_in_dim3A_144 = arith.constant 0 : i32
    %broadcast_in_dim3A_145 = vector.broadcast %broadcast_in_dim3A_144 : i32 to vector<512x8xi32>
    %slice3A_146 = vector.extract_strided_slice %add3A_143 {offsets = [0, 0], sizes = [1536, 8], strides = [1, 1]} : vector<2048x8xi32> to vector<1536x8xi32>
    %concatenate3A_147 = tpu.concatenate %broadcast_in_dim3A_145, %slice3A_146 in 0 : vector<512x8xi32>, vector<1536x8xi32> -> vector<2048x8xi32>
    %add3A_148 = arith.addi %add3A_143, %concatenate3A_147 : vector<2048x8xi32>
    %broadcast_in_dim3A_149 = arith.constant 0 : i32
    %broadcast_in_dim3A_150 = vector.broadcast %broadcast_in_dim3A_149 : i32 to vector<1024x8xi32>
    %slice3A_151 = vector.extract_strided_slice %add3A_148 {offsets = [0, 0], sizes = [1024, 8], strides = [1, 1]} : vector<2048x8xi32> to vector<1024x8xi32>
    %concatenate3A_152 = tpu.concatenate %broadcast_in_dim3A_150, %slice3A_151 in 0 : vector<1024x8xi32>, vector<1024x8xi32> -> vector<2048x8xi32>
    %add3A_153 = arith.addi %add3A_148, %concatenate3A_152 : vector<2048x8xi32>
    %sub3A_154 = arith.subi %add3A_153, %convert_element_type3A_41 : vector<2048x8xi32>
    %add3A_155 = vector.broadcast %broadcast_in_dim3A_98 : vector<1x8xi32> to vector<2048x8xi32>
    %add3A_156 = arith.addi %sub3A_154, %add3A_155 : vector<2048x8xi32>
    %reduce_sum3A_157 = arith.constant dense<0> : vector<8xi32>
    %reduce_sum3A_158 = vector.multi_reduction <add>, %convert_element_type3A_41, %reduce_sum3A_157 [0] : vector<2048x8xi32> to vector<8xi32>
    %broadcast_in_dim3A_159 = vector.shape_cast %reduce_sum3A_158 : vector<8xi32> to vector<1x8xi32>
    %add3A_160 = arith.addi %broadcast_in_dim3A_98, %broadcast_in_dim3A_159 : vector<1x8xi32>
    %add3A_161 = arith.constant 127 : i32
    %add3A_162 = vector.broadcast %add3A_161 : i32 to vector<1x8xi32>
    %add3A_163 = arith.addi %add3A_160, %add3A_162 : vector<1x8xi32>
    %jit3A_164 = arith.constant 128 : i32
    %div3A_165 = vector.broadcast %jit3A_164 : i32 to vector<1x8xi32>
    %div3A_166 = arith.divsi %add3A_163, %div3A_165 : vector<1x8xi32>
    %sign3A = arith.constant 0 : i32
    %sign3A_167 = vector.broadcast %sign3A : i32 to vector<1x8xi32>
    %sign3A_168 = arith.cmpi sgt, %add3A_163, %sign3A_167 : vector<1x8xi32>
    %sign3A_169 = arith.extui %sign3A_168 : vector<1x8xi1> to vector<1x8xi32>
    %sign3A_170 = arith.constant 0 : i32
    %sign3A_171 = vector.broadcast %sign3A_170 : i32 to vector<1x8xi32>
    %sign3A_172 = arith.cmpi slt, %add3A_163, %sign3A_171 : vector<1x8xi32>
    %sign3A_173 = arith.extui %sign3A_172 : vector<1x8xi1> to vector<1x8xi32>
    %sign3A_174 = arith.subi %sign3A_169, %sign3A_173 : vector<1x8xi32>
    %sign3A_175 = arith.constant 0 : i32
    %sign3A_176 = arith.cmpi sgt, %jit3A_164, %sign3A_175 : i32
    %sign3A_177 = arith.extui %sign3A_176 : i1 to i32
    %sign3A_178 = arith.constant 0 : i32
    %sign3A_179 = arith.cmpi slt, %jit3A_164, %sign3A_178 : i32
    %sign3A_180 = arith.extui %sign3A_179 : i1 to i32
    %sign3A_181 = arith.subi %sign3A_177, %sign3A_180 : i32
    %ne3A = vector.broadcast %sign3A_181 : i32 to vector<1x8xi32>
    %ne3A_182 = arith.cmpi ne, %sign3A_174, %ne3A : vector<1x8xi32>
    %rem3A = vector.broadcast %jit3A_164 : i32 to vector<1x8xi32>
    %rem3A_183 = arith.remsi %add3A_163, %rem3A : vector<1x8xi32>
    %ne3A_184 = arith.constant 0 : i32
    %ne3A_185 = vector.broadcast %ne3A_184 : i32 to vector<1x8xi32>
    %ne3A_186 = arith.cmpi ne, %rem3A_183, %ne3A_185 : vector<1x8xi32>
    %and3A = arith.andi %ne3A_182, %ne3A_186 : vector<1x8xi1>
    %sub3A_187 = arith.constant 1 : i32
    %sub3A_188 = vector.broadcast %sub3A_187 : i32 to vector<1x8xi32>
    %sub3A_189 = arith.subi %div3A_166, %sub3A_188 : vector<1x8xi32>
    %select_n3A_190 = arith.select %and3A, %sub3A_189, %div3A_166 : vector<1x8xi1>, vector<1x8xi32>
    %mul3A = arith.constant 128 : i32
    %mul3A_191 = vector.broadcast %mul3A : i32 to vector<1x8xi32>
    %mul3A_192 = arith.muli %select_n3A_190, %mul3A_191 : vector<1x8xi32>
    %broadcast_in_dim3A_193 = arith.constant 0 : i32
    %broadcast_in_dim3A_194 = vector.broadcast %broadcast_in_dim3A_193 : i32 to vector<1x1xi32>
    %slice3A_195 = vector.extract_strided_slice %mul3A_192 {offsets = [0, 0], sizes = [1, 7], strides = [1, 1]} : vector<1x8xi32> to vector<1x7xi32>
    %concatenate3A_196 = tpu.concatenate %broadcast_in_dim3A_194, %slice3A_195 in 1 : vector<1x1xi32>, vector<1x7xi32> -> vector<1x8xi32>
    %add3A_197 = arith.addi %mul3A_192, %concatenate3A_196 : vector<1x8xi32>
    %broadcast_in_dim3A_198 = arith.constant 0 : i32
    %broadcast_in_dim3A_199 = vector.broadcast %broadcast_in_dim3A_198 : i32 to vector<1x2xi32>
    %slice3A_200 = vector.extract_strided_slice %add3A_197 {offsets = [0, 0], sizes = [1, 6], strides = [1, 1]} : vector<1x8xi32> to vector<1x6xi32>
    %concatenate3A_201 = tpu.concatenate %broadcast_in_dim3A_199, %slice3A_200 in 1 : vector<1x2xi32>, vector<1x6xi32> -> vector<1x8xi32>
    %add3A_202 = arith.addi %add3A_197, %concatenate3A_201 : vector<1x8xi32>
    %broadcast_in_dim3A_203 = arith.constant 0 : i32
    %broadcast_in_dim3A_204 = vector.broadcast %broadcast_in_dim3A_203 : i32 to vector<1x4xi32>
    %slice3A_205 = vector.extract_strided_slice %add3A_202 {offsets = [0, 0], sizes = [1, 4], strides = [1, 1]} : vector<1x8xi32> to vector<1x4xi32>
    %concatenate3A_206 = tpu.concatenate %broadcast_in_dim3A_204, %slice3A_205 in 1 : vector<1x4xi32>, vector<1x4xi32> -> vector<1x8xi32>
    %add3A_207 = arith.addi %add3A_202, %concatenate3A_206 : vector<1x8xi32>
    %sub3A_208 = arith.subi %add3A_207, %mul3A_192 : vector<1x8xi32>
    %broadcast_in_dim3A_209 = vector.shape_cast %sub3A_208 : vector<1x8xi32> to vector<1x8xi32>
    %broadcast_in_dim3A_210 = vector.broadcast %broadcast_in_dim3A_209 : vector<1x8xi32> to vector<2048x8xi32>
    %add3A_211 = arith.addi %broadcast_in_dim3A_210, %sub3A_95 : vector<2048x8xi32>
    %mul3A_212 = arith.muli %convert_element_type3A, %add3A_211 : vector<2048x8xi32>
    %reduce_sum3A_213 = arith.constant dense<0> : vector<2048xi32>
    %reduce_sum3A_214 = vector.multi_reduction <add>, %mul3A_212, %reduce_sum3A_213 [1] : vector<2048x8xi32> to vector<2048xi32>
    %broadcast_in_dim3A_215 = vector.shape_cast %reduce_sum3A_214 : vector<2048xi32> to vector<2048x1xi32>
    %add3A_216 = arith.addi %broadcast_in_dim3A_210, %add3A_156 : vector<2048x8xi32>
    %mul3A_217 = arith.muli %convert_element_type3A_41, %add3A_216 : vector<2048x8xi32>
    %reduce_sum3A_218 = arith.constant dense<0> : vector<2048xi32>
    %reduce_sum3A_219 = vector.multi_reduction <add>, %mul3A_217, %reduce_sum3A_218 [1] : vector<2048x8xi32> to vector<2048xi32>
    %broadcast_in_dim3A_220 = vector.shape_cast %reduce_sum3A_219 : vector<2048xi32> to vector<2048x1xi32>
    %swap3A_221 = arith.constant 0 : index
    %swap3A_222 = arith.constant 0 : index
    %swap3A_223 = vector.load %arg4[%swap3A_221, %swap3A_222] : memref<8192x1xi32, #tpu.memory_space<vmem>>, vector<2048x1xi32>
    tpu.vector_store %arg4[%swap3A_221, %swap3A_222], %broadcast_in_dim3A_215 {strides = array<i32>} : memref<8192x1xi32, #tpu.memory_space<vmem>>, vector<2048x1xi32>,
    %swap3A_224 = arith.constant 2048 : index
    %swap3A_225 = arith.constant 0 : index
    %swap3A_226 = vector.load %arg4[%swap3A_224, %swap3A_225] : memref<8192x1xi32, #tpu.memory_space<vmem>>, vector<2048x1xi32>
    tpu.vector_store %arg4[%swap3A_224, %swap3A_225], %broadcast_in_dim3A_220 {strides = array<i32>} : memref<8192x1xi32, #tpu.memory_space<vmem>>, vector<2048x1xi32>,
    %add3A_227 = arith.constant 5120 : i32
    %add3A_228 = vector.broadcast %add3A_227 : i32 to vector<2048x1xi32>
    %add3A_229 = arith.addi %broadcast_in_dim3A_215, %add3A_228 : vector<2048x1xi32>
    %swap3A_230 = arith.constant 4096 : index
    %swap3A_231 = arith.constant 0 : index
    %swap3A_232 = vector.load %arg4[%swap3A_230, %swap3A_231] : memref<8192x1xi32, #tpu.memory_space<vmem>>, vector<2048x1xi32>
    tpu.vector_store %arg4[%swap3A_230, %swap3A_231], %add3A_229 {strides = array<i32>} : memref<8192x1xi32, #tpu.memory_space<vmem>>, vector<2048x1xi32>,
    %add3A_233 = arith.constant 5120 : i32
    %add3A_234 = vector.broadcast %add3A_233 : i32 to vector<2048x1xi32>
    %add3A_235 = arith.addi %broadcast_in_dim3A_220, %add3A_234 : vector<2048x1xi32>
    %swap3A_236 = arith.constant 6144 : index
    %swap3A_237 = arith.constant 0 : index
    %swap3A_238 = vector.load %arg4[%swap3A_236, %swap3A_237] : memref<8192x1xi32, #tpu.memory_space<vmem>>, vector<2048x1xi32>
    tpu.vector_store %arg4[%swap3A_236, %swap3A_237], %add3A_235 {strides = array<i32>} : memref<8192x1xi32, #tpu.memory_space<vmem>>, vector<2048x1xi32>,
    %concatenate3A_239 = tpu.concatenate %broadcast_in_dim3A_19, %broadcast_in_dim3A_30 in 1 : vector<2048x1xf32>, vector<2048x1xf32> -> vector<2048x2xf32>
    %swap3A_240 = arith.constant 0 : index
    %swap3A_241 = arith.constant 0 : index
    %swap3A_242 = vector.load %arg5[%swap3A_240, %swap3A_241] : memref<2048x2xf32, #tpu.memory_space<vmem>>, vector<2048x2xf32>
    tpu.vector_store %arg5[%swap3A_240, %swap3A_241], %concatenate3A_239 {strides = array<i32>} : memref<2048x2xf32, #tpu.memory_space<vmem>>, vector<2048x2xf32>,
    %iota3A_243 = tpu.iota {dimensions = array<i32: 0>} : vector<40x8xi32>
    %mul3A_244 = arith.constant 128 : i32
    %mul3A_245 = vector.broadcast %mul3A_244 : i32 to vector<40x8xi32>
    %mul3A_246 = arith.muli %iota3A_243, %mul3A_245 : vector<40x8xi32>
    %broadcast_in_dim3A_247 = vector.shape_cast %sub3A_208 : vector<1x8xi32> to vector<1x8xi32>
    %broadcast_in_dim3A_248 = vector.broadcast %broadcast_in_dim3A_247 : vector<1x8xi32> to vector<40x8xi32>
    %ge3A_249 = arith.cmpi sge, %mul3A_246, %broadcast_in_dim3A_248 : vector<40x8xi32>
    %convert_element_type3A_250 = arith.extui %ge3A_249 : vector<40x8xi1> to vector<40x8xi32>
    %reduce_sum3A_251 = arith.constant dense<0> : vector<40xi32>
    %reduce_sum3A_252 = vector.multi_reduction <add>, %convert_element_type3A_250, %reduce_sum3A_251 [1] : vector<40x8xi32> to vector<40xi32>
    %broadcast_in_dim3A_253 = vector.shape_cast %reduce_sum3A_252 : vector<40xi32> to vector<40x1xi32>
    %sub3A_254 = arith.constant 1 : i32
    %sub3A_255 = vector.broadcast %sub3A_254 : i32 to vector<40x1xi32>
    %sub3A_256 = arith.subi %broadcast_in_dim3A_253, %sub3A_255 : vector<40x1xi32>
    %broadcast_in_dim3A_257 = arith.constant 1 : i32
    %broadcast_in_dim3A_258 = vector.broadcast %broadcast_in_dim3A_257 : i32 to vector<1x1xi32>
    %broadcast_in_dim3A_259 = arith.constant 0 : i32
    %broadcast_in_dim3A_260 = vector.broadcast %broadcast_in_dim3A_259 : i32 to vector<1x1xi32>
    %slice3A_261 = vector.extract_strided_slice %sub3A_256 {offsets = [1, 0], sizes = [39, 1], strides = [1, 1]} : vector<40x1xi32> to vector<39x1xi32>
    %slice3A_262 = vector.extract_strided_slice %sub3A_256 {offsets = [0, 0], sizes = [39, 1], strides = [1, 1]} : vector<40x1xi32> to vector<39x1xi32>
    %ne3A_263 = arith.cmpi ne, %slice3A_261, %slice3A_262 : vector<39x1xi32>
    %convert_element_type3A_264 = arith.extui %ne3A_263 : vector<39x1xi1> to vector<39x1xi32>
    %concatenate3A_265 = tpu.concatenate %broadcast_in_dim3A_258, %convert_element_type3A_264 in 0 : vector<1x1xi32>, vector<39x1xi32> -> vector<40x1xi32>
    %broadcast_in_dim3A_266 = arith.constant 0 : i32
    %broadcast_in_dim3A_267 = vector.broadcast %broadcast_in_dim3A_266 : i32 to vector<1x1xi32>
    %slice3A_268 = vector.extract_strided_slice %concatenate3A_265 {offsets = [0, 0], sizes = [39, 1], strides = [1, 1]} : vector<40x1xi32> to vector<39x1xi32>
    %concatenate3A_269 = tpu.concatenate %broadcast_in_dim3A_267, %slice3A_268 in 0 : vector<1x1xi32>, vector<39x1xi32> -> vector<40x1xi32>
    %add3A_270 = arith.addi %concatenate3A_265, %concatenate3A_269 : vector<40x1xi32>
    %broadcast_in_dim3A_271 = arith.constant 0 : i32
    %broadcast_in_dim3A_272 = vector.broadcast %broadcast_in_dim3A_271 : i32 to vector<2x1xi32>
    %slice3A_273 = vector.extract_strided_slice %add3A_270 {offsets = [0, 0], sizes = [38, 1], strides = [1, 1]} : vector<40x1xi32> to vector<38x1xi32>
    %concatenate3A_274 = tpu.concatenate %broadcast_in_dim3A_272, %slice3A_273 in 0 : vector<2x1xi32>, vector<38x1xi32> -> vector<40x1xi32>
    %add3A_275 = arith.addi %add3A_270, %concatenate3A_274 : vector<40x1xi32>
    %broadcast_in_dim3A_276 = arith.constant 0 : i32
    %broadcast_in_dim3A_277 = vector.broadcast %broadcast_in_dim3A_276 : i32 to vector<4x1xi32>
    %slice3A_278 = vector.extract_strided_slice %add3A_275 {offsets = [0, 0], sizes = [36, 1], strides = [1, 1]} : vector<40x1xi32> to vector<36x1xi32>
    %concatenate3A_279 = tpu.concatenate %broadcast_in_dim3A_277, %slice3A_278 in 0 : vector<4x1xi32>, vector<36x1xi32> -> vector<40x1xi32>
    %add3A_280 = arith.addi %add3A_275, %concatenate3A_279 : vector<40x1xi32>
    %broadcast_in_dim3A_281 = arith.constant 0 : i32
    %broadcast_in_dim3A_282 = vector.broadcast %broadcast_in_dim3A_281 : i32 to vector<8x1xi32>
    %slice3A_283 = vector.extract_strided_slice %add3A_280 {offsets = [0, 0], sizes = [32, 1], strides = [1, 1]} : vector<40x1xi32> to vector<32x1xi32>
    %concatenate3A_284 = tpu.concatenate %broadcast_in_dim3A_282, %slice3A_283 in 0 : vector<8x1xi32>, vector<32x1xi32> -> vector<40x1xi32>
    %add3A_285 = arith.addi %add3A_280, %concatenate3A_284 : vector<40x1xi32>
    %broadcast_in_dim3A_286 = arith.constant 0 : i32
    %broadcast_in_dim3A_287 = vector.broadcast %broadcast_in_dim3A_286 : i32 to vector<16x1xi32>
    %slice3A_288 = vector.extract_strided_slice %add3A_285 {offsets = [0, 0], sizes = [24, 1], strides = [1, 1]} : vector<40x1xi32> to vector<24x1xi32>
    %concatenate3A_289 = tpu.concatenate %broadcast_in_dim3A_287, %slice3A_288 in 0 : vector<16x1xi32>, vector<24x1xi32> -> vector<40x1xi32>
    %add3A_290 = arith.addi %add3A_285, %concatenate3A_289 : vector<40x1xi32>
    %broadcast_in_dim3A_291 = arith.constant 0 : i32
    %broadcast_in_dim3A_292 = vector.broadcast %broadcast_in_dim3A_291 : i32 to vector<32x1xi32>
    %slice3A_293 = vector.extract_strided_slice %add3A_290 {offsets = [0, 0], sizes = [8, 1], strides = [1, 1]} : vector<40x1xi32> to vector<8x1xi32>
    %concatenate3A_294 = tpu.concatenate %broadcast_in_dim3A_292, %slice3A_293 in 0 : vector<32x1xi32>, vector<8x1xi32> -> vector<40x1xi32>
    %add3A_295 = arith.addi %add3A_290, %concatenate3A_294 : vector<40x1xi32>
    %sub3A_296 = arith.constant 1 : i32
    %sub3A_297 = vector.broadcast %sub3A_296 : i32 to vector<40x1xi32>
    %sub3A_298 = arith.subi %add3A_295, %sub3A_297 : vector<40x1xi32>
    %rem3A_299 = arith.constant 2 : i32
    %rem3A_300 = vector.broadcast %rem3A_299 : i32 to vector<40x1xi32>
    %rem3A_301 = arith.remsi %sub3A_298, %rem3A_300 : vector<40x1xi32>
    %slice3A_302 = vector.extract_strided_slice %concatenate3A_265 {offsets = [1, 0], sizes = [39, 1], strides = [1, 1]} : vector<40x1xi32> to vector<39x1xi32>
    %concatenate3A_303 = tpu.concatenate %slice3A_302, %broadcast_in_dim3A_260 in 0 : vector<39x1xi32>, vector<1x1xi32> -> vector<40x1xi32>
    %slice3A_304 = vector.extract_strided_slice %sub3A_256 {offsets = [1, 0], sizes = [39, 1], strides = [1, 1]} : vector<40x1xi32> to vector<39x1xi32>
    %concatenate3A_305 = tpu.concatenate %slice3A_304, %broadcast_in_dim3A_260 in 0 : vector<39x1xi32>, vector<1x1xi32> -> vector<40x1xi32>
    %slice3A_306 = vector.extract_strided_slice %rem3A_301 {offsets = [1, 0], sizes = [39, 1], strides = [1, 1]} : vector<40x1xi32> to vector<39x1xi32>
    %concatenate3A_307 = tpu.concatenate %slice3A_306, %broadcast_in_dim3A_260 in 0 : vector<39x1xi32>, vector<1x1xi32> -> vector<40x1xi32>
    %concatenate3A_308 = tpu.concatenate %sub3A_256, %concatenate3A_265, %rem3A_301, %concatenate3A_303, %concatenate3A_305, %concatenate3A_307 in 1 : vector<40x1xi32>, vector<40x1xi32>, vector<40x1xi32>, vector<40x1xi32>, vector<40x1xi32>, vector<40x1xi32> -> vector<40x6xi32>
    %swap3A_309 = arith.constant 0 : index
    %swap3A_310 = arith.constant 0 : index
    %swap3A_311 = vector.load %arg6[%swap3A_309, %swap3A_310] : memref<40x6xi32, #tpu.memory_space<vmem>>, vector<40x6xi32>
    tpu.vector_store %arg6[%swap3A_309, %swap3A_310], %concatenate3A_308 {strides = array<i32>} : memref<40x6xi32, #tpu.memory_space<vmem>>, vector<40x6xi32>,
    return
  }
}

module attributes {stable_mosaic.version = 14 : i64} {
  func.func @_ffn_body(%arg0: i32, %arg1: memref<40x6xi32, #tpu.memory_space<smem>>, %arg2: memref<128x384xf32, #tpu.memory_space<vmem>>, %arg3: memref<128x384xf32, #tpu.memory_space<vmem>>, %arg4: memref<8x1x1024xf32, #tpu.memory_space<vmem>>, %arg5: memref<8x1x768xf32, #tpu.memory_space<vmem>>, %arg6: memref<8x768x1024xf32, #tpu.memory_space<any>>, %arg7: memref<8x1024x768xf32, #tpu.memory_space<any>>, %arg8: memref<2x128x384xf32, #tpu.memory_space<vmem>>, %arg9: memref<2x768x1024xf32, #tpu.memory_space<vmem>>, %arg10: memref<2x1024x768xf32, #tpu.memory_space<vmem>>, %arg11: memref<768x1024xbf16, #tpu.memory_space<vmem>>, %arg12: memref<1024x768xbf16, #tpu.memory_space<vmem>>, %arg13: memref<2x!tpu.dma_semaphore, #tpu.memory_space<semaphore_mem>>, %arg14: memref<2x!tpu.dma_semaphore, #tpu.memory_space<semaphore_mem>>) attributes {dimension_semantics = [#tpu.dimension_semantics<arbitrary>], iteration_bounds = array<i64: 40>, scalar_prefetch = 1 : i64, scratch_operands = 6 : i64, tpu.core_type = #tpu.core_type<tc>, window_params = [{transform_indices = @transform_0, window_bounds = array<i64: 128, 384>}, {transform_indices = @transform_1, window_bounds = array<i64: 128, 384>}, {pipeline_mode = #tpu.pipeline_mode<synchronous>, transform_indices = @transform_2, window_bounds = array<i64: 8, 1, 1024>}, {pipeline_mode = #tpu.pipeline_mode<synchronous>, transform_indices = @transform_3, window_bounds = array<i64: 8, 1, 768>}, {}, {}, {transform_indices = @transform_6, window_bounds = array<i64: 2, 128, 384>}]} {
    %get3A = arith.index_cast %arg0 : i32 to index
    %get3A_0 = arith.constant 0 : index
    %get3A_1 = memref.load %arg1[%get3A, %get3A_0] : memref<40x6xi32, #tpu.memory_space<smem>>
    %get3A_2 = arith.index_cast %arg0 : i32 to index
    %get3A_3 = arith.constant 1 : index
    %get3A_4 = memref.load %arg1[%get3A_2, %get3A_3] : memref<40x6xi32, #tpu.memory_space<smem>>
    %get3A_5 = arith.index_cast %arg0 : i32 to index
    %get3A_6 = arith.constant 2 : index
    %get3A_7 = memref.load %arg1[%get3A_5, %get3A_6] : memref<40x6xi32, #tpu.memory_space<smem>>
    %get3A_8 = arith.index_cast %arg0 : i32 to index
    %get3A_9 = arith.constant 3 : index
    %get3A_10 = memref.load %arg1[%get3A_8, %get3A_9] : memref<40x6xi32, #tpu.memory_space<smem>>
    %get3A_11 = arith.index_cast %arg0 : i32 to index
    %get3A_12 = arith.constant 4 : index
    %get3A_13 = memref.load %arg1[%get3A_11, %get3A_12] : memref<40x6xi32, #tpu.memory_space<smem>>
    %get3A_14 = arith.index_cast %arg0 : i32 to index
    %get3A_15 = arith.constant 5 : index
    %get3A_16 = memref.load %arg1[%get3A_14, %get3A_15] : memref<40x6xi32, #tpu.memory_space<smem>>
    %eq3A = arith.constant 0 : i32
    %eq3A_17 = arith.cmpi eq, %arg0, %eq3A : i32
    %convert_element_type3A = arith.extui %eq3A_17 : i1 to i32
    %cond3A = arith.constant 0 : i32
    %cond3A_18 = arith.cmpi ne, %convert_element_type3A, %cond3A : i32
    scf.if %cond3A_18 {
      %dma_start3A = tpu.memref_slice %arg13[%get3A_7] : memref<2x!tpu.dma_semaphore, #tpu.memory_space<semaphore_mem>> -> memref<1x!tpu.dma_semaphore, #tpu.memory_space<semaphore_mem>>
      %dma_start3A_77 = tpu.memref_squeeze %dma_start3A : memref<1x!tpu.dma_semaphore, #tpu.memory_space<semaphore_mem>> -> memref<!tpu.dma_semaphore, #tpu.memory_space<semaphore_mem>>
      %dma_start3A_78 = arith.constant 0 : i32
      %dma_start3A_79 = arith.constant 0 : i32
      %dma_start3A_80 = tpu.memref_slice %arg9[%get3A_7, %dma_start3A_78, %dma_start3A_79] : memref<2x768x1024xf32, #tpu.memory_space<vmem>> -> memref<1x768x1024xf32, #tpu.memory_space<vmem>>
      %dma_start3A_81 = tpu.memref_squeeze %dma_start3A_80 : memref<1x768x1024xf32, #tpu.memory_space<vmem>> -> memref<768x1024xf32, #tpu.memory_space<vmem>>
      %dma_start3A_82 = arith.constant 0 : i32
      %dma_start3A_83 = arith.constant 0 : i32
      %dma_start3A_84 = tpu.memref_slice %arg6[%get3A_1, %dma_start3A_82, %dma_start3A_83] : memref<8x768x1024xf32, #tpu.memory_space<any>> -> memref<1x768x1024xf32, #tpu.memory_space<any>>
      %dma_start3A_85 = tpu.memref_squeeze %dma_start3A_84 : memref<1x768x1024xf32, #tpu.memory_space<any>> -> memref<768x1024xf32, #tpu.memory_space<any>>
      tpu.enqueue_dma source(%dma_start3A_85 : memref<768x1024xf32, #tpu.memory_space<any>>) target(%dma_start3A_81 : memref<768x1024xf32, #tpu.memory_space<vmem>>) target_semaphore(%dma_start3A_77 : memref<!tpu.dma_semaphore, #tpu.memory_space<semaphore_mem>>)
      %dma_start3A_86 = tpu.memref_slice %arg14[%get3A_7] : memref<2x!tpu.dma_semaphore, #tpu.memory_space<semaphore_mem>> -> memref<1x!tpu.dma_semaphore, #tpu.memory_space<semaphore_mem>>
      %dma_start3A_87 = tpu.memref_squeeze %dma_start3A_86 : memref<1x!tpu.dma_semaphore, #tpu.memory_space<semaphore_mem>> -> memref<!tpu.dma_semaphore, #tpu.memory_space<semaphore_mem>>
      %dma_start3A_88 = arith.constant 0 : i32
      %dma_start3A_89 = arith.constant 0 : i32
      %dma_start3A_90 = tpu.memref_slice %arg10[%get3A_7, %dma_start3A_88, %dma_start3A_89] : memref<2x1024x768xf32, #tpu.memory_space<vmem>> -> memref<1x1024x768xf32, #tpu.memory_space<vmem>>
      %dma_start3A_91 = tpu.memref_squeeze %dma_start3A_90 : memref<1x1024x768xf32, #tpu.memory_space<vmem>> -> memref<1024x768xf32, #tpu.memory_space<vmem>>
      %dma_start3A_92 = arith.constant 0 : i32
      %dma_start3A_93 = arith.constant 0 : i32
      %dma_start3A_94 = tpu.memref_slice %arg7[%get3A_1, %dma_start3A_92, %dma_start3A_93] : memref<8x1024x768xf32, #tpu.memory_space<any>> -> memref<1x1024x768xf32, #tpu.memory_space<any>>
      %dma_start3A_95 = tpu.memref_squeeze %dma_start3A_94 : memref<1x1024x768xf32, #tpu.memory_space<any>> -> memref<1024x768xf32, #tpu.memory_space<any>>
      tpu.enqueue_dma source(%dma_start3A_95 : memref<1024x768xf32, #tpu.memory_space<any>>) target(%dma_start3A_91 : memref<1024x768xf32, #tpu.memory_space<vmem>>) target_semaphore(%dma_start3A_87 : memref<!tpu.dma_semaphore, #tpu.memory_space<semaphore_mem>>)
    } else {
    }
    %eq3A_19 = arith.constant 1 : i32
    %eq3A_20 = arith.cmpi eq, %get3A_4, %eq3A_19 : i32
    %convert_element_type3A_21 = arith.extui %eq3A_20 : i1 to i32
    %cond3A_22 = arith.constant 0 : i32
    %cond3A_23 = arith.cmpi ne, %convert_element_type3A_21, %cond3A_22 : i32
    scf.if %cond3A_23 {
      %dma_wait3A = tpu.memref_slice %arg13[%get3A_7] : memref<2x!tpu.dma_semaphore, #tpu.memory_space<semaphore_mem>> -> memref<1x!tpu.dma_semaphore, #tpu.memory_space<semaphore_mem>>
      %dma_wait3A_77 = tpu.memref_squeeze %dma_wait3A : memref<1x!tpu.dma_semaphore, #tpu.memory_space<semaphore_mem>> -> memref<!tpu.dma_semaphore, #tpu.memory_space<semaphore_mem>>
      %dma_wait3A_78 = arith.constant 0 : i32
      %dma_wait3A_79 = arith.constant 0 : i32
      %dma_wait3A_80 = tpu.memref_slice %arg9[%get3A_7, %dma_wait3A_78, %dma_wait3A_79] : memref<2x768x1024xf32, #tpu.memory_space<vmem>> -> memref<1x768x1024xf32, #tpu.memory_space<vmem>>
      %dma_wait3A_81 = tpu.memref_squeeze %dma_wait3A_80 : memref<1x768x1024xf32, #tpu.memory_space<vmem>> -> memref<768x1024xf32, #tpu.memory_space<vmem>>
      %dma_wait3A_82 = arith.constant 0 : i32
      %dma_wait3A_83 = arith.constant 0 : i32
      %dma_wait3A_84 = tpu.memref_slice %arg6[%get3A_1, %dma_wait3A_82, %dma_wait3A_83] : memref<8x768x1024xf32, #tpu.memory_space<any>> -> memref<1x768x1024xf32, #tpu.memory_space<any>>
      %dma_wait3A_85 = tpu.memref_squeeze %dma_wait3A_84 : memref<1x768x1024xf32, #tpu.memory_space<any>> -> memref<768x1024xf32, #tpu.memory_space<any>>
      tpu.wait_dma2 semaphore(%dma_wait3A_77 : memref<!tpu.dma_semaphore, #tpu.memory_space<semaphore_mem>>) src(%dma_wait3A_85 : memref<768x1024xf32, #tpu.memory_space<any>>) dst(%dma_wait3A_81 : memref<768x1024xf32, #tpu.memory_space<vmem>>)
      %dma_wait3A_86 = tpu.memref_slice %arg14[%get3A_7] : memref<2x!tpu.dma_semaphore, #tpu.memory_space<semaphore_mem>> -> memref<1x!tpu.dma_semaphore, #tpu.memory_space<semaphore_mem>>
      %dma_wait3A_87 = tpu.memref_squeeze %dma_wait3A_86 : memref<1x!tpu.dma_semaphore, #tpu.memory_space<semaphore_mem>> -> memref<!tpu.dma_semaphore, #tpu.memory_space<semaphore_mem>>
      %dma_wait3A_88 = arith.constant 0 : i32
      %dma_wait3A_89 = arith.constant 0 : i32
      %dma_wait3A_90 = tpu.memref_slice %arg10[%get3A_7, %dma_wait3A_88, %dma_wait3A_89] : memref<2x1024x768xf32, #tpu.memory_space<vmem>> -> memref<1x1024x768xf32, #tpu.memory_space<vmem>>
      %dma_wait3A_91 = tpu.memref_squeeze %dma_wait3A_90 : memref<1x1024x768xf32, #tpu.memory_space<vmem>> -> memref<1024x768xf32, #tpu.memory_space<vmem>>
      %dma_wait3A_92 = arith.constant 0 : i32
      %dma_wait3A_93 = arith.constant 0 : i32
      %dma_wait3A_94 = tpu.memref_slice %arg7[%get3A_1, %dma_wait3A_92, %dma_wait3A_93] : memref<8x1024x768xf32, #tpu.memory_space<any>> -> memref<1x1024x768xf32, #tpu.memory_space<any>>
      %dma_wait3A_95 = tpu.memref_squeeze %dma_wait3A_94 : memref<1x1024x768xf32, #tpu.memory_space<any>> -> memref<1024x768xf32, #tpu.memory_space<any>>
      tpu.wait_dma2 semaphore(%dma_wait3A_87 : memref<!tpu.dma_semaphore, #tpu.memory_space<semaphore_mem>>) src(%dma_wait3A_95 : memref<1024x768xf32, #tpu.memory_space<any>>) dst(%dma_wait3A_91 : memref<1024x768xf32, #tpu.memory_space<vmem>>)
      %eq3A_96 = arith.constant 0 : i32
      %eq3A_97 = arith.cmpi eq, %get3A_7, %eq3A_96 : i32
      %convert_element_type3A_98 = arith.extui %eq3A_97 : i1 to i32
      %cond3A_99 = arith.constant 0 : i32
      %cond3A_100 = arith.cmpi ne, %convert_element_type3A_98, %cond3A_99 : i32
      scf.if %cond3A_100 {
        %get3A_106 = arith.constant 0 : index
        %get3A_107 = arith.constant 0 : index
        %get3A_108 = arith.constant 0 : index
        %get3A_109 = vector.load %arg9[%get3A_106, %get3A_107, %get3A_108] : memref<2x768x1024xf32, #tpu.memory_space<vmem>>, vector<1x768x1024xf32>
        %get3A_110 = vector.shape_cast %get3A_109 : vector<1x768x1024xf32> to vector<768x1024xf32>
        %convert_element_type3A_111 = arith.truncf %get3A_110 : vector<768x1024xf32> to vector<768x1024xbf16>
        %swap3A_112 = arith.constant 0 : index
        %swap3A_113 = arith.constant 0 : index
        %swap3A_114 = vector.load %arg11[%swap3A_112, %swap3A_113] : memref<768x1024xbf16, #tpu.memory_space<vmem>>, vector<768x1024xbf16>
        tpu.vector_store %arg11[%swap3A_112, %swap3A_113], %convert_element_type3A_111 {strides = array<i32>} : memref<768x1024xbf16, #tpu.memory_space<vmem>>, vector<768x1024xbf16>,
        %get3A_115 = arith.constant 0 : index
        %get3A_116 = arith.constant 0 : index
        %get3A_117 = arith.constant 0 : index
        %get3A_118 = vector.load %arg10[%get3A_115, %get3A_116, %get3A_117] : memref<2x1024x768xf32, #tpu.memory_space<vmem>>, vector<1x1024x768xf32>
        %get3A_119 = vector.shape_cast %get3A_118 : vector<1x1024x768xf32> to vector<1024x768xf32>
        %convert_element_type3A_120 = arith.truncf %get3A_119 : vector<1024x768xf32> to vector<1024x768xbf16>
        %swap3A_121 = arith.constant 0 : index
        %swap3A_122 = arith.constant 0 : index
        %swap3A_123 = vector.load %arg12[%swap3A_121, %swap3A_122] : memref<1024x768xbf16, #tpu.memory_space<vmem>>, vector<1024x768xbf16>
        tpu.vector_store %arg12[%swap3A_121, %swap3A_122], %convert_element_type3A_120 {strides = array<i32>} : memref<1024x768xbf16, #tpu.memory_space<vmem>>, vector<1024x768xbf16>,
      } else {
      }
      %eq3A_101 = arith.constant 1 : i32
      %eq3A_102 = arith.cmpi eq, %get3A_7, %eq3A_101 : i32
      %convert_element_type3A_103 = arith.extui %eq3A_102 : i1 to i32
      %cond3A_104 = arith.constant 0 : i32
      %cond3A_105 = arith.cmpi ne, %convert_element_type3A_103, %cond3A_104 : i32
      scf.if %cond3A_105 {
        %get3A_106 = arith.constant 1 : index
        %get3A_107 = arith.constant 0 : index
        %get3A_108 = arith.constant 0 : index
        %get3A_109 = vector.load %arg9[%get3A_106, %get3A_107, %get3A_108] : memref<2x768x1024xf32, #tpu.memory_space<vmem>>, vector<1x768x1024xf32>
        %get3A_110 = vector.shape_cast %get3A_109 : vector<1x768x1024xf32> to vector<768x1024xf32>
        %convert_element_type3A_111 = arith.truncf %get3A_110 : vector<768x1024xf32> to vector<768x1024xbf16>
        %swap3A_112 = arith.constant 0 : index
        %swap3A_113 = arith.constant 0 : index
        %swap3A_114 = vector.load %arg11[%swap3A_112, %swap3A_113] : memref<768x1024xbf16, #tpu.memory_space<vmem>>, vector<768x1024xbf16>
        tpu.vector_store %arg11[%swap3A_112, %swap3A_113], %convert_element_type3A_111 {strides = array<i32>} : memref<768x1024xbf16, #tpu.memory_space<vmem>>, vector<768x1024xbf16>,
        %get3A_115 = arith.constant 1 : index
        %get3A_116 = arith.constant 0 : index
        %get3A_117 = arith.constant 0 : index
        %get3A_118 = vector.load %arg10[%get3A_115, %get3A_116, %get3A_117] : memref<2x1024x768xf32, #tpu.memory_space<vmem>>, vector<1x1024x768xf32>
        %get3A_119 = vector.shape_cast %get3A_118 : vector<1x1024x768xf32> to vector<1024x768xf32>
        %convert_element_type3A_120 = arith.truncf %get3A_119 : vector<1024x768xf32> to vector<1024x768xbf16>
        %swap3A_121 = arith.constant 0 : index
        %swap3A_122 = arith.constant 0 : index
        %swap3A_123 = vector.load %arg12[%swap3A_121, %swap3A_122] : memref<1024x768xbf16, #tpu.memory_space<vmem>>, vector<1024x768xbf16>
        tpu.vector_store %arg12[%swap3A_121, %swap3A_122], %convert_element_type3A_120 {strides = array<i32>} : memref<1024x768xbf16, #tpu.memory_space<vmem>>, vector<1024x768xbf16>,
      } else {
      }
    } else {
    }
    %eq3A_24 = arith.constant 1 : i32
    %eq3A_25 = arith.cmpi eq, %get3A_10, %eq3A_24 : i32
    %convert_element_type3A_26 = arith.extui %eq3A_25 : i1 to i32
    %cond3A_27 = arith.constant 0 : i32
    %cond3A_28 = arith.cmpi ne, %convert_element_type3A_26, %cond3A_27 : i32
    scf.if %cond3A_28 {
      %dma_start3A = tpu.memref_slice %arg13[%get3A_16] : memref<2x!tpu.dma_semaphore, #tpu.memory_space<semaphore_mem>> -> memref<1x!tpu.dma_semaphore, #tpu.memory_space<semaphore_mem>>
      %dma_start3A_77 = tpu.memref_squeeze %dma_start3A : memref<1x!tpu.dma_semaphore, #tpu.memory_space<semaphore_mem>> -> memref<!tpu.dma_semaphore, #tpu.memory_space<semaphore_mem>>
      %dma_start3A_78 = arith.constant 0 : i32
      %dma_start3A_79 = arith.constant 0 : i32
      %dma_start3A_80 = tpu.memref_slice %arg9[%get3A_16, %dma_start3A_78, %dma_start3A_79] : memref<2x768x1024xf32, #tpu.memory_space<vmem>> -> memref<1x768x1024xf32, #tpu.memory_space<vmem>>
      %dma_start3A_81 = tpu.memref_squeeze %dma_start3A_80 : memref<1x768x1024xf32, #tpu.memory_space<vmem>> -> memref<768x1024xf32, #tpu.memory_space<vmem>>
      %dma_start3A_82 = arith.constant 0 : i32
      %dma_start3A_83 = arith.constant 0 : i32
      %dma_start3A_84 = tpu.memref_slice %arg6[%get3A_13, %dma_start3A_82, %dma_start3A_83] : memref<8x768x1024xf32, #tpu.memory_space<any>> -> memref<1x768x1024xf32, #tpu.memory_space<any>>
      %dma_start3A_85 = tpu.memref_squeeze %dma_start3A_84 : memref<1x768x1024xf32, #tpu.memory_space<any>> -> memref<768x1024xf32, #tpu.memory_space<any>>
      tpu.enqueue_dma source(%dma_start3A_85 : memref<768x1024xf32, #tpu.memory_space<any>>) target(%dma_start3A_81 : memref<768x1024xf32, #tpu.memory_space<vmem>>) target_semaphore(%dma_start3A_77 : memref<!tpu.dma_semaphore, #tpu.memory_space<semaphore_mem>>)
      %dma_start3A_86 = tpu.memref_slice %arg14[%get3A_16] : memref<2x!tpu.dma_semaphore, #tpu.memory_space<semaphore_mem>> -> memref<1x!tpu.dma_semaphore, #tpu.memory_space<semaphore_mem>>
      %dma_start3A_87 = tpu.memref_squeeze %dma_start3A_86 : memref<1x!tpu.dma_semaphore, #tpu.memory_space<semaphore_mem>> -> memref<!tpu.dma_semaphore, #tpu.memory_space<semaphore_mem>>
      %dma_start3A_88 = arith.constant 0 : i32
      %dma_start3A_89 = arith.constant 0 : i32
      %dma_start3A_90 = tpu.memref_slice %arg10[%get3A_16, %dma_start3A_88, %dma_start3A_89] : memref<2x1024x768xf32, #tpu.memory_space<vmem>> -> memref<1x1024x768xf32, #tpu.memory_space<vmem>>
      %dma_start3A_91 = tpu.memref_squeeze %dma_start3A_90 : memref<1x1024x768xf32, #tpu.memory_space<vmem>> -> memref<1024x768xf32, #tpu.memory_space<vmem>>
      %dma_start3A_92 = arith.constant 0 : i32
      %dma_start3A_93 = arith.constant 0 : i32
      %dma_start3A_94 = tpu.memref_slice %arg7[%get3A_13, %dma_start3A_92, %dma_start3A_93] : memref<8x1024x768xf32, #tpu.memory_space<any>> -> memref<1x1024x768xf32, #tpu.memory_space<any>>
      %dma_start3A_95 = tpu.memref_squeeze %dma_start3A_94 : memref<1x1024x768xf32, #tpu.memory_space<any>> -> memref<1024x768xf32, #tpu.memory_space<any>>
      tpu.enqueue_dma source(%dma_start3A_95 : memref<1024x768xf32, #tpu.memory_space<any>>) target(%dma_start3A_91 : memref<1024x768xf32, #tpu.memory_space<vmem>>) target_semaphore(%dma_start3A_87 : memref<!tpu.dma_semaphore, #tpu.memory_space<semaphore_mem>>)
    } else {
    }
    %get3A_29 = arith.constant 0 : index
    %get3A_30 = arith.constant 0 : index
    %get3A_31 = vector.load %arg2[%get3A_29, %get3A_30] : memref<128x384xf32, #tpu.memory_space<vmem>>, vector<128x384xf32>
    %get3A_32 = arith.constant 0 : index
    %get3A_33 = arith.constant 0 : index
    %get3A_34 = vector.load %arg3[%get3A_32, %get3A_33] : memref<128x384xf32, #tpu.memory_space<vmem>>, vector<128x384xf32>
    %concatenate3A = tpu.concatenate %get3A_31, %get3A_34 in 1 : vector<128x384xf32>, vector<128x384xf32> -> vector<128x768xf32>
    %convert_element_type3A_35 = arith.truncf %concatenate3A : vector<128x768xf32> to vector<128x768xbf16>
    %get3A_36 = arith.constant 0 : index
    %get3A_37 = arith.constant 0 : index
    %get3A_38 = vector.load %arg11[%get3A_36, %get3A_37] : memref<768x1024xbf16, #tpu.memory_space<vmem>>, vector<768x1024xbf16>
    %dot_general3A = arith.constant dense<0.000000e+00> : vector<128x1024xf32>
    %dot_general3A_39 = tpu.matmul %convert_element_type3A_35, %get3A_38, %dot_general3A {dimension_numbers = #tpu.dot_dimension_numbers<[1], [0], [0], [1], [0, 0, 1, 1], [], []>, transpose_lhs_hint = false} : vector<128x768xbf16>, vector<768x1024xbf16>, vector<128x1024xf32> -> vector<128x1024xf32>
    %get3A_40 = arith.index_cast %get3A_1 : i32 to index
    %get3A_41 = arith.constant 0 : index
    %get3A_42 = arith.constant 0 : index
    %get3A_43 = vector.load %arg4[%get3A_40, %get3A_41, %get3A_42] : memref<8x1x1024xf32, #tpu.memory_space<vmem>>, vector<1x1x1024xf32>
    %get3A_44 = vector.shape_cast %get3A_43 : vector<1x1x1024xf32> to vector<1x1024xf32>
    %add3A = vector.broadcast %get3A_44 : vector<1x1024xf32> to vector<128x1024xf32>
    %add3A_45 = arith.addf %dot_general3A_39, %add3A : vector<128x1024xf32>
    %max3A = arith.constant 0.000000e+00 : f32
    %max3A_46 = vector.broadcast %max3A : f32 to vector<128x1024xf32>
    %max3A_47 = arith.maximumf %add3A_45, %max3A_46 : vector<128x1024xf32>
    %convert_element_type3A_48 = arith.truncf %max3A_47 : vector<128x1024xf32> to vector<128x1024xbf16>
    %get3A_49 = arith.constant 0 : index
    %get3A_50 = arith.constant 0 : index
    %get3A_51 = vector.load %arg12[%get3A_49, %get3A_50] : memref<1024x768xbf16, #tpu.memory_space<vmem>>, vector<1024x768xbf16>
    %dot_general3A_52 = arith.constant dense<0.000000e+00> : vector<128x768xf32>
    %dot_general3A_53 = tpu.matmul %convert_element_type3A_48, %get3A_51, %dot_general3A_52 {dimension_numbers = #tpu.dot_dimension_numbers<[1], [0], [0], [1], [0, 0, 1, 1], [], []>, transpose_lhs_hint = false} : vector<128x1024xbf16>, vector<1024x768xbf16>, vector<128x768xf32> -> vector<128x768xf32>
    %get3A_54 = arith.index_cast %get3A_1 : i32 to index
    %get3A_55 = arith.constant 0 : index
    %get3A_56 = arith.constant 0 : index
    %get3A_57 = vector.load %arg5[%get3A_54, %get3A_55, %get3A_56] : memref<8x1x768xf32, #tpu.memory_space<vmem>>, vector<1x1x768xf32>
    %get3A_58 = vector.shape_cast %get3A_57 : vector<1x1x768xf32> to vector<1x768xf32>
    %slice3A = vector.extract_strided_slice %dot_general3A_53 {offsets = [0, 0], sizes = [128, 384], strides = [1, 1]} : vector<128x768xf32> to vector<128x384xf32>
    %slice3A_59 = vector.extract_strided_slice %get3A_58 {offsets = [0, 0], sizes = [1, 384], strides = [1, 1]} : vector<1x768xf32> to vector<1x384xf32>
    %add3A_60 = vector.broadcast %slice3A_59 : vector<1x384xf32> to vector<128x384xf32>
    %add3A_61 = arith.addf %slice3A, %add3A_60 : vector<128x384xf32>
    %swap3A = arith.constant 0 : index
    %swap3A_62 = arith.constant 0 : index
    %swap3A_63 = arith.constant 0 : index
    %swap3A_64 = vector.load %arg8[%swap3A, %swap3A_62, %swap3A_63] : memref<2x128x384xf32, #tpu.memory_space<vmem>>, vector<1x128x384xf32>
    %swap3A_65 = vector.shape_cast %swap3A_64 : vector<1x128x384xf32> to vector<128x384xf32>
    %swap3A_66 = vector.shape_cast %add3A_61 : vector<128x384xf32> to vector<1x128x384xf32>
    tpu.vector_store %arg8[%swap3A, %swap3A_62, %swap3A_63], %swap3A_66 {strides = array<i32>} : memref<2x128x384xf32, #tpu.memory_space<vmem>>, vector<1x128x384xf32>,
    %slice3A_67 = vector.extract_strided_slice %dot_general3A_53 {offsets = [0, 384], sizes = [128, 384], strides = [1, 1]} : vector<128x768xf32> to vector<128x384xf32>
    %slice3A_68 = vector.extract_strided_slice %get3A_58 {offsets = [0, 384], sizes = [1, 384], strides = [1, 1]} : vector<1x768xf32> to vector<1x384xf32>
    %add3A_69 = vector.broadcast %slice3A_68 : vector<1x384xf32> to vector<128x384xf32>
    %add3A_70 = arith.addf %slice3A_67, %add3A_69 : vector<128x384xf32>
    %swap3A_71 = arith.constant 1 : index
    %swap3A_72 = arith.constant 0 : index
    %swap3A_73 = arith.constant 0 : index
    %swap3A_74 = vector.load %arg8[%swap3A_71, %swap3A_72, %swap3A_73] : memref<2x128x384xf32, #tpu.memory_space<vmem>>, vector<1x128x384xf32>
    %swap3A_75 = vector.shape_cast %swap3A_74 : vector<1x128x384xf32> to vector<128x384xf32>
    %swap3A_76 = vector.shape_cast %add3A_70 : vector<128x384xf32> to vector<1x128x384xf32>
    tpu.vector_store %arg8[%swap3A_71, %swap3A_72, %swap3A_73], %swap3A_76 {strides = array<i32>} : memref<2x128x384xf32, #tpu.memory_space<vmem>>, vector<1x128x384xf32>,
    return
  }
  func.func @transform_0(%arg0: i32, %arg1: memref<40x6xi32, #tpu.memory_space<smem>>) -> (i32, i32) {
    %c0_i32 = arith.constant 0 : i32
    %c0_i32_0 = arith.constant 0 : i32
    return %arg0, %c0_i32 : i32, i32
  }
  func.func @transform_1(%arg0: i32, %arg1: memref<40x6xi32, #tpu.memory_space<smem>>) -> (i32, i32) {
    %add3A = arith.constant 40 : i32
    %add3A_0 = arith.addi %add3A, %arg0 : i32
    %c0_i32 = arith.constant 0 : i32
    %c0_i32_1 = arith.constant 0 : i32
    return %add3A_0, %c0_i32 : i32, i32
  }
  func.func @transform_2(%arg0: i32, %arg1: memref<40x6xi32, #tpu.memory_space<smem>>) -> (i32, i32, i32) {
    %c0_i32 = arith.constant 0 : i32
    %c0_i32_0 = arith.constant 0 : i32
    %c0_i32_1 = arith.constant 0 : i32
    %c0_i32_2 = arith.constant 0 : i32
    return %c0_i32, %c0_i32_0, %c0_i32_1 : i32, i32, i32
  }
  func.func @transform_3(%arg0: i32, %arg1: memref<40x6xi32, #tpu.memory_space<smem>>) -> (i32, i32, i32) {
    %c0_i32 = arith.constant 0 : i32
    %c0_i32_0 = arith.constant 0 : i32
    %c0_i32_1 = arith.constant 0 : i32
    %c0_i32_2 = arith.constant 0 : i32
    return %c0_i32, %c0_i32_0, %c0_i32_1 : i32, i32, i32
  }
  func.func @transform_6(%arg0: i32, %arg1: memref<40x6xi32, #tpu.memory_space<smem>>) -> (i32, i32, i32) {
    %c0_i32 = arith.constant 0 : i32
    %c0_i32_0 = arith.constant 0 : i32
    %c0_i32_1 = arith.constant 0 : i32
    return %c0_i32, %arg0, %c0_i32_0 : i32, i32, i32
  }
}

module attributes {stable_mosaic.version = 14 : i64} {
  func.func @_padd_body(%arg0: i32, %arg1: memref<512x384xf32, #tpu.memory_space<vmem>>, %arg2: memref<512x384xf32, #tpu.memory_space<vmem>>, %arg3: memref<512x384xf32, #tpu.memory_space<vmem>>, %arg4: memref<512x384xf32, #tpu.memory_space<vmem>>, %arg5: memref<512x2xf32, #tpu.memory_space<vmem>>, %arg6: memref<512x768xf32, #tpu.memory_space<vmem>>) attributes {dimension_semantics = [#tpu.dimension_semantics<arbitrary>], iteration_bounds = array<i64: 4>, scalar_prefetch = 0 : i64, scratch_operands = 0 : i64, tpu.core_type = #tpu.core_type<tc>, window_params = [{transform_indices = @transform_0, window_bounds = array<i64: 512, 384>}, {transform_indices = @transform_1, window_bounds = array<i64: 512, 384>}, {transform_indices = @transform_2, window_bounds = array<i64: 512, 384>}, {transform_indices = @transform_3, window_bounds = array<i64: 512, 384>}, {transform_indices = @transform_4, window_bounds = array<i64: 512, 2>}, {transform_indices = @transform_5, window_bounds = array<i64: 512, 768>}]} {
    %get3A = arith.constant 0 : index
    %get3A_0 = arith.constant 0 : index
    %get3A_1 = vector.load %arg5[%get3A, %get3A_0] : memref<512x2xf32, #tpu.memory_space<vmem>>, vector<512x1xf32>
    %get3A_2 = arith.constant 0 : index
    %get3A_3 = arith.constant 1 : index
    %get3A_4 = vector.load %arg5[%get3A_2, %get3A_3] : memref<512x2xf32, #tpu.memory_space<vmem>>, vector<512x1xf32>
    %get3A_5 = arith.constant 0 : index
    %get3A_6 = arith.constant 0 : index
    %get3A_7 = vector.load %arg1[%get3A_5, %get3A_6] : memref<512x384xf32, #tpu.memory_space<vmem>>, vector<512x384xf32>
    %mul3A = vector.broadcast %get3A_1 : vector<512x1xf32> to vector<512x384xf32>
    %mul3A_8 = arith.mulf %get3A_7, %mul3A : vector<512x384xf32>
    %get3A_9 = arith.constant 0 : index
    %get3A_10 = arith.constant 0 : index
    %get3A_11 = vector.load %arg2[%get3A_9, %get3A_10] : memref<512x384xf32, #tpu.memory_space<vmem>>, vector<512x384xf32>
    %mul3A_12 = vector.broadcast %get3A_4 : vector<512x1xf32> to vector<512x384xf32>
    %mul3A_13 = arith.mulf %get3A_11, %mul3A_12 : vector<512x384xf32>
    %add3A = arith.addf %mul3A_8, %mul3A_13 : vector<512x384xf32>
    %swap3A = arith.constant 0 : index
    %swap3A_14 = arith.constant 0 : index
    %swap3A_15 = vector.load %arg6[%swap3A, %swap3A_14] : memref<512x768xf32, #tpu.memory_space<vmem>>, vector<512x384xf32>
    tpu.vector_store %arg6[%swap3A, %swap3A_14], %add3A {strides = array<i32>} : memref<512x768xf32, #tpu.memory_space<vmem>>, vector<512x384xf32>,
    %get3A_16 = arith.constant 0 : index
    %get3A_17 = arith.constant 0 : index
    %get3A_18 = vector.load %arg3[%get3A_16, %get3A_17] : memref<512x384xf32, #tpu.memory_space<vmem>>, vector<512x384xf32>
    %mul3A_19 = vector.broadcast %get3A_1 : vector<512x1xf32> to vector<512x384xf32>
    %mul3A_20 = arith.mulf %get3A_18, %mul3A_19 : vector<512x384xf32>
    %get3A_21 = arith.constant 0 : index
    %get3A_22 = arith.constant 0 : index
    %get3A_23 = vector.load %arg4[%get3A_21, %get3A_22] : memref<512x384xf32, #tpu.memory_space<vmem>>, vector<512x384xf32>
    %mul3A_24 = vector.broadcast %get3A_4 : vector<512x1xf32> to vector<512x384xf32>
    %mul3A_25 = arith.mulf %get3A_23, %mul3A_24 : vector<512x384xf32>
    %add3A_26 = arith.addf %mul3A_20, %mul3A_25 : vector<512x384xf32>
    %swap3A_27 = arith.constant 0 : index
    %swap3A_28 = arith.constant 384 : index
    %swap3A_29 = vector.load %arg6[%swap3A_27, %swap3A_28] : memref<512x768xf32, #tpu.memory_space<vmem>>, vector<512x384xf32>
    tpu.vector_store %arg6[%swap3A_27, %swap3A_28], %add3A_26 {strides = array<i32>} : memref<512x768xf32, #tpu.memory_space<vmem>>, vector<512x384xf32>,
    return
  }
  func.func @transform_0(%arg0: i32) -> (i32, i32) {
    %c0_i32 = arith.constant 0 : i32
    %c0_i32_0 = arith.constant 0 : i32
    return %arg0, %c0_i32 : i32, i32
  }
  func.func @transform_1(%arg0: i32) -> (i32, i32) {
    %add3A = arith.constant 4 : i32
    %add3A_0 = arith.addi %add3A, %arg0 : i32
    %c0_i32 = arith.constant 0 : i32
    %c0_i32_1 = arith.constant 0 : i32
    return %add3A_0, %c0_i32 : i32, i32
  }
  func.func @transform_2(%arg0: i32) -> (i32, i32) {
    %add3A = arith.constant 8 : i32
    %add3A_0 = arith.addi %add3A, %arg0 : i32
    %c0_i32 = arith.constant 0 : i32
    %c0_i32_1 = arith.constant 0 : i32
    return %add3A_0, %c0_i32 : i32, i32
  }
  func.func @transform_3(%arg0: i32) -> (i32, i32) {
    %add3A = arith.constant 12 : i32
    %add3A_0 = arith.addi %add3A, %arg0 : i32
    %c0_i32 = arith.constant 0 : i32
    %c0_i32_1 = arith.constant 0 : i32
    return %add3A_0, %c0_i32 : i32, i32
  }
  func.func @transform_4(%arg0: i32) -> (i32, i32) {
    %c0_i32 = arith.constant 0 : i32
    %c0_i32_0 = arith.constant 0 : i32
    return %arg0, %c0_i32 : i32, i32
  }
  func.func @transform_5(%arg0: i32) -> (i32, i32) {
    %c0_i32 = arith.constant 0 : i32
    %c0_i32_0 = arith.constant 0 : i32
    return %arg0, %c0_i32 : i32, i32
  }
}

</mosaic_0001>

<sc_bundles>
// kernel: kernel.10.cloned.1.call-start
scs
__scs_entry_jumppad:
0x0: {  	(pc) =	sbr.rel $0x88, $3  }
0x1: {  	(tag) =	ssettag $0x0;
	lr =	simm.s32 $0x1  }
0x2: {  	[smem:$0x3F9A] =	sst lr;
	_ =	strace $0xD0000000  }
0x3: {  	_ = 	snop  }
0x4: {  	_ = 	snop  }
0x5: {  	_ = 	snop  }
0x6: {  	_ = 	snop  }
0x7: {  	_ = 	snop  }
__scs_overlays_trampoline_lowered:
0x8: {  	[smem:$0x3FA9] =	sst s0  }
0x9: {  	[smem:$0x3FAA] =	sst s1  }
0xa: {  	[smem:$0x3FAB] =	sst s2  }
0xb: {  	[smem:$0x3FAC] =	sst s3  }
0xc: {  	[smem:$0x3FAD] =	sst s4  }
0xd: {  	[smem:$0x3FAE] =	sst s5  }
0xe: {  	[smem:$0x3FAF] =	sst s6  }
0xf: {  	[smem:$0x3FB0] =	sst s7  }
0x10: {  	[smem:$0x3FB1] =	sst s8  }
0x11: {  	[smem:$0x3FB2] =	sst s9;
	s0 =	simm.s32 @!p0 $0x0  }
0x12: {  	s1 =	sld [smem:$0x3F98];
	s0 =	simm.s32 @p0 $0x1  }
0x13: {  	[smem:$0x3FB3] =	sst s0;
	s0 =	simm.s32 @!p1 $0x0  }
0x14: {  	s2 =	sld [smem:$0x3F97];
	s0 =	simm.s32 @p1 $0x1  }
0x15: {  	[smem:$0x3FB4] =	sst s0;
	s0 =	simm.s32 @!p2 $0x0  }
0x16: {  	s3 =	sld [smem:$0x3FDB];
	s0 =	simm.s32 @p2 $0x1  }
0x17: {  	s4 =	simm.s32 $0x1BF5;
	[smem:$0x3FB6] =	sst s0  }
0x18: {  	s0 =	sld [smem:$0x3F99];
	_ =	swait.ge [sflag:s4], $0x0  }
0x19: {  	s7 =	sld [smem:$0x3F9A]  }
0x1a: {  	s8 =	sadd.s32 $0xFFFFE003, lr  }
0x1b: {  	s9 =	sadd.s32 $0xFFFFFEF7, lr;
	s5 =	simm.s32 $0xFFFFFFFF;
	p2 =	slt.u32 s8, $0xFFFFF086  }
0x1c: {  	p1 =	slt.u32 s9, $0xF7A;
	s5 =	simm.s32 @!p2 $0x0  }
0x1d: {  	s5 =	simm.s32 @p1 $0x1;
	p0 =	seq.s32 s7, s2  }
0x1e: {  	s7 =	smul.u32 @!p0 $0xF7A, s2;
	p2 =	seq.s32 @!p0 s5, $0x0  }
0x1f: {  	s9 =	smul.u32 $0xF7A, s1;
	s8 =	simm.s32 @!p0 $0x1BF5;
	p2 =	por !p2, p0  }
0x20: {  	[sflag:s8] =	ssyncset.s32 @!p0 $0xFFFFF086;
	s6 =	sadd.s32 @!p0 s3, s7;
	s7 =	simm.s32 @!p0 $0x108  }
0x21: {  	s3 =	sadd.s32 s3, s9;
	s6 =	sadd.s32 @!p0 $0x88, s6;
	s7 =	simm.s32 @p2 $0x1082  }
0x22: {  	[simem:s7], [sflag:s8] =	dma.local @!p0 [hbm:s6], $0xF7A  }
0x23: {  	s9 =	sor.u32 $0xD0000000, s2;
	s6 =	simm.s32 $0x108;
	_ =	swait.ge @!p0 [sflag:s8], $0x0  }
0x24: {  	s3 =	sadd.s32 $0x88, s3;
	s6 =	simm.s32 @!p1 $0x1082;
	[sflag:s4] =	ssyncset.s32 $0xFFFFF086  }
0x25: {  	[simem:s6], [sflag:s4] =	dma.local [hbm:s3], $0xF7A  }
0x26: {  	[smem:$0x3F9A] =	sst s1;
	(tag) =	ssettag s2;
	_ =	strace s9  }
0x27: {  	s1 =	sld [smem:$0x3FAA]  }
0x28: {  	s2 =	sld [smem:$0x3FAB]  }
0x29: {  	s4 =	sld [smem:$0x3FAD]  }
0x2a: {  	p0 =	seq.s32 s5, $0x0;
	s5 =	sld [smem:$0x3FAE]  }
0x2b: {  	s6 =	sld [smem:$0x3FAF]  }
0x2c: {  	s7 =	sld [smem:$0x3FB0]  }
0x2d: {  	s3 =	simm.s32 $0x108;
	s8 =	sld [smem:$0x3FB1]  }
0x2e: {  	s3 =	simm.s32 @!p0 $0x1082;
	s9 =	sld [smem:$0x3FB2]  }
0x2f: {  	lr =	sadd.s32 s0, s3;
	s0 =	sld [smem:$0x3FA9]  }
0x30: {  	s3 =	sld [smem:$0x3FAC]  }
0x31: {  	[smem:$0x3FB5] =	sst s10  }
0x32: {  	s10 =	sld [smem:$0x3FB3];
	_ =	sdelay $0x3  }
0x33: {  	p0 =	seq.s32 s10, $0x1;
	s10 =	sld [smem:$0x3FB5];
	_ =	sdelay $0x3  }
0x34: {  	[smem:$0x3FB5] =	sst s10  }
0x35: {  	s10 =	sld [smem:$0x3FB4];
	_ =	sdelay $0x3  }
0x36: {  	p1 =	seq.s32 s10, $0x1;
	s10 =	sld [smem:$0x3FB5];
	_ =	sdelay $0x3  }
0x37: {  	[smem:$0x3FB5] =	sst s10  }
0x38: {  	s10 =	sld [smem:$0x3FB6]  }
0x39: {  	_ = 	snop;
	(pc) =	sbr.ind lr, $3  }
0x3a: {  	_ = 	snop  }
0x3b: {  	_ = 	snop  }
0x3c: {  	p2 =	seq.s32 s10, $0x1;
	s10 =	sld [smem:$0x3FB5]  }
0x3d: {  	_ =	shalt  }
0x3e: {  	_ =	shalt  }
0x3f: {  	_ =	shalt  }
0x40: {  	_ =	shalt  }
0x41: {  	_ =	shalt  }
0x42: {  	_ =	shalt  }
0x43: {  	_ =	shalt  }
0x44: {  	_ =	shalt  }
0x45: {  	_ =	shalt  }
0x46: {  	_ =	shalt  }
0x47: {  	_ =	shalt  }
0x48: {  	_ =	shalt  }
0x49: {  	_ =	shalt  }
0x4a: {  	_ =	shalt  }
0x4b: {  	_ =	shalt  }
0x4c: {  	_ =	shalt  }
0x4d: {  	_ =	shalt  }
0x4e: {  	_ =	shalt  }
0x4f: {  	_ =	shalt  }
0x50: {  	_ =	shalt  }
0x51: {  	_ =	shalt  }
0x52: {  	_ =	shalt  }
0x53: {  	_ =	shalt  }
0x54: {  	_ =	shalt  }
0x55: {  	_ =	shalt  }
0x56: {  	_ =	shalt  }
0x57: {  	_ =	shalt  }
0x58: {  	_ =	shalt  }
0x59: {  	_ =	shalt  }
0x5a: {  	_ =	shalt  }
0x5b: {  	_ =	shalt  }
0x5c: {  	_ =	shalt  }
0x5d: {  	_ =	shalt  }
0x5e: {  	_ =	shalt  }
0x5f: {  	_ =	shalt  }
0x60: {  	_ =	shalt  }
0x61: {  	_ =	shalt  }
0x62: {  	_ =	shalt  }
0x63: {  	_ =	shalt  }
0x64: {  	_ =	shalt  }
0x65: {  	_ =	shalt  }
0x66: {  	_ =	shalt  }
0x67: {  	_ =	shalt  }
0x68: {  	_ =	shalt  }
0x69: {  	_ =	shalt  }
0x6a: {  	_ =	shalt  }
0x6b: {  	_ =	shalt  }
0x6c: {  	_ =	shalt  }
0x6d: {  	_ =	shalt  }
0x6e: {  	_ =	shalt  }
0x6f: {  	_ =	shalt  }
0x70: {  	_ =	shalt  }
0x71: {  	_ =	shalt  }
0x72: {  	_ =	shalt  }
0x73: {  	_ =	shalt  }
0x74: {  	_ =	shalt  }
0x75: {  	_ =	shalt  }
0x76: {  	_ =	shalt  }
0x77: {  	_ =	shalt  }
0x78: {  	_ =	shalt  }
0x79: {  	_ =	shalt  }
0x7a: {  	_ =	shalt  }
0x7b: {  	_ =	shalt  }
0x7c: {  	_ =	shalt  }
0x7d: {  	_ =	shalt  }
0x7e: {  	_ =	shalt  }
0x7f: {  	_ =	shalt  }
0x80: {  	_ =	shalt  }
0x81: {  	_ =	shalt  }
0x82: {  	_ =	shalt  }
0x83: {  	_ =	shalt  }
0x84: {  	_ =	shalt  }
0x85: {  	_ =	shalt  }
0x86: {  	_ =	shalt  }
0x87: {  	_ =	shalt  }
.Lfunc_end0:
.L_simem_size_0:
called_computation.1_lowered:
.L_overlay_start_0:
0x88: {  	s2 =	sld [smem:$0x3FD9]  }
0x89: {  	s3 =	sld [smem:$0x3FFE];
	_ =	sdelay $0x1  }
0x8a: {  	s1 =	srdreg.scid  }
0x8b: {  	s0 =	sand.u32 $0x1, s1  }
0x8c: {  	s14 =	sshll.u32 s0, $0xA;
	s2 =	sadd.s32 s3, s2  }
0x8d: {  	s2 =	sadd.s32 s2, s14  }
0x8e: {  	[smem:$0x3FC1] =	sst s2  }
0x8f: {  	_ = 	snop  }
0x90: {  	s2 =	sld [smem:$0x3FD0];
	_ =	sdelay $0x2  }
0x91: {  	s15 =	simm.s32 $0xA;
	s4 =	simm.s32 $0x10  }
0x92: {  	[smem:s4], [sflag:s15] =	dma.local [hbm:s2], $0x1  }
0x93: {  	_ =	swait.eq [sflag:s15], $0x1  }
0x94: {  	[sflag:s15] =	ssyncset.done $0x0  }
0x95: {  	[sflag:s15] =	ssyncadd.s32 $0xFFFFFFFF  }
0x96: {  	s16 =	sld [smem:$0x10];
	(tm) =	ssettm $0x1  }
0x97: {  	s17 =	sld [smem:$0x3FFB];
	_ =	sdelay $0x3  }
0x98: {  	_ =	strace s17  }
0x99: {  	s3 =	sld [smem:$0x3FFC];
	_ =	sdelay $0x3  }
0x9a: {  	_ =	strace s3  }
0x9b: {  	s3 =	sld [smem:$0x3FFD];
	_ =	sdelay $0x3  }
0x9c: {  	_ =	strace s3  }
0x9d: {  	_ =	strace $0x8FFFFFFF  }
0x9e: {  	s18 =	sld [smem:$0x3FDB];
	_ =	sdelay $0x1  }
0x9f: {  	s19 =	simm.s32 $_scs_section_size  }
0xa0: {  	s5 =	simm.s32 $_size__tile_overlayer_lowered;
	s6 =	simm.s32 $_tile_overlayer_lowered  }
0xa1: {  	s22 =	simm.s32 $0x1BFF;
	s21 =	sshll.u32 s6, $0x1;
	s3 =	sadd.s32 s19, s18  }
0xa2: {  	s7 =	simm.s32 $0x0;
	s20 =	sshll.u32 s5, $0x1;
	s5 =	sadd.s32 s21, s3  }
0xa3: {  	[timem:s7], [sflag:s22] =	dma.local [hbm:s5], s20  }
0xa4: {  	_ =	swait.ge [sflag:s22], s20  }
0xa5: {  	s4 =	ssub.s32 $0x0, s20;
	[sflag:s22] =	ssyncset.done $0x0  }
0xa6: {  	[sflag:s22] =	ssyncadd.s32 s4;
	_ =	sdelay $0x1  }
0xa7: {  	s23 =	simm.s32 $0x1B8B  }
0xa8: {  	_ =	swait.ge [sflag:s23], $0x1  }
0xa9: {  	[sflag:s23] =	ssyncset.done $0x0  }
0xaa: {  	s25 =	simm.s32 $0x1B8E;
	s24 =	sld [smem:$0x3FFE];
	[sflag:s23] =	ssyncadd.s32 $0xFFFFFFFF  }
0xab: {  	s26 =	simm.s32 $execute0_lowered;
	[smem:$0x3FD2] =	sst s25  }
0xac: {  	s5 =	sshll.u32 s26, $0x1;
	_ =	strace $0x80000051;
	[dreg:$0x1] =	wrdreg $0xFFFFFFFF  }
0xad: {  	s28 =	simm.s32 $_size_execute0_lowered;
	s3 =	sadd.s32 s3, s5;
	[dreg:$0x0] =	wrdreg $0x0  }
0xae: {  	s5 =	sshll.u32 s28, $0x1;
	[dreg:$0x2] =	wrdreg s3  }
0xaf: {  	[dreg:$0x3] =	wrdreg s5  }
0xb0: {  	[dreg:$0x4] =	wrdreg $0xC0  }
0xb1: {  	_ =	task [dreg:s7], $0x5FFFF  }
0xb2: {  	[dreg:$0x1] =	wrdreg $0xFFFFFFFF  }
0xb3: {  	[dreg:$0x0] =	wrdreg $0x60  }
0xb4: {  	[dreg:$0x2] =	wrdreg s24  }
0xb5: {  	[dreg:$0x3] =	wrdreg s16  }
0xb6: {  	[dreg:$0x4] =	wrdreg $0x9  }
0xb7: {  	_ =	task.clear_ibuf [dreg:s7], $0x5FFFF;
	_ =	strace $0x90000051  }
0xb8: {  	s29 =	simm.s32 $0x9;
	_ =	strace $0x8000005A  }
0xb9: {  	_ =	swait.ge [sflag:s29], $0x1  }
0xba: {  	[sflag:s29] =	ssyncadd.s32 $0xFFFFFFFF  }
0xbb: {  	_ =	strace $0x9000005A  }
0xbc: {  	_ =	sfence  }
0xbd: {  	s30 =	sld [smem:$0x0];
	_ =	sdelay $0x2  }
0xbe: {  	s31 =	sshll.u32 s1, $0xD;
	s1 =	sshrl.u32 s1, $0x2  }
0xbf: {  	s3 =	sand.u32 $0x4000, s31;
	s1 =	sadd.s32 s1, s30  }
0xc0: {  	s0 =	sor.u32 s3, s0;
	s1 =	sshll.u32 s1, $0x11  }
0xc1: {  	s0 =	sor.u32 s1, s0  }
0xc2: {  	s0 =	sadd.s32 $0x8F2B, s0  }
0xc3: {  	[sflag:s0] =	ssyncadd.remote.s32 $0x1  }
0xc4: {  	_ =	sfence.sel $0xFFFF  }
0xc5: {  	[dreg:$0x0] =	wrdreg $0xFFFFFFFF;
	(pc) =	sbr.abs _section_cstart, $3  }
0xc6: {  	[dreg:$0x1] =	wrdreg $0xFFFFFFFF  }
0xc7: {  	_ =	task.clear_ibuf [dreg:s7], $0x2FFFF;
	_ =	strace $0x9FFFFFFF  }
0xc8: {  	(tm) =	ssettm $0x7FFFFFFF  }
0xc9: {  	_ =	shalt  }
tec
execute0_lowered:
.L_overlay_start_1:
0x0: {  	(tag) =	ssettag $0x1  }
0x1: {  	s9 =	rddreg [dreg:$0x0]  }
0x2: {  	s1 =	rddreg [dreg:$0x1]  }
0x3: {  	s0 =	rddreg [dreg:$0x2];
	s2 =	simm.s32 $0x0  }
0x4: {  	s3 =	srdreg.scid;
	s11 =	simm.s32 $0x5;
	s12 =	simm.s32 $0x4  }
0x5: {  	s13 =	simm.s32 $0x0;
	[smem:$0x7FF] =	sst s2;
	s4 =	sadd.s32 $0x1200, s9  }
.Ltmp0:
0x6: {  	s5 =	sand.u32 $0x1, s3;
	s3 =	stileid.u32;
	(pc) =	sbr.rel .LBB2_1-.Ltmp0, $4  }
0x7: {  	_ =	strace $0x80000052;
	s7 =	ssub.s32 $0x2, s5;
	s6 =	sshll.u32 s5, $0x4  }
0x8: {  	v2 =	vlaneseq.u32;
	s5 =	sadd.s32 $0x79200, s9;
	s8 =	sshrl.u32 s7, $0x1;
	s6 =	sor.u32 s3, s6  }
0x9: {  	vm0 =	vmmov $0xffff;
	vm1 =	vmmov $0xff;
	v1 =	vshrl.u32 v2, $0x3;
	s9 =	sadd.s32 $0x1300, s9;
	s10 =	ssub.s32 s7, s8;
	s31 =	sshll.u32 s6, $0x5  }
0xa: {  	v0 =	vand.u32 $0x7, v2;
	v2 =	vor.u32 $0x8, v2;
	v1 =	vmul.u32 $0x8, v1;
	s7 =	sshll.u32 s6, $0x8;
	s8 =	sadd.s32 s1, s31;
	s10 =	smax.u32 s10, $0x1  }
.LBB2_4:
0xb: {  	s14 =	sand.u32 $0x1, s14  }
0xc: {  	_ =	strace $0x80000058;
	s14 =	sadd.s32 $0x3, s14  }
0xd: {  	_ =	swait.ge [sflag:s14], $0xC000  }
0xe: {  	[sflag:s14] =	ssyncset.done $0x0  }
0xf: {  	s13 =	sadd.s32 $0x1, s13;
	[sflag:s14] =	ssyncadd.s32 $0xFFFF4000  }
0x10: {  	p0 =	sne.s32 s13, s10;
	_ =	strace $0x90000058  }
.Ltmp1:
0x11: {  	_ =	strace $0x80000059;
	(pc) =	sbr.rel @!p0 .LBB2_5-.Ltmp1, $4  }
0x12: {  	_ =	swait.ge [sflag:s12], $0xC000  }
0x13: {  	[sflag:s12] =	ssyncset.done $0x0  }
0x14: {  	[sflag:s12] =	ssyncadd.s32 $0xFFFF4000  }
0x15: {  	_ =	strace $0x90000059  }
.LBB2_1:
0x16: {  	_ =	strace $0x80000053  }
0x17: {  	p1 =	por $0x1, $0x1;
	p0 =	por $0x0, $0x0;
	s15 =	simm.s32 $0x0  }
0x18: {  	s14 =	simm.s32 $0x0;
	s19 =	simm.s32 $0x0;
	s16 =	simm.s32 $0x0  }
0x19: {  	[tilespmem:s2], [sflag:$0x1] =	stream.linear.gather [hbm4b:s8+s2], $0x80, $0x200038;
	[tilespmem:$0x18100] =	vst v63  }
0x1a: {  	s17 =	simm.s32 $0x1;
	s18 =	simm.s32 $0x0;
	_ =	strace $0x90000053  }
.LBB2_2:
0x1b: {  	s20 =	smov.u32 s15;
	s15 =	sadd.s32 $0x1, s15  }
0x1c: {  	p2 =	seq.s32 s15, $0x2  }
0x1d: {  	s15 =	simm.s32 @p2 $0x0  }
0x1e: {  	p2 =	sne.s32 s20, s15  }
0x1f: {  	p3 =	por !p1, !p2  }
0x20: {  	p3 =	por !p3, !p3  }
0x21: {  	s21 =	sshll.u32 @p3 s15, $0xC  }
0x22: {  	s22 =	sshll.u32 @p3 s15, $0x7;
	s21 =	sand.u32 @p3 $0xFFFFE000, s21  }
0x23: {  	s22 =	sand.u32 @p3 $0x80, s22;
	s21 =	sor.u32 @p3 s7, s21  }
0x24: {  	_ =	strace @p3 $0x80000054;
	s21 =	sor.u32 @p3 s22, s21  }
0x25: {  	s24 =	simm.s32 @p3 $0x0;
	s22 =	sand.u32 @p3 $0x1, s17;
	s21 =	sshrl.u32 @p3 s21, $0x3  }
0x26: {  	s23 =	sshll.u32 @p3 s22, $0x7;
	s22 =	sadd.s32 @p3 $0x1, s22;
	s21 =	sadd.s32 @p3 s1, s21  }
0x27: {  	[tilespmem:s23], [sflag:s22] =	stream.linear.gather @p3 [hbm4b:s21+s24], $0x80, $0x200038;
	[tilespmem:$0x18100] =	vst v63  }
0x28: {  	s23 =	sand.u32 $0x1, s16;
	_ =	strace @p3 $0x90000054  }
0x29: {  	s21 =	sadd.s32 $0x1, s23;
	_ =	strace $0x80000055  }
0x2a: {  	_ =	swait.ge [sflag:s21], $0x80  }
0x2b: {  	[sflag:s21] =	ssyncset.done $0x0  }
0x2c: {  	[sflag:s21] =	ssyncadd.s32 $0xFFFFFF80  }
0x2d: {  	s24 =	sshll.u32 s16, $0x7;
	_ =	strace $0x90000055  }
0x2e: {  	s24 =	sand.u32 $0x80, s24;
	_ =	strace $0x80000056  }
0x2f: {  	v3 =	vld [tilespmem:s24+$0x0];
	_ =	sdelay $0x4  }
0x30: {  	v4 =	vshrl.u32 v3, $0x3  }
0x31: {  	v4 =	vmul.u32 $0x18, v4  }
0x32: {  	v3 =	vand.u32 $0x7, v3  }
0x33: {  	v3 =	vor.u32 v3, v4  }
0x34: {  	v4 =	vperm.xlane v3, v0;
	_ =	sdelay $0x1  }
0x35: {  	s21 =	sand.u32 $0x1, s19;
	v4 =	vadd.s32 v1, v4  }
0x36: {  	s25 =	smul.u32 $0x30000, s21  }
0x37: {  	v3 =	vperm.xlane v3, v2  }
0x38: {  	s23 =	sshrl.u32 s25, $0x2  }
0x39: {  	s22 =	sor.u32 $0x100, s23;
	v3 =	vadd.s32 v1, v3  }
0x3a: {  	[tilespmem:s22], [sflag:$0x5] =	stream.indirect_vreg.gather [hbm4b:s4+s2], $0x80, v4, vm0, $0x2000b8;
	[tilespmem:$0x18100] =	vst v63  }
0x3b: {  	s25 =	sor.u32 $0x900, s23  }
0x3c: {  	[tilespmem:s25], [sflag:$0x5] =	stream.indirect_vreg.gather [hbm4b:s9+s2], $0x80, v4, vm1, $0x2000b8;
	[tilespmem:$0x18100] =	vst v63  }
0x3d: {  	s26 =	sor.u32 $0xD00, s23  }
0x3e: {  	[tilespmem:s26], [sflag:$0x5] =	stream.indirect_vreg.gather [hbm4b:s4+s2], $0x80, v3, vm0, $0x2000b8;
	[tilespmem:$0x18100] =	vst v63  }
0x3f: {  	s28 =	sor.u32 $0x1500, s23  }
0x40: {  	[tilespmem:s28], [sflag:$0x5] =	stream.indirect_vreg.gather [hbm4b:s9+s2], $0x80, v3, vm1, $0x2000b8;
	[tilespmem:$0x18100] =	vst v63  }
0x41: {  	v3 =	vld [tilespmem:s24+$0x10];
	_ =	sdelay $0x4  }
0x42: {  	v57 =	vshrl.u32 v3, $0x3  }
0x43: {  	v4 =	vmul.u32 $0x18, v57  }
0x44: {  	v3 =	vand.u32 $0x7, v3  }
0x45: {  	v3 =	vor.u32 v3, v4  }
0x46: {  	v4 =	vperm.xlane v3, v0;
	_ =	sdelay $0x1  }
0x47: {  	v4 =	vadd.s32 v1, v4;
	_ =	sdelay $0x1  }
0x48: {  	v3 =	vperm.xlane v3, v2;
	_ =	sdelay $0x1  }
0x49: {  	s29 =	sor.u32 $0x1900, s23;
	v3 =	vadd.s32 v1, v3  }
0x4a: {  	[tilespmem:s29], [sflag:$0x5] =	stream.indirect_vreg.gather [hbm4b:s4+s2], $0x80, v4, vm0, $0x2000b8;
	[tilespmem:$0x18100] =	vst v63  }
0x4b: {  	s30 =	sor.u32 $0x2100, s23  }
0x4c: {  	[tilespmem:s30], [sflag:$0x5] =	stream.indirect_vreg.gather [hbm4b:s9+s2], $0x80, v4, vm1, $0x2000b8;
	[tilespmem:$0x18100] =	vst v63  }
0x4d: {  	s31 =	sor.u32 $0x2500, s23  }
0x4e: {  	[tilespmem:s31], [sflag:$0x5] =	stream.indirect_vreg.gather [hbm4b:s4+s2], $0x80, v3, vm0, $0x2000b8;
	[tilespmem:$0x18100] =	vst v63  }
0x4f: {  	s26 =	sor.u32 $0x2D00, s23  }
0x50: {  	[tilespmem:s26], [sflag:$0x5] =	stream.indirect_vreg.gather [hbm4b:s9+s2], $0x80, v3, vm1, $0x2000b8;
	[tilespmem:$0x18100] =	vst v63  }
0x51: {  	v3 =	vld [tilespmem:s24+$0x20];
	_ =	sdelay $0x4  }
0x52: {  	v58 =	vshrl.u32 v3, $0x3  }
0x53: {  	v4 =	vmul.u32 $0x18, v58  }
0x54: {  	v3 =	vand.u32 $0x7, v3  }
0x55: {  	v3 =	vor.u32 v3, v4  }
0x56: {  	v4 =	vperm.xlane v3, v0;
	_ =	sdelay $0x1  }
0x57: {  	v4 =	vadd.s32 v1, v4;
	_ =	sdelay $0x1  }
0x58: {  	v3 =	vperm.xlane v3, v2;
	_ =	sdelay $0x1  }
0x59: {  	s28 =	sor.u32 $0x3100, s23;
	v3 =	vadd.s32 v1, v3  }
0x5a: {  	[tilespmem:s28], [sflag:$0x5] =	stream.indirect_vreg.gather [hbm4b:s4+s2], $0x80, v4, vm0, $0x2000b8;
	[tilespmem:$0x18100] =	vst v63  }
0x5b: {  	s29 =	sor.u32 $0x3900, s23  }
0x5c: {  	[tilespmem:s29], [sflag:$0x5] =	stream.indirect_vreg.gather [hbm4b:s9+s2], $0x80, v4, vm1, $0x2000b8;
	[tilespmem:$0x18100] =	vst v63  }
0x5d: {  	s30 =	sor.u32 $0x3D00, s23  }
0x5e: {  	[tilespmem:s30], [sflag:$0x5] =	stream.indirect_vreg.gather [hbm4b:s4+s2], $0x80, v3, vm0, $0x2000b8;
	[tilespmem:$0x18100] =	vst v63  }
0x5f: {  	s31 =	sadd.s32 $0x4500, s23  }
0x60: {  	[tilespmem:s31], [sflag:$0x5] =	stream.indirect_vreg.gather [hbm4b:s9+s2], $0x80, v3, vm1, $0x2000b8;
	[tilespmem:$0x18100] =	vst v63  }
0x61: {  	v3 =	vld [tilespmem:s24+$0x30];
	_ =	sdelay $0x4  }
0x62: {  	v59 =	vshrl.u32 v3, $0x3  }
0x63: {  	v4 =	vmul.u32 $0x18, v59  }
0x64: {  	v3 =	vand.u32 $0x7, v3  }
0x65: {  	v3 =	vor.u32 v3, v4  }
0x66: {  	v4 =	vperm.xlane v3, v0;
	_ =	sdelay $0x1  }
0x67: {  	v4 =	vadd.s32 v1, v4;
	_ =	sdelay $0x1  }
0x68: {  	v3 =	vperm.xlane v3, v2;
	_ =	sdelay $0x1  }
0x69: {  	s26 =	sadd.s32 $0x4900, s23;
	v3 =	vadd.s32 v1, v3  }
0x6a: {  	[tilespmem:s26], [sflag:$0x5] =	stream.indirect_vreg.gather [hbm4b:s4+s2], $0x80, v4, vm0, $0x2000b8;
	[tilespmem:$0x18100] =	vst v63  }
0x6b: {  	s28 =	sadd.s32 $0x5100, s23  }
0x6c: {  	[tilespmem:s28], [sflag:$0x5] =	stream.indirect_vreg.gather [hbm4b:s9+s2], $0x80, v4, vm1, $0x2000b8;
	[tilespmem:$0x18100] =	vst v63  }
0x6d: {  	s29 =	sadd.s32 $0x5500, s23  }
0x6e: {  	[tilespmem:s29], [sflag:$0x5] =	stream.indirect_vreg.gather [hbm4b:s4+s2], $0x80, v3, vm0, $0x2000b8;
	[tilespmem:$0x18100] =	vst v63  }
0x6f: {  	s30 =	sadd.s32 $0x5D00, s23  }
0x70: {  	[tilespmem:s30], [sflag:$0x5] =	stream.indirect_vreg.gather [hbm4b:s9+s2], $0x80, v3, vm1, $0x2000b8;
	[tilespmem:$0x18100] =	vst v63  }
0x71: {  	v3 =	vld [tilespmem:s24+$0x40];
	_ =	sdelay $0x4  }
0x72: {  	v60 =	vshrl.u32 v3, $0x3  }
0x73: {  	v4 =	vmul.u32 $0x18, v60  }
0x74: {  	v3 =	vand.u32 $0x7, v3  }
0x75: {  	v3 =	vor.u32 v3, v4  }
0x76: {  	v4 =	vperm.xlane v3, v0;
	_ =	sdelay $0x1  }
0x77: {  	v4 =	vadd.s32 v1, v4;
	_ =	sdelay $0x1  }
0x78: {  	v3 =	vperm.xlane v3, v2;
	_ =	sdelay $0x1  }
0x79: {  	s31 =	sadd.s32 $0x6100, s23;
	v3 =	vadd.s32 v1, v3  }
0x7a: {  	[tilespmem:s31], [sflag:$0x5] =	stream.indirect_vreg.gather [hbm4b:s4+s2], $0x80, v4, vm0, $0x2000b8;
	[tilespmem:$0x18100] =	vst v63  }
0x7b: {  	s26 =	sadd.s32 $0x6900, s23  }
0x7c: {  	[tilespmem:s26], [sflag:$0x5] =	stream.indirect_vreg.gather [hbm4b:s9+s2], $0x80, v4, vm1, $0x2000b8;
	[tilespmem:$0x18100] =	vst v63  }
0x7d: {  	s28 =	sadd.s32 $0x6D00, s23  }
0x7e: {  	[tilespmem:s28], [sflag:$0x5] =	stream.indirect_vreg.gather [hbm4b:s4+s2], $0x80, v3, vm0, $0x2000b8;
	[tilespmem:$0x18100] =	vst v63  }
0x7f: {  	s29 =	sadd.s32 $0x7500, s23  }
0x80: {  	[tilespmem:s29], [sflag:$0x5] =	stream.indirect_vreg.gather [hbm4b:s9+s2], $0x80, v3, vm1, $0x2000b8;
	[tilespmem:$0x18100] =	vst v63  }
0x81: {  	v3 =	vld [tilespmem:s24+$0x50];
	_ =	sdelay $0x4  }
0x82: {  	v61 =	vshrl.u32 v3, $0x3  }
0x83: {  	v4 =	vmul.u32 $0x18, v61  }
0x84: {  	v3 =	vand.u32 $0x7, v3  }
0x85: {  	v3 =	vor.u32 v3, v4  }
0x86: {  	v4 =	vperm.xlane v3, v0;
	_ =	sdelay $0x1  }
0x87: {  	v4 =	vadd.s32 v1, v4;
	_ =	sdelay $0x1  }
0x88: {  	v3 =	vperm.xlane v3, v2;
	_ =	sdelay $0x1  }
0x89: {  	s30 =	sadd.s32 $0x7900, s23;
	v3 =	vadd.s32 v1, v3  }
0x8a: {  	[tilespmem:s30], [sflag:$0x5] =	stream.indirect_vreg.gather [hbm4b:s4+s2], $0x80, v4, vm0, $0x2000b8;
	[tilespmem:$0x18100] =	vst v63  }
0x8b: {  	s31 =	sadd.s32 $0x8100, s23  }
0x8c: {  	[tilespmem:s31], [sflag:$0x5] =	stream.indirect_vreg.gather [hbm4b:s9+s2], $0x80, v4, vm1, $0x2000b8;
	[tilespmem:$0x18100] =	vst v63  }
0x8d: {  	s26 =	sadd.s32 $0x8500, s23  }
0x8e: {  	[tilespmem:s26], [sflag:$0x5] =	stream.indirect_vreg.gather [hbm4b:s4+s2], $0x80, v3, vm0, $0x2000b8;
	[tilespmem:$0x18100] =	vst v63  }
0x8f: {  	s28 =	sadd.s32 $0x8D00, s23  }
0x90: {  	[tilespmem:s28], [sflag:$0x5] =	stream.indirect_vreg.gather [hbm4b:s9+s2], $0x80, v3, vm1, $0x2000b8;
	[tilespmem:$0x18100] =	vst v63  }
0x91: {  	v3 =	vld [tilespmem:s24+$0x60];
	_ =	sdelay $0x4  }
0x92: {  	v62 =	vshrl.u32 v3, $0x3  }
0x93: {  	v4 =	vmul.u32 $0x18, v62  }
0x94: {  	v3 =	vand.u32 $0x7, v3  }
0x95: {  	v3 =	vor.u32 v3, v4  }
0x96: {  	v4 =	vperm.xlane v3, v0;
	_ =	sdelay $0x1  }
0x97: {  	v4 =	vadd.s32 v1, v4;
	_ =	sdelay $0x1  }
0x98: {  	v3 =	vperm.xlane v3, v2;
	_ =	sdelay $0x1  }
0x99: {  	s29 =	sadd.s32 $0x9100, s23;
	v3 =	vadd.s32 v1, v3  }
0x9a: {  	[tilespmem:s29], [sflag:$0x5] =	stream.indirect_vreg.gather [hbm4b:s4+s2], $0x80, v4, vm0, $0x2000b8;
	[tilespmem:$0x18100] =	vst v63  }
0x9b: {  	s30 =	sadd.s32 $0x9900, s23  }
0x9c: {  	[tilespmem:s30], [sflag:$0x5] =	stream.indirect_vreg.gather [hbm4b:s9+s2], $0x80, v4, vm1, $0x2000b8;
	[tilespmem:$0x18100] =	vst v63  }
0x9d: {  	s31 =	sadd.s32 $0x9D00, s23  }
0x9e: {  	[tilespmem:s31], [sflag:$0x5] =	stream.indirect_vreg.gather [hbm4b:s4+s2], $0x80, v3, vm0, $0x2000b8;
	[tilespmem:$0x18100] =	vst v63  }
0x9f: {  	s26 =	sadd.s32 $0xA500, s23  }
0xa0: {  	[tilespmem:s26], [sflag:$0x5] =	stream.indirect_vreg.gather [hbm4b:s9+s2], $0x80, v3, vm1, $0x2000b8;
	[tilespmem:$0x18100] =	vst v63  }
0xa1: {  	v3 =	vld [tilespmem:s24+$0x70];
	_ =	sdelay $0x4  }
0xa2: {  	v63 =	vshrl.u32 v3, $0x3  }
0xa3: {  	v4 =	vmul.u32 $0x18, v63  }
0xa4: {  	v3 =	vand.u32 $0x7, v3  }
0xa5: {  	v3 =	vor.u32 v3, v4  }
0xa6: {  	v4 =	vperm.xlane v3, v0;
	_ =	sdelay $0x1  }
0xa7: {  	v4 =	vadd.s32 v1, v4;
	_ =	sdelay $0x1  }
0xa8: {  	v3 =	vperm.xlane v3, v2;
	_ =	sdelay $0x1  }
0xa9: {  	s20 =	sshll.u32 s20, $0x5;
	s28 =	sadd.s32 $0xA900, s23;
	s31 =	sshll.u32 s15, $0x5;
	v3 =	vadd.s32 v1, v3  }
0xaa: {  	[tilespmem:s28], [sflag:$0x5] =	stream.indirect_vreg.gather [hbm4b:s4+s2], $0x80, v4, vm0, $0x2000b8;
	[tilespmem:$0x18100] =	vst v63  }
0xab: {  	p5 =	por !p0, !p0;
	s29 =	sadd.s32 $0xB100, s23;
	p4 =	seq.s32 s20, s31  }
0xac: {  	[tilespmem:s29], [sflag:$0x5] =	stream.indirect_vreg.gather [hbm4b:s9+s2], $0x80, v4, vm1, $0x2000b8;
	[tilespmem:$0x18100] =	vst v63  }
0xad: {  	s30 =	sadd.s32 $0xB500, s23;
	p4 =	por !p5, !p4  }
0xae: {  	[tilespmem:s30], [sflag:$0x5] =	stream.indirect_vreg.gather [hbm4b:s4+s2], $0x80, v3, vm0, $0x2000b8;
	[tilespmem:$0x18100] =	vst v63  }
0xaf: {  	s23 =	sadd.s32 $0xBD00, s23;
	p4 =	por !p4, !p4  }
0xb0: {  	[tilespmem:s23], [sflag:$0x5] =	stream.indirect_vreg.gather [hbm4b:s9+s2], $0x80, v3, vm1, $0x2000b8;
	[tilespmem:$0x18100] =	vst v63  }
0xb1: {  	s20 =	sor.u32 @!p4 s6, s20;
	_ =	swait.ge [sflag:s11], $0xC000  }
0xb2: {  	p1 =	por p4, p1;
	s20 =	smul.u32 @!p4 $0x1800, s20;
	[sflag:s11] =	ssyncset.done $0x0  }
.Ltmp2:
0xb3: {  	[sflag:s11] =	ssyncadd.s32 $0xFFFF4000;
	(pc) =	sbr.rel @!p1 .LBB2_4-.Ltmp2, $4  }
0xb4: {  	s21 =	sadd.s32 @!p4 $0x3, s21;
	_ =	strace $0x90000056  }
0xb5: {  	s20 =	sadd.s32 @!p4 s5, s20;
	s23 =	simm.s32 @!p4 $0x0;
	_ =	strace @!p4 $0x80000057  }
0xb6: {  	[hbm4b:s20+s23] =	stream.linear.scatter @!p4 [tilespmem:s22], [sflag:s21], $0xC000, $0x200038;
	[tilespmem:$0x18100] =	vst v63  }
0xb7: {  	_ =	strace @!p4 $0x90000057  }
.Ltmp3:
0xb8: {  	s20 =	simm.s32 $0x1;
	p0 =	por p0, p2;
	(pc) =	sbr.rel .LBB2_2-.Ltmp3, $4  }
0xb9: {  	s21 =	simm.s32 $0x1;
	s14 =	sadd.s32 s18, s14;
	s20 =	simm.s32 @!p3 $0x0  }
0xba: {  	s18 =	simm.s32 $0x1;
	s17 =	sadd.s32 s20, s17;
	s20 =	sadd.s32 @!p4 $0x1, s19  }
0xbb: {  	p1 =	por $0x0, $0x0;
	s21 =	simm.s32 @!p0 $0x0;
	s20 =	smov.u32 @p4 s19  }
0xbc: {  	p0 =	por $0x1, $0x1;
	s16 =	sadd.s32 s21, s16;
	s19 =	smov.u32 s20  }
.LBB2_5:
0xbd: {  	_ =	sfence.sel $0x180000  }
0xbe: {  	[bflag:$0x0] =	sbarrier.arrive $0xFFFF  }
0xbf: {  	p0 =	sne.s32 s3, $0x0;
	_ =	strace $0x90000052  }
0xc0: {  	s0 =	sadd.s32 @!p0 $0x100000, s0;
	[bflag:$0x2] =	sbarrier.arrive $0xFFFF  }
0xc1: {  	[sflag:s0] =	ssyncadd.tile.s32 @!p0 $0x1;
	_ =	shalt  }
.Lfunc_end2:
_tile_overlayer_lowered:
.L_overlay_start_2:
0xc2: {  	(tag) =	ssettag $0x2  }
0xc3: {  	s0 =	rddreg [dreg:$0x0];
	s2 =	stileid.u32  }
0xc4: {  	s1 =	rddreg [dreg:$0x1];
	p0 =	sne.s32 s2, $0x0  }
0xc5: {  	s3 =	rddreg [dreg:$0x2];
	[bflag:$0x3] =	sbarrier.arrive $0xFFFF;
	s2 =	simm.s32 @!p0 $0x1C01  }
0xc6: {  	[timem:s3], [sflag:s2] =	dma.local @!p0 [hbm:s0], s1  }
0xc7: {  	s0 =	simm.s32 @!p0 $0x1  }
0xc8: {  	_ =	swait.ge @!p0 [sflag:s0], s1  }
0xc9: {  	s1 =	ssub.s32 @!p0 $0x0, s1;
	[sflag:s0] =	ssyncset.done @!p0 $0x0  }
0xca: {  	[sflag:s0] =	ssyncadd.s32 @!p0 s1  }
0xcb: {  	[bflag:$0x3] =	sbarrier.arrive $0xFFFF  }
0xcc: {  	_ =	shalt  }

// kernel: kernel.7.cloned.1.call-start
scs
__scs_entry_jumppad:
0x0: {  	(pc) =	sbr.rel $0x88, $3  }
0x1: {  	(tag) =	ssettag $0x0;
	lr =	simm.s32 $0x1  }
0x2: {  	[smem:$0x3F9A] =	sst lr;
	_ =	strace $0xD0000000  }
0x3: {  	_ = 	snop  }
0x4: {  	_ = 	snop  }
0x5: {  	_ = 	snop  }
0x6: {  	_ = 	snop  }
0x7: {  	_ = 	snop  }
__scs_overlays_trampoline_lowered:
0x8: {  	[smem:$0x3FA9] =	sst s0  }
0x9: {  	[smem:$0x3FAA] =	sst s1  }
0xa: {  	[smem:$0x3FAB] =	sst s2  }
0xb: {  	[smem:$0x3FAC] =	sst s3  }
0xc: {  	[smem:$0x3FAD] =	sst s4  }
0xd: {  	[smem:$0x3FAE] =	sst s5  }
0xe: {  	[smem:$0x3FAF] =	sst s6  }
0xf: {  	[smem:$0x3FB0] =	sst s7  }
0x10: {  	[smem:$0x3FB1] =	sst s8  }
0x11: {  	[smem:$0x3FB2] =	sst s9;
	s0 =	simm.s32 @!p0 $0x0  }
0x12: {  	s1 =	sld [smem:$0x3F98];
	s0 =	simm.s32 @p0 $0x1  }
0x13: {  	[smem:$0x3FB3] =	sst s0;
	s0 =	simm.s32 @!p1 $0x0  }
0x14: {  	s2 =	sld [smem:$0x3F97];
	s0 =	simm.s32 @p1 $0x1  }
0x15: {  	[smem:$0x3FB4] =	sst s0;
	s0 =	simm.s32 @!p2 $0x0  }
0x16: {  	s3 =	sld [smem:$0x3FDB];
	s0 =	simm.s32 @p2 $0x1  }
0x17: {  	s4 =	simm.s32 $0x1BF5;
	[smem:$0x3FB6] =	sst s0  }
0x18: {  	s0 =	sld [smem:$0x3F99];
	_ =	swait.ge [sflag:s4], $0x0  }
0x19: {  	s7 =	sld [smem:$0x3F9A]  }
0x1a: {  	s8 =	sadd.s32 $0xFFFFE003, lr  }
0x1b: {  	s9 =	sadd.s32 $0xFFFFFEF7, lr;
	s5 =	simm.s32 $0xFFFFFFFF;
	p2 =	slt.u32 s8, $0xFFFFF086  }
0x1c: {  	p1 =	slt.u32 s9, $0xF7A;
	s5 =	simm.s32 @!p2 $0x0  }
0x1d: {  	s5 =	simm.s32 @p1 $0x1;
	p0 =	seq.s32 s7, s2  }
0x1e: {  	s7 =	smul.u32 @!p0 $0xF7A, s2;
	p2 =	seq.s32 @!p0 s5, $0x0  }
0x1f: {  	s9 =	smul.u32 $0xF7A, s1;
	s8 =	simm.s32 @!p0 $0x1BF5;
	p2 =	por !p2, p0  }
0x20: {  	[sflag:s8] =	ssyncset.s32 @!p0 $0xFFFFF086;
	s6 =	sadd.s32 @!p0 s3, s7;
	s7 =	simm.s32 @!p0 $0x108  }
0x21: {  	s3 =	sadd.s32 s3, s9;
	s6 =	sadd.s32 @!p0 $0x88, s6;
	s7 =	simm.s32 @p2 $0x1082  }
0x22: {  	[simem:s7], [sflag:s8] =	dma.local @!p0 [hbm:s6], $0xF7A  }
0x23: {  	s9 =	sor.u32 $0xD0000000, s2;
	s6 =	simm.s32 $0x108;
	_ =	swait.ge @!p0 [sflag:s8], $0x0  }
0x24: {  	s3 =	sadd.s32 $0x88, s3;
	s6 =	simm.s32 @!p1 $0x1082;
	[sflag:s4] =	ssyncset.s32 $0xFFFFF086  }
0x25: {  	[simem:s6], [sflag:s4] =	dma.local [hbm:s3], $0xF7A  }
0x26: {  	[smem:$0x3F9A] =	sst s1;
	(tag) =	ssettag s2;
	_ =	strace s9  }
0x27: {  	s1 =	sld [smem:$0x3FAA]  }
0x28: {  	s2 =	sld [smem:$0x3FAB]  }
0x29: {  	s4 =	sld [smem:$0x3FAD]  }
0x2a: {  	p0 =	seq.s32 s5, $0x0;
	s5 =	sld [smem:$0x3FAE]  }
0x2b: {  	s6 =	sld [smem:$0x3FAF]  }
0x2c: {  	s7 =	sld [smem:$0x3FB0]  }
0x2d: {  	s3 =	simm.s32 $0x108;
	s8 =	sld [smem:$0x3FB1]  }
0x2e: {  	s3 =	simm.s32 @!p0 $0x1082;
	s9 =	sld [smem:$0x3FB2]  }
0x2f: {  	lr =	sadd.s32 s0, s3;
	s0 =	sld [smem:$0x3FA9]  }
0x30: {  	s3 =	sld [smem:$0x3FAC]  }
0x31: {  	[smem:$0x3FB5] =	sst s10  }
0x32: {  	s10 =	sld [smem:$0x3FB3];
	_ =	sdelay $0x3  }
0x33: {  	p0 =	seq.s32 s10, $0x1;
	s10 =	sld [smem:$0x3FB5];
	_ =	sdelay $0x3  }
0x34: {  	[smem:$0x3FB5] =	sst s10  }
0x35: {  	s10 =	sld [smem:$0x3FB4];
	_ =	sdelay $0x3  }
0x36: {  	p1 =	seq.s32 s10, $0x1;
	s10 =	sld [smem:$0x3FB5];
	_ =	sdelay $0x3  }
0x37: {  	[smem:$0x3FB5] =	sst s10  }
0x38: {  	s10 =	sld [smem:$0x3FB6]  }
0x39: {  	_ = 	snop;
	(pc) =	sbr.ind lr, $3  }
0x3a: {  	_ = 	snop  }
0x3b: {  	_ = 	snop  }
0x3c: {  	p2 =	seq.s32 s10, $0x1;
	s10 =	sld [smem:$0x3FB5]  }
0x3d: {  	_ =	shalt  }
0x3e: {  	_ =	shalt  }
0x3f: {  	_ =	shalt  }
0x40: {  	_ =	shalt  }
0x41: {  	_ =	shalt  }
0x42: {  	_ =	shalt  }
0x43: {  	_ =	shalt  }
0x44: {  	_ =	shalt  }
0x45: {  	_ =	shalt  }
0x46: {  	_ =	shalt  }
0x47: {  	_ =	shalt  }
0x48: {  	_ =	shalt  }
0x49: {  	_ =	shalt  }
0x4a: {  	_ =	shalt  }
0x4b: {  	_ =	shalt  }
0x4c: {  	_ =	shalt  }
0x4d: {  	_ =	shalt  }
0x4e: {  	_ =	shalt  }
0x4f: {  	_ =	shalt  }
0x50: {  	_ =	shalt  }
0x51: {  	_ =	shalt  }
0x52: {  	_ =	shalt  }
0x53: {  	_ =	shalt  }
0x54: {  	_ =	shalt  }
0x55: {  	_ =	shalt  }
0x56: {  	_ =	shalt  }
0x57: {  	_ =	shalt  }
0x58: {  	_ =	shalt  }
0x59: {  	_ =	shalt  }
0x5a: {  	_ =	shalt  }
0x5b: {  	_ =	shalt  }
0x5c: {  	_ =	shalt  }
0x5d: {  	_ =	shalt  }
0x5e: {  	_ =	shalt  }
0x5f: {  	_ =	shalt  }
0x60: {  	_ =	shalt  }
0x61: {  	_ =	shalt  }
0x62: {  	_ =	shalt  }
0x63: {  	_ =	shalt  }
0x64: {  	_ =	shalt  }
0x65: {  	_ =	shalt  }
0x66: {  	_ =	shalt  }
0x67: {  	_ =	shalt  }
0x68: {  	_ =	shalt  }
0x69: {  	_ =	shalt  }
0x6a: {  	_ =	shalt  }
0x6b: {  	_ =	shalt  }
0x6c: {  	_ =	shalt  }
0x6d: {  	_ =	shalt  }
0x6e: {  	_ =	shalt  }
0x6f: {  	_ =	shalt  }
0x70: {  	_ =	shalt  }
0x71: {  	_ =	shalt  }
0x72: {  	_ =	shalt  }
0x73: {  	_ =	shalt  }
0x74: {  	_ =	shalt  }
0x75: {  	_ =	shalt  }
0x76: {  	_ =	shalt  }
0x77: {  	_ =	shalt  }
0x78: {  	_ =	shalt  }
0x79: {  	_ =	shalt  }
0x7a: {  	_ =	shalt  }
0x7b: {  	_ =	shalt  }
0x7c: {  	_ =	shalt  }
0x7d: {  	_ =	shalt  }
0x7e: {  	_ =	shalt  }
0x7f: {  	_ =	shalt  }
0x80: {  	_ =	shalt  }
0x81: {  	_ =	shalt  }
0x82: {  	_ =	shalt  }
0x83: {  	_ =	shalt  }
0x84: {  	_ =	shalt  }
0x85: {  	_ =	shalt  }
0x86: {  	_ =	shalt  }
0x87: {  	_ =	shalt  }
.Lfunc_end0:
.L_simem_size_0:
called_computation_lowered:
.L_overlay_start_0:
0x88: {  	s2 =	sld [smem:$0x3FD9]  }
0x89: {  	s3 =	sld [smem:$0x3FFE];
	_ =	sdelay $0x1  }
0x8a: {  	s1 =	srdreg.scid  }
0x8b: {  	s0 =	sand.u32 $0x1, s1  }
0x8c: {  	s14 =	sshll.u32 s0, $0xA;
	s2 =	sadd.s32 s3, s2  }
0x8d: {  	s2 =	sadd.s32 s2, s14  }
0x8e: {  	[smem:$0x3FC1] =	sst s2  }
0x8f: {  	_ = 	snop  }
0x90: {  	s2 =	sld [smem:$0x3FD0];
	_ =	sdelay $0x2  }
0x91: {  	s4 =	simm.s32 $0xA;
	s5 =	simm.s32 $0x10;
	s15 =	sld [smem:$0x3FC9]  }
0x92: {  	[smem:s5], [sflag:s4] =	dma.local [hbm:s2], $0x1  }
0x93: {  	_ =	swait.eq [sflag:s4], $0x1  }
0x94: {  	[sflag:s4] =	ssyncset.done $0x0  }
0x95: {  	[sflag:s4] =	ssyncadd.s32 $0xFFFFFFFF  }
0x96: {  	s16 =	sld [smem:$0x10];
	(tm) =	ssettm $0x1  }
0x97: {  	s17 =	sld [smem:$0x3FFB];
	_ =	sdelay $0x3  }
0x98: {  	_ =	strace s17  }
0x99: {  	s4 =	sld [smem:$0x3FFC];
	_ =	sdelay $0x3  }
0x9a: {  	_ =	strace s4  }
0x9b: {  	s4 =	sld [smem:$0x3FFD];
	_ =	sdelay $0x3  }
0x9c: {  	_ =	strace s4  }
0x9d: {  	_ =	strace $0x8FFFFFFF  }
0x9e: {  	s18 =	sld [smem:$0x3FDB];
	_ =	sdelay $0x1  }
0x9f: {  	s19 =	simm.s32 $_scs_section_size  }
0xa0: {  	s6 =	simm.s32 $_size__tile_overlayer_lowered;
	s7 =	simm.s32 $_tile_overlayer_lowered  }
0xa1: {  	s22 =	simm.s32 $0x1BFF;
	s21 =	sshll.u32 s7, $0x1;
	s4 =	sadd.s32 s19, s18  }
0xa2: {  	s8 =	simm.s32 $0x0;
	s20 =	sshll.u32 s6, $0x1;
	s6 =	sadd.s32 s21, s4  }
0xa3: {  	[timem:s8], [sflag:s22] =	dma.local [hbm:s6], s20  }
0xa4: {  	_ =	swait.ge [sflag:s22], s20  }
0xa5: {  	s5 =	ssub.s32 $0x0, s20;
	[sflag:s22] =	ssyncset.done $0x0  }
0xa6: {  	[sflag:s22] =	ssyncadd.s32 s5;
	_ =	sdelay $0x1  }
0xa7: {  	s23 =	simm.s32 $0x1B8B  }
0xa8: {  	_ =	swait.ge [sflag:s23], $0x1  }
0xa9: {  	[sflag:s23] =	ssyncset.done $0x0  }
0xaa: {  	s25 =	simm.s32 $0x1B8E;
	s24 =	sld [smem:$0x3FFE];
	[sflag:s23] =	ssyncadd.s32 $0xFFFFFFFF  }
0xab: {  	s26 =	simm.s32 $execute0_lowered;
	[smem:$0x3FD2] =	sst s25  }
0xac: {  	s6 =	sshll.u32 s26, $0x1;
	_ =	strace $0x80000046;
	[dreg:$0x1] =	wrdreg $0xFFFFFFFF  }
0xad: {  	s28 =	simm.s32 $_size_execute0_lowered;
	s4 =	sadd.s32 s4, s6;
	[dreg:$0x0] =	wrdreg $0x0  }
0xae: {  	s6 =	sshll.u32 s28, $0x1;
	[dreg:$0x2] =	wrdreg s4  }
0xaf: {  	[dreg:$0x3] =	wrdreg s6  }
0xb0: {  	[dreg:$0x4] =	wrdreg $0xC0  }
0xb1: {  	_ =	task [dreg:s8], $0x5FFFF  }
0xb2: {  	[dreg:$0x1] =	wrdreg $0xFFFFFFFF  }
0xb3: {  	[dreg:$0x0] =	wrdreg $0x60  }
0xb4: {  	[dreg:$0x2] =	wrdreg s15  }
0xb5: {  	[dreg:$0x3] =	wrdreg s16  }
0xb6: {  	[dreg:$0x4] =	wrdreg s24  }
0xb7: {  	[dreg:$0x5] =	wrdreg $0x9  }
0xb8: {  	_ =	task.clear_ibuf [dreg:s8], $0x6FFFF;
	_ =	strace $0x90000046  }
0xb9: {  	s29 =	simm.s32 $0x9;
	_ =	strace $0x80000050  }
0xba: {  	_ =	swait.ge [sflag:s29], $0x1  }
0xbb: {  	[sflag:s29] =	ssyncadd.s32 $0xFFFFFFFF  }
0xbc: {  	_ =	strace $0x90000050  }
0xbd: {  	_ =	sfence  }
0xbe: {  	s30 =	sld [smem:$0x0];
	_ =	sdelay $0x2  }
0xbf: {  	s31 =	sshll.u32 s1, $0xD;
	s1 =	sshrl.u32 s1, $0x2  }
0xc0: {  	s3 =	sand.u32 $0x4000, s31;
	s1 =	sadd.s32 s1, s30  }
0xc1: {  	s0 =	sor.u32 s3, s0;
	s1 =	sshll.u32 s1, $0x11  }
0xc2: {  	s0 =	sor.u32 s1, s0  }
0xc3: {  	s0 =	sadd.s32 $0x8F2B, s0  }
0xc4: {  	[sflag:s0] =	ssyncadd.remote.s32 $0x1  }
0xc5: {  	_ =	sfence.sel $0xFFFF  }
0xc6: {  	[dreg:$0x0] =	wrdreg $0xFFFFFFFF;
	(pc) =	sbr.abs _section_cstart, $3  }
0xc7: {  	[dreg:$0x1] =	wrdreg $0xFFFFFFFF  }
0xc8: {  	_ =	task.clear_ibuf [dreg:s8], $0x2FFFF;
	_ =	strace $0x9FFFFFFF  }
0xc9: {  	(tm) =	ssettm $0x7FFFFFFF  }
tec
execute0_lowered:
.L_overlay_start_1:
0x0: {  	(tag) =	ssettag $0x1  }
0x1: {  	s0 =	srdreg.scid  }
0x2: {  	s0 =	sand.u32 $0x1, s0  }
0x3: {  	p0 =	seq.s32 s0, $0x1  }
.Ltmp0:
0x4: {  	_ = 	snop;
	(pc) =	sbr.rel @p0 .LBB2_3-.Ltmp0, $4  }
0x5: {  	_ = 	snop  }
0x6: {  	s3 =	simm.s32 $0x0  }
0x7: {  	[smem:$0x7FF] =	sst s3  }
0x8: {  	s1 =	rddreg [dreg:$0x2];
	_ =	strace $0x80000047  }
0x9: {  	s2 =	sshll.u32 s0, $0x4;
	s4 =	stileid.u32  }
0xa: {  	s6 =	sadd.s32 $0x1200, s1;
	s5 =	rddreg [dreg:$0x0];
	s24 =	simm.s32 $0xC00  }
0xb: {  	s7 =	simm.s32 $0x1800;
	p0 =	seq.s32 s0, $0x0;
	s28 =	simm.s32 $0x18000  }
0xc: {  	s0 =	simm.s32 $0x1;
	s29 =	simm.s32 $0x18100;
	s2 =	sor.u32 s4, s2  }
0xd: {  	s31 =	simm.s32 $0xC000;
	s8 =	sadd.s32 $0x1300, s1;
	s4 =	smin.u32 s2, $0x10  }
0xe: {  	s10 =	simm.s32 $0x0;
	s2 =	smul.u32 $0x3000, s4;
	[dreg:$0x5] =	wrdreg s4  }
0xf: {  	s11 =	simm.s32 $0x0;
	s30 =	simm.s32 $0x0;
	_ =	strace $0x80000048  }
0x10: {  	s4 =	sshll.u32 s4, $0x5;
	s2 =	sadd.s32 s5, s2;
	s25 =	rddreg [dreg:$0x1]  }
0x11: {  	[tilespmem:s3], [sflag:$0x1] =	stream.strided.gather [hbm4b:s2+s24], $0xC000, s7, s24, $0x200038;
	[tilespmem:$0x18200] =	vst v63  }
0x12: {  	s15 =	simm.s32 $0x1;
	s26 =	sadd.s32 s25, s4;
	s4 =	simm.s32 $0x1  }
0x13: {  	[tilespmem:s28], [sflag:$0x3] =	stream.linear.gather [hbm4b:s26+s3], $0x80, $0x200038;
	[tilespmem:$0x18200] =	vst v63  }
0x14: {  	s14 =	simm.s32 $0x0;
	s2 =	sadd.s32 $0x200, s26;
	s4 =	simm.s32 @!p0 $0xFFFFFFFF  }
0x15: {  	v2 =	vlaneseq.u32;
	[tilespmem:s29], [sflag:$0x5] =	stream.linear.gather [hbm4b:s2+s3], $0x80, $0x200038;
	[tilespmem:$0x18200] =	vst v63  }
0x16: {  	vm0 =	vmmov $0xffff;
	vm1 =	vmmov $0xff;
	s13 =	simm.s32 $0x0;
	v1 =	vshrl.u32 v2, $0x3;
	_ =	strace $0x90000048;
	[dreg:$0x6] =	wrdreg s4  }
0x17: {  	s1 =	simm.s32 $0x1;
	s16 =	simm.s32 $0x0;
	v0 =	vand.u32 $0x7, v2;
	v2 =	vor.u32 $0x8, v2;
	v1 =	vmul.u32 $0x8, v1;
	[dreg:$0x4] =	wrdreg s31  }
.LBB2_2:
0x18: {  	s2 =	smov.u32 s10;
	s10 =	sadd.s32 $0x1, s10  }
0x19: {  	s4 =	simm.s32 $0x1;
	p0 =	seq.s32 s10, $0x2  }
0x1a: {  	s4 =	simm.s32 @!p0 $0x0  }
0x1b: {  	s5 =	smov.u32 s11;
	s11 =	sadd.s32 s4, s11  }
0x1c: {  	p1 =	seq.s32 s11, $0x1  }
0x1d: {  	[dreg:$0x8] =	wrdreg s13;
	s10 =	simm.s32 @p0 $0x0;
	s11 =	simm.s32 @p1 $0x0  }
0x1e: {  	s25 =	rddreg [dreg:$0x6];
	p5 =	sne.s32 s2, s10;
	p4 =	sne.s32 s5, s11  }
0x1f: {  	[dreg:$0x7] =	wrdreg s15;
	p1 =	sge.s32 s16, s25;
	p0 =	por p5, p4  }
0x20: {  	s2 =	rddreg [dreg:$0x5];
	p2 =	por !p0, p1  }
0x21: {  	s5 =	smov.u32 s1;
	s2 =	sadd.s32 @!p2 s2, s11;
	s4 =	smul.u32 @!p2 $0xC00, s10  }
0x22: {  	[dreg:$0x9] =	wrdreg s5;
	s5 =	sand.u32 @!p2 $0x1, s5;
	s1 =	smul.u32 @!p2 $0x18000, s2  }
0x23: {  	_ =	strace @!p2 $0x80000049;
	s7 =	smul.u32 @!p2 $0x30000, s5  }
0x24: {  	s9 =	simm.s32 @!p2 $0x1800;
	s5 =	sadd.s32 @!p2 $0x1, s5;
	s1 =	sadd.s32 @!p2 s4, s1  }
0x25: {  	s4 =	sshrl.u32 @!p2 s7, $0x2;
	s7 =	rddreg [dreg:$0x0];
	s1 =	sshrl.u32 @!p2 s1, $0x3  }
0x26: {  	s2 =	sshll.u32 @!p2 s2, $0x8;
	s1 =	sadd.s32 @!p2 s7, s1;
	s7 =	simm.s32 @!p2 $0xC00  }
0x27: {  	[tilespmem:s4], [sflag:s5] =	stream.strided.gather @!p2 [hbm4b:s1+s7], $0xC000, s9, s7, $0x200038;
	[tilespmem:$0x18200] =	vst v63  }
0x28: {  	s1 =	sshll.u32 @!p2 s10, $0xC;
	s5 =	smov.u32 s0;
	s4 =	sshll.u32 @!p2 s10, $0x7  }
0x29: {  	s9 =	simm.s32 @!p2 $0x0;
	[dreg:$0xa] =	wrdreg s5;
	s0 =	sand.u32 @!p2 $0xFFFFE000, s1  }
0x2a: {  	s4 =	sand.u32 @!p2 $0x80, s4;
	s0 =	sadd.s32 @!p2 s0, s2;
	_ =	strace @!p2 $0x90000049  }
0x2b: {  	s5 =	sand.u32 @!p2 $0x1, s5;
	s0 =	sor.u32 @!p2 s4, s0;
	_ =	strace @!p2 $0x8000004A  }
0x2c: {  	s7 =	sshll.u32 @!p2 s5, $0x7;
	s0 =	sshrl.u32 @!p2 s0, $0x3;
	s12 =	rddreg [dreg:$0x1]  }
0x2d: {  	s5 =	sadd.s32 @!p2 $0x3, s5;
	s7 =	sor.u32 @!p2 $0x18000, s7;
	s0 =	sadd.s32 @!p2 s12, s0  }
0x2e: {  	[tilespmem:s7], [sflag:s5] =	stream.linear.gather @!p2 [hbm4b:s0+s9], $0x80, $0x200038;
	[tilespmem:$0x18200] =	vst v63  }
0x2f: {  	s0 =	sor.u32 @!p2 s4, s1  }
0x30: {  	s0 =	sor.u32 @!p2 $0x1000, s0  }
0x31: {  	s1 =	sand.u32 @!p2 $0x1, s15;
	_ =	strace @!p2 $0x9000004A;
	s0 =	sadd.s32 @!p2 s2, s0  }
0x32: {  	_ =	strace @!p2 $0x8000004B;
	s2 =	sshll.u32 @!p2 s1, $0x7;
	s0 =	sshrl.u32 @!p2 s0, $0x3  }
0x33: {  	s1 =	sadd.s32 @!p2 $0x5, s1;
	s2 =	sor.u32 @!p2 $0x18100, s2;
	s0 =	sadd.s32 @!p2 s12, s0  }
0x34: {  	[tilespmem:s2], [sflag:s1] =	stream.linear.gather @!p2 [hbm4b:s0+s9], $0x80, $0x200038;
	[tilespmem:$0x18200] =	vst v63  }
0x35: {  	s26 =	sand.u32 $0x1, s13;
	_ =	strace @!p2 $0x9000004B  }
0x36: {  	s28 =	sadd.s32 $0x1, s26;
	_ =	strace $0x8000004C  }
0x37: {  	_ =	swait.ge [sflag:s28], $0xC000  }
0x38: {  	[sflag:s28] =	ssyncset.done $0x0  }
0x39: {  	[sflag:s28] =	ssyncadd.s32 $0xFFFF4000  }
0x3a: {  	s29 =	sand.u32 $0x1, s14;
	_ =	strace $0x9000004C  }
0x3b: {  	s1 =	sadd.s32 $0x3, s29;
	_ =	strace $0x8000004D  }
0x3c: {  	_ =	swait.ge [sflag:s1], $0x80  }
0x3d: {  	[sflag:s1] =	ssyncset.done $0x0  }
0x3e: {  	[sflag:s1] =	ssyncadd.s32 $0xFFFFFF80  }
0x3f: {  	s31 =	sand.u32 $0x1, s30;
	_ =	strace $0x9000004D  }
0x40: {  	s1 =	sadd.s32 $0x5, s31;
	_ =	strace $0x8000004E  }
0x41: {  	_ =	swait.ge [sflag:s1], $0x80  }
0x42: {  	[sflag:s1] =	ssyncset.done $0x0  }
0x43: {  	[sflag:s1] =	ssyncadd.s32 $0xFFFFFF80  }
0x44: {  	s2 =	sshll.u32 s14, $0x7;
	_ =	strace $0x9000004E  }
0x45: {  	s4 =	sand.u32 $0x80, s2;
	_ =	strace $0x8000004F  }
0x46: {  	v3 =	vld [tilespmem:s4+$0x18000];
	_ =	sdelay $0x4  }
0x47: {  	v4 =	vshrl.u32 v3, $0x3  }
0x48: {  	v4 =	vmul.u32 $0x18, v4  }
0x49: {  	v3 =	vand.u32 $0x7, v3  }
0x4a: {  	v3 =	vor.u32 v3, v4  }
0x4b: {  	v4 =	vperm.xlane v3, v0;
	_ =	sdelay $0x1  }
0x4c: {  	v4 =	vadd.s32 v1, v4;
	_ =	sdelay $0x1  }
0x4d: {  	v3 =	vperm.xlane v3, v2  }
0x4e: {  	p3 =	seq.s32 s26, $0x1;
	s19 =	rddreg [dreg:$0x4]  }
0x4f: {  	s19 =	simm.s32 @!p3 $0x0;
	v3 =	vadd.s32 v1, v3  }
0x50: {  	[hbm4b:s6+s3] =	stream.indirect_vreg.scatter [tilespmem:s19], [sflag:$0x7], $0x80, v4, vm0, $0x2000b8;
	[tilespmem:$0x18200] =	vst v63  }
0x51: {  	s17 =	sor.u32 $0x800, s19  }
0x52: {  	[hbm4b:s8+s3] =	stream.indirect_vreg.scatter [tilespmem:s17], [sflag:$0x7], $0x80, v4, vm1, $0x2000b8;
	[tilespmem:$0x18200] =	vst v63  }
0x53: {  	s18 =	sor.u32 $0xC00, s19  }
0x54: {  	[hbm4b:s6+s3] =	stream.indirect_vreg.scatter [tilespmem:s18], [sflag:$0x7], $0x80, v3, vm0, $0x2000b8;
	[tilespmem:$0x18200] =	vst v63  }
0x55: {  	s20 =	sor.u32 $0x1400, s19  }
0x56: {  	[hbm4b:s8+s3] =	stream.indirect_vreg.scatter [tilespmem:s20], [sflag:$0x7], $0x80, v3, vm1, $0x2000b8;
	[tilespmem:$0x18200] =	vst v63  }
0x57: {  	v3 =	vld [tilespmem:s4+$0x18010];
	_ =	sdelay $0x4  }
0x58: {  	v49 =	vshrl.u32 v3, $0x3  }
0x59: {  	v4 =	vmul.u32 $0x18, v49  }
0x5a: {  	v3 =	vand.u32 $0x7, v3  }
0x5b: {  	v3 =	vor.u32 v3, v4  }
0x5c: {  	v4 =	vperm.xlane v3, v0;
	_ =	sdelay $0x1  }
0x5d: {  	v4 =	vadd.s32 v1, v4;
	_ =	sdelay $0x1  }
0x5e: {  	v3 =	vperm.xlane v3, v2;
	_ =	sdelay $0x1  }
0x5f: {  	s21 =	sor.u32 $0x1800, s19;
	v3 =	vadd.s32 v1, v3  }
0x60: {  	[hbm4b:s6+s3] =	stream.indirect_vreg.scatter [tilespmem:s21], [sflag:$0x7], $0x80, v4, vm0, $0x2000b8;
	[tilespmem:$0x18200] =	vst v63  }
0x61: {  	s22 =	sor.u32 $0x2000, s19  }
0x62: {  	[hbm4b:s8+s3] =	stream.indirect_vreg.scatter [tilespmem:s22], [sflag:$0x7], $0x80, v4, vm1, $0x2000b8;
	[tilespmem:$0x18200] =	vst v63  }
0x63: {  	s23 =	sor.u32 $0x2400, s19  }
0x64: {  	[hbm4b:s6+s3] =	stream.indirect_vreg.scatter [tilespmem:s23], [sflag:$0x7], $0x80, v3, vm0, $0x2000b8;
	[tilespmem:$0x18200] =	vst v63  }
0x65: {  	s24 =	sor.u32 $0x2C00, s19  }
0x66: {  	[hbm4b:s8+s3] =	stream.indirect_vreg.scatter [tilespmem:s24], [sflag:$0x7], $0x80, v3, vm1, $0x2000b8;
	[tilespmem:$0x18200] =	vst v63  }
0x67: {  	v3 =	vld [tilespmem:s4+$0x18020];
	_ =	sdelay $0x4  }
0x68: {  	v50 =	vshrl.u32 v3, $0x3  }
0x69: {  	v4 =	vmul.u32 $0x18, v50  }
0x6a: {  	v3 =	vand.u32 $0x7, v3  }
0x6b: {  	v3 =	vor.u32 v3, v4  }
0x6c: {  	v4 =	vperm.xlane v3, v0;
	_ =	sdelay $0x1  }
0x6d: {  	v4 =	vadd.s32 v1, v4;
	_ =	sdelay $0x1  }
0x6e: {  	v3 =	vperm.xlane v3, v2;
	_ =	sdelay $0x1  }
0x6f: {  	s25 =	sor.u32 $0x3000, s19;
	v3 =	vadd.s32 v1, v3  }
0x70: {  	[hbm4b:s6+s3] =	stream.indirect_vreg.scatter [tilespmem:s25], [sflag:$0x7], $0x80, v4, vm0, $0x2000b8;
	[tilespmem:$0x18200] =	vst v63  }
0x71: {  	s26 =	sor.u32 $0x3800, s19  }
0x72: {  	[hbm4b:s8+s3] =	stream.indirect_vreg.scatter [tilespmem:s26], [sflag:$0x7], $0x80, v4, vm1, $0x2000b8;
	[tilespmem:$0x18200] =	vst v63  }
0x73: {  	s28 =	sor.u32 $0x3C00, s19  }
0x74: {  	[hbm4b:s6+s3] =	stream.indirect_vreg.scatter [tilespmem:s28], [sflag:$0x7], $0x80, v3, vm0, $0x2000b8;
	[tilespmem:$0x18200] =	vst v63  }
0x75: {  	s31 =	sadd.s32 $0x4400, s19  }
0x76: {  	[hbm4b:s8+s3] =	stream.indirect_vreg.scatter [tilespmem:s31], [sflag:$0x7], $0x80, v3, vm1, $0x2000b8;
	[tilespmem:$0x18200] =	vst v63  }
0x77: {  	v3 =	vld [tilespmem:s4+$0x18030];
	_ =	sdelay $0x4  }
0x78: {  	v51 =	vshrl.u32 v3, $0x3  }
0x79: {  	v4 =	vmul.u32 $0x18, v51  }
0x7a: {  	v3 =	vand.u32 $0x7, v3  }
0x7b: {  	v3 =	vor.u32 v3, v4  }
0x7c: {  	v4 =	vperm.xlane v3, v0;
	_ =	sdelay $0x1  }
0x7d: {  	v4 =	vadd.s32 v1, v4;
	_ =	sdelay $0x1  }
0x7e: {  	v3 =	vperm.xlane v3, v2;
	_ =	sdelay $0x1  }
0x7f: {  	s29 =	sadd.s32 $0x4800, s19;
	v3 =	vadd.s32 v1, v3  }
0x80: {  	[hbm4b:s6+s3] =	stream.indirect_vreg.scatter [tilespmem:s29], [sflag:$0x7], $0x80, v4, vm0, $0x2000b8;
	[tilespmem:$0x18200] =	vst v63  }
0x81: {  	[dreg:$0xe] =	wrdreg s21;
	s21 =	sadd.s32 $0x5000, s19  }
0x82: {  	[hbm4b:s8+s3] =	stream.indirect_vreg.scatter [tilespmem:s21], [sflag:$0x7], $0x80, v4, vm1, $0x2000b8;
	[tilespmem:$0x18200] =	vst v63  }
0x83: {  	s1 =	sadd.s32 $0x5400, s19  }
0x84: {  	[hbm4b:s6+s3] =	stream.indirect_vreg.scatter [tilespmem:s1], [sflag:$0x7], $0x80, v3, vm0, $0x2000b8;
	[tilespmem:$0x18200] =	vst v63  }
0x85: {  	s2 =	sadd.s32 $0x5C00, s19  }
0x86: {  	[hbm4b:s8+s3] =	stream.indirect_vreg.scatter [tilespmem:s2], [sflag:$0x7], $0x80, v3, vm1, $0x2000b8;
	[tilespmem:$0x18200] =	vst v63  }
0x87: {  	v3 =	vld [tilespmem:s4+$0x18040];
	_ =	sdelay $0x4  }
0x88: {  	v52 =	vshrl.u32 v3, $0x3  }
0x89: {  	v4 =	vmul.u32 $0x18, v52  }
0x8a: {  	v3 =	vand.u32 $0x7, v3  }
0x8b: {  	v3 =	vor.u32 v3, v4  }
0x8c: {  	v4 =	vperm.xlane v3, v0;
	_ =	sdelay $0x1  }
0x8d: {  	v4 =	vadd.s32 v1, v4;
	_ =	sdelay $0x1  }
0x8e: {  	v3 =	vperm.xlane v3, v2;
	_ =	sdelay $0x1  }
0x8f: {  	s5 =	sadd.s32 $0x6000, s19;
	v3 =	vadd.s32 v1, v3  }
0x90: {  	[hbm4b:s6+s3] =	stream.indirect_vreg.scatter [tilespmem:s5], [sflag:$0x7], $0x80, v4, vm0, $0x2000b8;
	[tilespmem:$0x18200] =	vst v63  }
0x91: {  	s7 =	sadd.s32 $0x6800, s19  }
0x92: {  	[hbm4b:s8+s3] =	stream.indirect_vreg.scatter [tilespmem:s7], [sflag:$0x7], $0x80, v4, vm1, $0x2000b8;
	[tilespmem:$0x18200] =	vst v63  }
0x93: {  	s9 =	sadd.s32 $0x6C00, s19  }
0x94: {  	[hbm4b:s6+s3] =	stream.indirect_vreg.scatter [tilespmem:s9], [sflag:$0x7], $0x80, v3, vm0, $0x2000b8;
	[tilespmem:$0x18200] =	vst v63  }
0x95: {  	[dreg:$0xb] =	wrdreg s17;
	s17 =	sadd.s32 $0x7400, s19  }
0x96: {  	[hbm4b:s8+s3] =	stream.indirect_vreg.scatter [tilespmem:s17], [sflag:$0x7], $0x80, v3, vm1, $0x2000b8;
	[tilespmem:$0x18200] =	vst v63  }
0x97: {  	v3 =	vld [tilespmem:s4+$0x18050];
	_ =	sdelay $0x4  }
0x98: {  	v53 =	vshrl.u32 v3, $0x3  }
0x99: {  	v4 =	vmul.u32 $0x18, v53  }
0x9a: {  	v3 =	vand.u32 $0x7, v3  }
0x9b: {  	v3 =	vor.u32 v3, v4  }
0x9c: {  	v4 =	vperm.xlane v3, v0;
	_ =	sdelay $0x1  }
0x9d: {  	v4 =	vadd.s32 v1, v4;
	_ =	sdelay $0x1  }
0x9e: {  	v3 =	vperm.xlane v3, v2;
	_ =	sdelay $0x1  }
0x9f: {  	[dreg:$0xc] =	wrdreg s18;
	s18 =	sadd.s32 $0x7800, s19;
	v3 =	vadd.s32 v1, v3  }
0xa0: {  	[hbm4b:s6+s3] =	stream.indirect_vreg.scatter [tilespmem:s18], [sflag:$0x7], $0x80, v4, vm0, $0x2000b8;
	[tilespmem:$0x18200] =	vst v63  }
0xa1: {  	s15 =	sadd.s32 $0x8000, s19  }
0xa2: {  	[hbm4b:s8+s3] =	stream.indirect_vreg.scatter [tilespmem:s15], [sflag:$0x7], $0x80, v4, vm1, $0x2000b8;
	[tilespmem:$0x18200] =	vst v63  }
0xa3: {  	[dreg:$0xd] =	wrdreg s20;
	s20 =	sadd.s32 $0x8400, s19  }
0xa4: {  	[hbm4b:s6+s3] =	stream.indirect_vreg.scatter [tilespmem:s20], [sflag:$0x7], $0x80, v3, vm0, $0x2000b8;
	[tilespmem:$0x18200] =	vst v63  }
0xa5: {  	s0 =	sadd.s32 $0x8C00, s19  }
0xa6: {  	[hbm4b:s8+s3] =	stream.indirect_vreg.scatter [tilespmem:s0], [sflag:$0x7], $0x80, v3, vm1, $0x2000b8;
	[tilespmem:$0x18200] =	vst v63  }
0xa7: {  	v3 =	vld [tilespmem:s4+$0x18060];
	_ =	sdelay $0x4  }
0xa8: {  	v54 =	vshrl.u32 v3, $0x3  }
0xa9: {  	v4 =	vmul.u32 $0x18, v54  }
0xaa: {  	v3 =	vand.u32 $0x7, v3  }
0xab: {  	v3 =	vor.u32 v3, v4  }
0xac: {  	v4 =	vperm.xlane v3, v0;
	_ =	sdelay $0x1  }
0xad: {  	v4 =	vadd.s32 v1, v4;
	_ =	sdelay $0x1  }
0xae: {  	v3 =	vperm.xlane v3, v2;
	_ =	sdelay $0x1  }
0xaf: {  	s12 =	sadd.s32 $0x9000, s19;
	v3 =	vadd.s32 v1, v3  }
0xb0: {  	[hbm4b:s6+s3] =	stream.indirect_vreg.scatter [tilespmem:s12], [sflag:$0x7], $0x80, v4, vm0, $0x2000b8;
	[tilespmem:$0x18200] =	vst v63  }
0xb1: {  	[dreg:$0xf] =	wrdreg s22;
	s22 =	sadd.s32 $0x9800, s19  }
0xb2: {  	[hbm4b:s8+s3] =	stream.indirect_vreg.scatter [tilespmem:s22], [sflag:$0x7], $0x80, v4, vm1, $0x2000b8;
	[tilespmem:$0x18200] =	vst v63  }
0xb3: {  	[dreg:$0x10] =	wrdreg s23;
	s23 =	sadd.s32 $0x9C00, s19  }
0xb4: {  	[hbm4b:s6+s3] =	stream.indirect_vreg.scatter [tilespmem:s23], [sflag:$0x7], $0x80, v3, vm0, $0x2000b8;
	[tilespmem:$0x18200] =	vst v63  }
0xb5: {  	[dreg:$0x11] =	wrdreg s24;
	s24 =	sadd.s32 $0xA400, s19  }
0xb6: {  	[hbm4b:s8+s3] =	stream.indirect_vreg.scatter [tilespmem:s24], [sflag:$0x7], $0x80, v3, vm1, $0x2000b8;
	[tilespmem:$0x18200] =	vst v63  }
0xb7: {  	v3 =	vld [tilespmem:s4+$0x18070];
	_ =	sdelay $0x4  }
0xb8: {  	v55 =	vshrl.u32 v3, $0x3  }
0xb9: {  	v4 =	vmul.u32 $0x18, v55  }
0xba: {  	v3 =	vand.u32 $0x7, v3  }
0xbb: {  	v3 =	vor.u32 v3, v4  }
0xbc: {  	v4 =	vperm.xlane v3, v0;
	_ =	sdelay $0x1  }
0xbd: {  	v4 =	vadd.s32 v1, v4;
	_ =	sdelay $0x1  }
0xbe: {  	v3 =	vperm.xlane v3, v2;
	_ =	sdelay $0x1  }
0xbf: {  	[dreg:$0x12] =	wrdreg s25;
	s25 =	sadd.s32 $0xA800, s19;
	v3 =	vadd.s32 v1, v3  }
0xc0: {  	[hbm4b:s6+s3] =	stream.indirect_vreg.scatter [tilespmem:s25], [sflag:$0x7], $0x80, v4, vm0, $0x2000b8;
	[tilespmem:$0x18200] =	vst v63  }
0xc1: {  	[dreg:$0x13] =	wrdreg s26;
	s26 =	sadd.s32 $0xB000, s19  }
0xc2: {  	[hbm4b:s8+s3] =	stream.indirect_vreg.scatter [tilespmem:s26], [sflag:$0x7], $0x80, v4, vm1, $0x2000b8;
	[tilespmem:$0x18200] =	vst v63  }
0xc3: {  	[dreg:$0x14] =	wrdreg s28;
	s28 =	sadd.s32 $0xB400, s19  }
0xc4: {  	[hbm4b:s6+s3] =	stream.indirect_vreg.scatter [tilespmem:s28], [sflag:$0x7], $0x80, v3, vm0, $0x2000b8;
	[tilespmem:$0x18200] =	vst v63  }
0xc5: {  	s13 =	sadd.s32 $0xBC00, s19;
	[dreg:$0x15] =	wrdreg s29;
	s4 =	simm.s32 $0x7  }
0xc6: {  	[hbm4b:s8+s3] =	stream.indirect_vreg.scatter [tilespmem:s13], [sflag:$0x7], $0x80, v3, vm1, $0x2000b8;
	[tilespmem:$0x18200] =	vst v63  }
0xc7: {  	_ =	swait.ge [sflag:s4], $0xC000  }
0xc8: {  	s29 =	sshll.u32 s30, $0x7;
	[sflag:s4] =	ssyncset.done $0x0  }
0xc9: {  	s29 =	sand.u32 $0x80, s29;
	[sflag:s4] =	ssyncadd.s32 $0xFFFF4000  }
0xca: {  	v3 =	vld [tilespmem:s29+$0x18100];
	_ =	sdelay $0x4  }
0xcb: {  	v56 =	vshrl.u32 v3, $0x3  }
0xcc: {  	v4 =	vmul.u32 $0x18, v56  }
0xcd: {  	v3 =	vand.u32 $0x7, v3  }
0xce: {  	v3 =	vor.u32 v3, v4  }
0xcf: {  	v4 =	vperm.xlane v3, v0;
	_ =	sdelay $0x1  }
0xd0: {  	v4 =	vadd.s32 v1, v4;
	_ =	sdelay $0x1  }
0xd1: {  	v3 =	vperm.xlane v3, v2;
	_ =	sdelay $0x1  }
0xd2: {  	v3 =	vadd.s32 v1, v3  }
0xd3: {  	[hbm4b:s6+s3] =	stream.indirect_vreg.scatter [tilespmem:s19], [sflag:$0x7], $0x80, v4, vm0, $0x2000b8;
	[tilespmem:$0x18200] =	vst v63  }
0xd4: {  	s19 =	rddreg [dreg:$0xb]  }
0xd5: {  	[hbm4b:s8+s3] =	stream.indirect_vreg.scatter [tilespmem:s19], [sflag:$0x7], $0x80, v4, vm1, $0x2000b8;
	[tilespmem:$0x18200] =	vst v63  }
0xd6: {  	s19 =	rddreg [dreg:$0xc]  }
0xd7: {  	[hbm4b:s6+s3] =	stream.indirect_vreg.scatter [tilespmem:s19], [sflag:$0x7], $0x80, v3, vm0, $0x2000b8;
	[tilespmem:$0x18200] =	vst v63  }
0xd8: {  	s19 =	rddreg [dreg:$0xd]  }
0xd9: {  	[hbm4b:s8+s3] =	stream.indirect_vreg.scatter [tilespmem:s19], [sflag:$0x7], $0x80, v3, vm1, $0x2000b8;
	[tilespmem:$0x18200] =	vst v63  }
0xda: {  	v3 =	vld [tilespmem:s29+$0x18110];
	_ =	sdelay $0x4  }
0xdb: {  	v57 =	vshrl.u32 v3, $0x3  }
0xdc: {  	v4 =	vmul.u32 $0x18, v57  }
0xdd: {  	v3 =	vand.u32 $0x7, v3  }
0xde: {  	v3 =	vor.u32 v3, v4  }
0xdf: {  	v4 =	vperm.xlane v3, v0;
	_ =	sdelay $0x1  }
0xe0: {  	v4 =	vadd.s32 v1, v4;
	_ =	sdelay $0x1  }
0xe1: {  	v3 =	vperm.xlane v3, v2;
	_ =	sdelay $0x1  }
0xe2: {  	s19 =	rddreg [dreg:$0xe];
	v3 =	vadd.s32 v1, v3  }
0xe3: {  	[hbm4b:s6+s3] =	stream.indirect_vreg.scatter [tilespmem:s19], [sflag:$0x7], $0x80, v4, vm0, $0x2000b8;
	[tilespmem:$0x18200] =	vst v63  }
0xe4: {  	s19 =	rddreg [dreg:$0xf]  }
0xe5: {  	[hbm4b:s8+s3] =	stream.indirect_vreg.scatter [tilespmem:s19], [sflag:$0x7], $0x80, v4, vm1, $0x2000b8;
	[tilespmem:$0x18200] =	vst v63  }
0xe6: {  	s19 =	rddreg [dreg:$0x10]  }
0xe7: {  	[hbm4b:s6+s3] =	stream.indirect_vreg.scatter [tilespmem:s19], [sflag:$0x7], $0x80, v3, vm0, $0x2000b8;
	[tilespmem:$0x18200] =	vst v63  }
0xe8: {  	s19 =	rddreg [dreg:$0x11]  }
0xe9: {  	[hbm4b:s8+s3] =	stream.indirect_vreg.scatter [tilespmem:s19], [sflag:$0x7], $0x80, v3, vm1, $0x2000b8;
	[tilespmem:$0x18200] =	vst v63  }
0xea: {  	v3 =	vld [tilespmem:s29+$0x18120];
	_ =	sdelay $0x4  }
0xeb: {  	v58 =	vshrl.u32 v3, $0x3  }
0xec: {  	v4 =	vmul.u32 $0x18, v58  }
0xed: {  	v3 =	vand.u32 $0x7, v3  }
0xee: {  	v3 =	vor.u32 v3, v4  }
0xef: {  	v4 =	vperm.xlane v3, v0;
	_ =	sdelay $0x1  }
0xf0: {  	v4 =	vadd.s32 v1, v4;
	_ =	sdelay $0x1  }
0xf1: {  	v3 =	vperm.xlane v3, v2;
	_ =	sdelay $0x1  }
0xf2: {  	s19 =	rddreg [dreg:$0x12];
	v3 =	vadd.s32 v1, v3  }
0xf3: {  	[hbm4b:s6+s3] =	stream.indirect_vreg.scatter [tilespmem:s19], [sflag:$0x7], $0x80, v4, vm0, $0x2000b8;
	[tilespmem:$0x18200] =	vst v63  }
0xf4: {  	s19 =	rddreg [dreg:$0x13]  }
0xf5: {  	[hbm4b:s8+s3] =	stream.indirect_vreg.scatter [tilespmem:s19], [sflag:$0x7], $0x80, v4, vm1, $0x2000b8;
	[tilespmem:$0x18200] =	vst v63  }
0xf6: {  	s19 =	rddreg [dreg:$0x14]  }
0xf7: {  	[hbm4b:s6+s3] =	stream.indirect_vreg.scatter [tilespmem:s19], [sflag:$0x7], $0x80, v3, vm0, $0x2000b8;
	[tilespmem:$0x18200] =	vst v63  }
0xf8: {  	_ = 	snop  }
0xf9: {  	[hbm4b:s8+s3] =	stream.indirect_vreg.scatter [tilespmem:s31], [sflag:$0x7], $0x80, v3, vm1, $0x2000b8;
	[tilespmem:$0x18200] =	vst v63  }
0xfa: {  	v3 =	vld [tilespmem:s29+$0x18130];
	_ =	sdelay $0x4  }
0xfb: {  	v59 =	vshrl.u32 v3, $0x3  }
0xfc: {  	v4 =	vmul.u32 $0x18, v59  }
0xfd: {  	v3 =	vand.u32 $0x7, v3  }
0xfe: {  	v3 =	vor.u32 v3, v4  }
0xff: {  	v4 =	vperm.xlane v3, v0;
	_ =	sdelay $0x1  }
0x100: {  	v4 =	vadd.s32 v1, v4;
	_ =	sdelay $0x1  }
0x101: {  	v3 =	vperm.xlane v3, v2;
	_ =	sdelay $0x1  }
0x102: {  	s31 =	rddreg [dreg:$0x15];
	v3 =	vadd.s32 v1, v3  }
0x103: {  	[hbm4b:s6+s3] =	stream.indirect_vreg.scatter [tilespmem:s31], [sflag:$0x7], $0x80, v4, vm0, $0x2000b8;
	[tilespmem:$0x18200] =	vst v63  }
0x104: {  	_ = 	snop  }
0x105: {  	[hbm4b:s8+s3] =	stream.indirect_vreg.scatter [tilespmem:s21], [sflag:$0x7], $0x80, v4, vm1, $0x2000b8;
	[tilespmem:$0x18200] =	vst v63  }
0x106: {  	_ = 	snop  }
0x107: {  	[hbm4b:s6+s3] =	stream.indirect_vreg.scatter [tilespmem:s1], [sflag:$0x7], $0x80, v3, vm0, $0x2000b8;
	[tilespmem:$0x18200] =	vst v63  }
0x108: {  	_ = 	snop  }
0x109: {  	[hbm4b:s8+s3] =	stream.indirect_vreg.scatter [tilespmem:s2], [sflag:$0x7], $0x80, v3, vm1, $0x2000b8;
	[tilespmem:$0x18200] =	vst v63  }
0x10a: {  	v3 =	vld [tilespmem:s29+$0x18140];
	_ =	sdelay $0x4  }
0x10b: {  	v60 =	vshrl.u32 v3, $0x3  }
0x10c: {  	v4 =	vmul.u32 $0x18, v60  }
0x10d: {  	v3 =	vand.u32 $0x7, v3  }
0x10e: {  	v3 =	vor.u32 v3, v4  }
0x10f: {  	v4 =	vperm.xlane v3, v0;
	_ =	sdelay $0x1  }
0x110: {  	v4 =	vadd.s32 v1, v4;
	_ =	sdelay $0x1  }
0x111: {  	v3 =	vperm.xlane v3, v2;
	_ =	sdelay $0x1  }
0x112: {  	v3 =	vadd.s32 v1, v3  }
0x113: {  	[hbm4b:s6+s3] =	stream.indirect_vreg.scatter [tilespmem:s5], [sflag:$0x7], $0x80, v4, vm0, $0x2000b8;
	[tilespmem:$0x18200] =	vst v63  }
0x114: {  	_ = 	snop  }
0x115: {  	[hbm4b:s8+s3] =	stream.indirect_vreg.scatter [tilespmem:s7], [sflag:$0x7], $0x80, v4, vm1, $0x2000b8;
	[tilespmem:$0x18200] =	vst v63  }
0x116: {  	_ = 	snop  }
0x117: {  	[hbm4b:s6+s3] =	stream.indirect_vreg.scatter [tilespmem:s9], [sflag:$0x7], $0x80, v3, vm0, $0x2000b8;
	[tilespmem:$0x18200] =	vst v63  }
0x118: {  	_ = 	snop  }
0x119: {  	[hbm4b:s8+s3] =	stream.indirect_vreg.scatter [tilespmem:s17], [sflag:$0x7], $0x80, v3, vm1, $0x2000b8;
	[tilespmem:$0x18200] =	vst v63  }
0x11a: {  	v3 =	vld [tilespmem:s29+$0x18150];
	_ =	sdelay $0x4  }
0x11b: {  	v61 =	vshrl.u32 v3, $0x3  }
0x11c: {  	v4 =	vmul.u32 $0x18, v61  }
0x11d: {  	v3 =	vand.u32 $0x7, v3  }
0x11e: {  	v3 =	vor.u32 v3, v4  }
0x11f: {  	v4 =	vperm.xlane v3, v0;
	_ =	sdelay $0x1  }
0x120: {  	v4 =	vadd.s32 v1, v4;
	_ =	sdelay $0x1  }
0x121: {  	v3 =	vperm.xlane v3, v2;
	_ =	sdelay $0x1  }
0x122: {  	v3 =	vadd.s32 v1, v3  }
0x123: {  	[hbm4b:s6+s3] =	stream.indirect_vreg.scatter [tilespmem:s18], [sflag:$0x7], $0x80, v4, vm0, $0x2000b8;
	[tilespmem:$0x18200] =	vst v63  }
0x124: {  	_ = 	snop  }
0x125: {  	[hbm4b:s8+s3] =	stream.indirect_vreg.scatter [tilespmem:s15], [sflag:$0x7], $0x80, v4, vm1, $0x2000b8;
	[tilespmem:$0x18200] =	vst v63  }
0x126: {  	_ = 	snop  }
0x127: {  	[hbm4b:s6+s3] =	stream.indirect_vreg.scatter [tilespmem:s20], [sflag:$0x7], $0x80, v3, vm0, $0x2000b8;
	[tilespmem:$0x18200] =	vst v63  }
0x128: {  	_ = 	snop  }
0x129: {  	[hbm4b:s8+s3] =	stream.indirect_vreg.scatter [tilespmem:s0], [sflag:$0x7], $0x80, v3, vm1, $0x2000b8;
	[tilespmem:$0x18200] =	vst v63  }
0x12a: {  	v3 =	vld [tilespmem:s29+$0x18160];
	_ =	sdelay $0x4  }
0x12b: {  	v62 =	vshrl.u32 v3, $0x3  }
0x12c: {  	v4 =	vmul.u32 $0x18, v62  }
0x12d: {  	v3 =	vand.u32 $0x7, v3  }
0x12e: {  	v3 =	vor.u32 v3, v4  }
0x12f: {  	v4 =	vperm.xlane v3, v0;
	_ =	sdelay $0x1  }
0x130: {  	v4 =	vadd.s32 v1, v4;
	_ =	sdelay $0x1  }
0x131: {  	v3 =	vperm.xlane v3, v2;
	_ =	sdelay $0x1  }
0x132: {  	v3 =	vadd.s32 v1, v3  }
0x133: {  	[hbm4b:s6+s3] =	stream.indirect_vreg.scatter [tilespmem:s12], [sflag:$0x7], $0x80, v4, vm0, $0x2000b8;
	[tilespmem:$0x18200] =	vst v63  }
0x134: {  	_ = 	snop  }
0x135: {  	[hbm4b:s8+s3] =	stream.indirect_vreg.scatter [tilespmem:s22], [sflag:$0x7], $0x80, v4, vm1, $0x2000b8;
	[tilespmem:$0x18200] =	vst v63  }
0x136: {  	_ = 	snop  }
0x137: {  	[hbm4b:s6+s3] =	stream.indirect_vreg.scatter [tilespmem:s23], [sflag:$0x7], $0x80, v3, vm0, $0x2000b8;
	[tilespmem:$0x18200] =	vst v63  }
0x138: {  	_ = 	snop  }
0x139: {  	[hbm4b:s8+s3] =	stream.indirect_vreg.scatter [tilespmem:s24], [sflag:$0x7], $0x80, v3, vm1, $0x2000b8;
	[tilespmem:$0x18200] =	vst v63  }
0x13a: {  	v3 =	vld [tilespmem:s29+$0x18170];
	_ =	sdelay $0x4  }
0x13b: {  	v63 =	vshrl.u32 v3, $0x3  }
0x13c: {  	v4 =	vmul.u32 $0x18, v63  }
0x13d: {  	v3 =	vand.u32 $0x7, v3  }
0x13e: {  	v3 =	vor.u32 v3, v4  }
0x13f: {  	v4 =	vperm.xlane v3, v0;
	_ =	sdelay $0x1  }
0x140: {  	v4 =	vadd.s32 v1, v4;
	_ =	sdelay $0x1  }
0x141: {  	s31 =	rddreg [dreg:$0x8];
	s2 =	simm.s32 @!p2 $0x1;
	v3 =	vperm.xlane v3, v2  }
0x142: {  	s21 =	rddreg [dreg:$0x7];
	s2 =	simm.s32 @p2 $0x0  }
0x143: {  	s2 =	simm.s32 @p1 $0x0;
	s29 =	rddreg [dreg:$0x6];
	v3 =	vadd.s32 v1, v3  }
0x144: {  	[hbm4b:s6+s3] =	stream.indirect_vreg.scatter [tilespmem:s25], [sflag:$0x7], $0x80, v4, vm0, $0x2000b8;
	[tilespmem:$0x18200] =	vst v63  }
0x145: {  	s1 =	rddreg [dreg:$0xa];
	s15 =	sadd.s32 s21, s2;
	p6 =	seq.s32 s29, s16  }
0x146: {  	[hbm4b:s8+s3] =	stream.indirect_vreg.scatter [tilespmem:s26], [sflag:$0x7], $0x80, v4, vm1, $0x2000b8;
	[tilespmem:$0x18200] =	vst v63  }
0x147: {  	s2 =	simm.s32 $0x1;
	s16 =	sadd.s32 $0x1, s16;
	p0 =	por p6, p0  }
0x148: {  	[hbm4b:s6+s3] =	stream.indirect_vreg.scatter [tilespmem:s28], [sflag:$0x7], $0x80, v3, vm0, $0x2000b8;
	[tilespmem:$0x18200] =	vst v63  }
0x149: {  	s0 =	sadd.s32 @!p2 $0x1, s1;
	s2 =	simm.s32 @!p0 $0x0;
	p0 =	sne.s32 s16, $0x2  }
0x14a: {  	[hbm4b:s8+s3] =	stream.indirect_vreg.scatter [tilespmem:s13], [sflag:$0x7], $0x80, v3, vm1, $0x2000b8;
	[tilespmem:$0x18200] =	vst v63  }
.Ltmp1:
0x14b: {  	s5 =	rddreg [dreg:$0x9];
	s0 =	smov.u32 @p2 s1;
	(pc) =	sbr.rel @p0 .LBB2_2-.Ltmp1, $4  }
0x14c: {  	s0 =	smov.u32 @p1 s1;
	s1 =	sadd.s32 @!p2 $0x1, s5;
	_ =	swait.ge [sflag:s4], $0xC000  }
0x14d: {  	s1 =	smov.u32 @p2 s5;
	[sflag:s4] =	ssyncset.done $0x0  }
0x14e: {  	s1 =	smov.u32 @p1 s5;
	s14 =	sadd.s32 s2, s14;
	[sflag:s4] =	ssyncadd.s32 $0xFFFF4000  }
0x14f: {  	s30 =	sadd.s32 s2, s30;
	s13 =	sadd.s32 s2, s31;
	_ =	strace $0x9000004F  }
.LBB2_3:
0x150: {  	_ =	sfence.sel $0x180000  }
0x151: {  	[bflag:$0x0] =	sbarrier.arrive $0xFFFF  }
0x152: {  	_ =	strace $0x90000047  }
0x153: {  	s0 =	stileid.u32;
	[bflag:$0x2] =	sbarrier.arrive $0xFFFF  }
0x154: {  	p0 =	sne.s32 s0, $0x0;
	s0 =	rddreg [dreg:$0x3]  }
0x155: {  	s0 =	sadd.s32 @!p0 $0x100000, s0  }
0x156: {  	[sflag:s0] =	ssyncadd.tile.s32 @!p0 $0x1;
	_ =	shalt  }
.Lfunc_end2:
_tile_overlayer_lowered:
.L_overlay_start_2:
0x157: {  	(tag) =	ssettag $0x2  }
0x158: {  	s0 =	rddreg [dreg:$0x0];
	s2 =	stileid.u32  }
0x159: {  	s1 =	rddreg [dreg:$0x1];
	p0 =	sne.s32 s2, $0x0  }
0x15a: {  	s3 =	rddreg [dreg:$0x2];
	[bflag:$0x3] =	sbarrier.arrive $0xFFFF;
	s2 =	simm.s32 @!p0 $0x1C01  }
0x15b: {  	[timem:s3], [sflag:s2] =	dma.local @!p0 [hbm:s0], s1  }
0x15c: {  	s0 =	simm.s32 @!p0 $0x1  }
0x15d: {  	_ =	swait.ge @!p0 [sflag:s0], s1  }
0x15e: {  	s1 =	ssub.s32 @!p0 $0x0, s1;
	[sflag:s0] =	ssyncset.done @!p0 $0x0  }
0x15f: {  	[sflag:s0] =	ssyncadd.s32 @!p0 s1  }
0x160: {  	[bflag:$0x3] =	sbarrier.arrive $0xFFFF  }
0x161: {  	_ =	shalt  }

</sc_bundles>
